<compile_context>
chip_gen: v7x
topology: tpu7x:2x2x1
jax: 0.10.2.dev20260603
libtpu: 0.0.44.dev20260713+nightly
codegen_flags: <defaults>
</compile_context>

<pallas_src>
import functools

import jax
import jax.numpy as jnp
from jax import lax
from jax.experimental import pallas as pl
from jax.experimental.pallas import tpu as pltpu
from jax.experimental.pallas import tpu_sc as plsc

NC = 2
NS = 16
NW = NC * NS
L = 16
ND = 4


def _prep_kernel(h, w, params_ref, tbl_ref, x1_ref, x2_ref, qa_ref, lin_ref):
    blk = tbl_ref[...]
    lo = lax.bitcast_convert_type(blk.astype(jnp.bfloat16), jnp.uint16)
    col0_up = jnp.concatenate([lo[1:, :1], lo[:1, :1]], axis=0)
    hi = jnp.concatenate([lo[:, 1:], col0_up], axis=1)
    qa_ref[...] = lax.bitcast_convert_type(
        lo.astype(jnp.uint32) | (hi.astype(jnp.uint32) << 16), jnp.int32)

    sy = params_ref[0]
    sx = params_ref[1]
    oy = params_ref[2]
    ox = params_ref[3]
    qy = jnp.maximum(x1_ref[...] * sy + oy, 0.0)
    qx = jnp.maximum(x2_ref[...] * sx + ox, 0.0)
    fy = jnp.minimum(qy.astype(jnp.int32), h - 2)
    fx = jnp.minimum(qx.astype(jnp.int32), w - 2)
    lin_ref[...] = fy * w + fx


def _prep(h, w, params, t128, x1r, x2r):
    g = 8
    tr = t128.shape[0] // g
    xr = x1r.shape[0] // g
    xspec = pl.BlockSpec((xr, 128), lambda i: (i, 0))
    return pl.pallas_call(
        functools.partial(_prep_kernel, h, w),
        out_shape=(jax.ShapeDtypeStruct(t128.shape, jnp.int32),
                   jax.ShapeDtypeStruct((x1r.shape[0], 128), jnp.int32)),
        grid=(g,),
        in_specs=[pl.BlockSpec(memory_space=pltpu.SMEM),
                  pl.BlockSpec((tr, 128), lambda i: (i, 0)),
                  xspec, xspec],
        out_specs=(pl.BlockSpec((tr, 128), lambda i: (i, 0)), xspec),
    )(params, t128, x1r, x2r)


def _make_sc_gather(n, w):
    per_w = n // NW
    t = 2048
    nb = per_w // t
    mesh = plsc.VectorSubcoreMesh(core_axis_name="c", subcore_axis_name="s")

    ring = lambda shp, dt: [pltpu.VMEM(shp, dt) for _ in range(ND)]

    @functools.partial(
        pl.kernel,
        mesh=mesh,
        out_type=(jax.ShapeDtypeStruct((n,), jnp.int32),
                  jax.ShapeDtypeStruct((n,), jnp.int32)),
        scratch_types=(
            [pltpu.VMEM((per_w,), jnp.int32)]
            + ring((2 * t,), jnp.int32) + ring((2 * t,), jnp.int32)
            + [pltpu.SemaphoreType.DMA] * ND
        ),
    )
    def kern(lin_hbm, qa_hbm, v1_hbm, v2_hbm, lin_v, *sc):
        idxs, valss = sc[0:ND], sc[ND:2 * ND]
        sems = sc[2 * ND:3 * ND]

        cid = lax.axis_index("c")
        sid = lax.axis_index("s")
        wid = sid * NC + cid
        base_w = wid * per_w

        def build_idx(b, p):
            idx_v = idxs[p]
            base = b * t

            def body(j, carry):
                s = j * L
                v = lin_v[pl.ds(base + s, L)]
                idx_v[pl.ds(s, L)] = v
                idx_v[pl.ds(t + s, L)] = v + w
                return carry

            lax.fori_loop(0, t // L, body, 0, unroll=8)

        def start_gather(p):
            return pltpu.async_copy(qa_hbm.at[idxs[p]], valss[p], sems[p])

        def store_vals(b, p):
            off = base_w + b * t
            pltpu.sync_copy(valss[p].at[pl.ds(0, t)], v1_hbm.at[pl.ds(off, t)])
            pltpu.sync_copy(valss[p].at[pl.ds(t, t)], v2_hbm.at[pl.ds(off, t)])

        with jax.named_scope("load_lin"):
            pltpu.sync_copy(lin_hbm.at[pl.ds(base_w, per_w)], lin_v)

        handles = {}
        for b in range(nb):
            p = b % ND
            if b >= ND:
                with jax.named_scope("gather_wait"):
                    handles[b - ND].wait()
                with jax.named_scope("store_vals"):
                    store_vals(b - ND, p)
            with jax.named_scope("build_idx"):
                build_idx(b, p)
            handles[b] = start_gather(p)
        for b in range(nb - ND, nb):
            with jax.named_scope("gather_wait"):
                handles[b].wait()
            with jax.named_scope("store_vals"):
                store_vals(b, b % ND)

    return kern


def _combine_kernel(h, w, params_ref, x1_ref, x2_ref, v1_ref, v2_ref, out_ref):
    sy = params_ref[0]
    sx = params_ref[1]
    oy = params_ref[2]
    ox = params_ref[3]
    qy = jnp.maximum(x1_ref[...] * sy + oy, 0.0)
    qx = jnp.maximum(x2_ref[...] * sx + ox, 0.0)
    fy = jnp.minimum(jnp.floor(qy), float(h - 2))
    fx = jnp.minimum(jnp.floor(qx), float(w - 2))
    ay = jnp.minimum(qy - fy, 1.0)
    ax = jnp.minimum(qx - fx, 1.0)
    v1 = v1_ref[...]
    v2 = v2_ref[...]
    himask = jnp.int32(-65536)
    tl = lax.bitcast_convert_type(v1 << 16, jnp.float32)
    tr = lax.bitcast_convert_type(v1 & himask, jnp.float32)
    bl = lax.bitcast_convert_type(v2 << 16, jnp.float32)
    br = lax.bitcast_convert_type(v2 & himask, jnp.float32)
    top = ax * (tr - tl) + tl
    bot = ax * (br - bl) + bl
    out_ref[...] = ay * (bot - top) + top


def _combine(h, w, params, x1r, x2r, v1r, v2r):
    rows = x1r.shape[0]
    blk = 1024
    spec = pl.BlockSpec((blk, 128), lambda i: (i, 0))
    return pl.pallas_call(
        functools.partial(_combine_kernel, h, w),
        out_shape=jax.ShapeDtypeStruct((rows, 128), jnp.float32),
        grid=(rows // blk,),
        in_specs=[pl.BlockSpec(memory_space=pltpu.SMEM),
                  spec, spec, spec, spec],
        out_specs=spec,
    )(params, x1r, x2r, v1r, v2r)


def kernel(inputs, grid, bounds):
    n = inputs.shape[0]
    _, h, w, _ = grid.shape
    scale = (jnp.array([h, w], jnp.float32) - 1.0) / (bounds[1] - bounds[0])
    off = -bounds[0] * scale
    params = jnp.concatenate([scale, off]).astype(jnp.float32)
    rows = n // 128
    x1r = inputs[:, 0].reshape(rows, 128)
    x2r = inputs[:, 1].reshape(rows, 128)
    qa, lin = _prep(h, w, params, grid.reshape(h * w // 128, 128), x1r, x2r)
    v1, v2 = _make_sc_gather(n, w)(lin.reshape(-1), qa.reshape(-1))
    out = _combine(h, w, params, x1r, x2r,
                   v1.reshape(rows, 128), v2.reshape(rows, 128))
    return out.reshape(n, 1)

# --- scband reference (transcript-rebuilt; emitter-appended) ---
"""Pipeline reference for scband-table-interpolation-31095563223772 (READ-ONLY COPY).

The authoritative reference and input builder live on the scoring server;
editing this copy changes nothing except your own understanding.
"""

import jax, jax.numpy as jnp
import numpy as np

TABLE_SHAPE = (1, 2048, 2048, 1)
N = 524288


def setup_inputs(seed: int = 0) -> dict:
    key = jax.random.key(seed)
    k1, k2 = jax.random.split(key)
    inputs = jax.random.uniform(k1, (N, 2), dtype=jnp.float32)
    grid = jax.random.normal(k2, TABLE_SHAPE, dtype=jnp.float32)
    # bounds[0] = lower (x1_min, x2_min), bounds[1] = upper (x1_max, x2_max)
    bounds = jnp.array([[0.0, 0.0], [1.0, 1.0]], dtype=jnp.float32)
    return {"inputs": inputs, "grid": grid, "bounds": bounds}


def _interpolate_bilinear(grid, query_points):
    # grid: [1, H, W, C]; query_points: [1, N, 2] with 'ij' indexing (dim0 -> height)
    batch, H, W, C = grid.shape
    n = query_points.shape[1]
    alphas = []
    floors = []
    ceils = []
    for dim, size in zip((0, 1), (H, W)):
        q = query_points[..., dim]
        max_floor = float(size - 2)
        floor_f = jnp.clip(jnp.floor(q), 0.0, max_floor)
        int_floor = floor_f.astype(jnp.int32)
        floors.append(int_floor)
        ceils.append(int_floor + 1)
        alpha = jnp.clip(q - floor_f, 0.0, 1.0)
        alphas.append(alpha[..., None])  # [1, N, 1]
    flat = grid.reshape(batch * H * W, C)

    def gather(y_idx, x_idx):
        lin = (y_idx * W + x_idx).reshape(-1)  # batch == 1
        return jnp.take(flat, lin, axis=0).reshape(batch, n, C)

    top_left = gather(floors[0], floors[1])
    top_right = gather(floors[0], ceils[1])
    bottom_left = gather(ceils[0], floors[1])
    bottom_right = gather(ceils[0], ceils[1])
    interp_top = alphas[1] * (top_right - top_left) + top_left
    interp_bottom = alphas[1] * (bottom_right - bottom_left) + bottom_left
    return alphas[0] * (interp_bottom - interp_top) + interp_top


def reference(inputs, grid, bounds):
    # queryPoints_ind = (grid.shape[1:3] - 1) * (inputs - bounds[0]) / (bounds[1] - bounds[0])
    hw = jnp.asarray(grid.shape[1:3], dtype=inputs.dtype)
    q = (hw - 1.0) * (inputs - bounds[0]) / (bounds[1] - bounds[0])
    q = q[None, ...]  # expand_dims(queryPoints_ind, 0) since rank(inputs) == 2
    out = _interpolate_bilinear(grid, q)  # [1, N, 1]
    # reshape to (N, 1) since rank(inputs) == 2
    return out.reshape(out.shape[1], out.shape[2])

if __name__ == "__main__":
    import jax
    _d = setup_inputs()
    print(jax.jit(kernel)(*tuple(_d.values())))

</pallas_src>

<mosaic_0001>
#map = affine_map<(d0, d1) -> (0)>
module attributes {stable_mosaic.version = 14 : i64} {
  func.func @kern(%arg0: i32, %arg1: i32, %arg2: memref<524288xi32, #tpu.memory_space<hbm>>, %arg3: memref<4194304xi32, #tpu.memory_space<hbm>>, %arg4: memref<524288xi32, #tpu.memory_space<hbm>>, %arg5: memref<524288xi32, #tpu.memory_space<hbm>>, %arg6: memref<16384xi32, #tpu.memory_space<vmem>>, %arg7: memref<4096xi32, #tpu.memory_space<vmem>>, %arg8: memref<4096xi32, #tpu.memory_space<vmem>>, %arg9: memref<4096xi32, #tpu.memory_space<vmem>>, %arg10: memref<4096xi32, #tpu.memory_space<vmem>>, %arg11: memref<4096xi32, #tpu.memory_space<vmem>>, %arg12: memref<4096xi32, #tpu.memory_space<vmem>>, %arg13: memref<4096xi32, #tpu.memory_space<vmem>>, %arg14: memref<4096xi32, #tpu.memory_space<vmem>>, %arg15: memref<!tpu.dma_semaphore, #tpu.memory_space<semaphore_mem>>, %arg16: memref<!tpu.dma_semaphore, #tpu.memory_space<semaphore_mem>>, %arg17: memref<!tpu.dma_semaphore, #tpu.memory_space<semaphore_mem>>, %arg18: memref<!tpu.dma_semaphore, #tpu.memory_space<semaphore_mem>>) attributes {dimension_semantics = [#tpu.dimension_semantics<core_parallel>, #tpu.dimension_semantics<subcore_parallel>], iteration_bounds = array<i64: 2, 16>, scalar_prefetch = 0 : i64, scratch_operands = 13 : i64, tpu.core_type = #tpu.core_type<sc_vector_subcore>, window_params = [{transform_indices = #map}, {transform_indices = #map}, {transform_indices = #map}, {transform_indices = #map}]} {
    %mul3A = arith.constant 2 : i32
    %mul3A_0 = arith.muli %arg1, %mul3A : i32
    %add3A = arith.addi %mul3A_0, %arg0 : i32
    %mul3A_1 = arith.constant 16384 : i32
    %mul3A_2 = arith.muli %add3A, %mul3A_1 : i32
    "tpu.trace_start"() <{level = 10 : i32, message = "load_lin"}> : () -> ()
    "tpu.region"() ({
      %run_scoped3A = tpu.sem_alloc : memref<!tpu.dma_semaphore, #tpu.memory_space<semaphore_mem>>
      %dma_start3A_96 = tpu.memref_slice %arg2[%mul3A_2] : memref<524288xi32, #tpu.memory_space<hbm>> -> memref<16384xi32, #tpu.memory_space<hbm>>
      %dma_start3A_97 = tpu.memref_slice %arg2[%mul3A_2] : memref<524288xi32, #tpu.memory_space<hbm>> -> memref<16384xi32, #tpu.memory_space<hbm>>
      tpu.enqueue_dma source(%dma_start3A_97 : memref<16384xi32, #tpu.memory_space<hbm>>) target(%arg6 : memref<16384xi32, #tpu.memory_space<vmem>>) target_semaphore(%run_scoped3A : memref<!tpu.dma_semaphore, #tpu.memory_space<semaphore_mem>>)
      %dma_wait3A_98 = tpu.memref_slice %arg2[%mul3A_2] : memref<524288xi32, #tpu.memory_space<hbm>> -> memref<16384xi32, #tpu.memory_space<hbm>>
      %dma_wait3A_99 = tpu.memref_slice %arg2[%mul3A_2] : memref<524288xi32, #tpu.memory_space<hbm>> -> memref<16384xi32, #tpu.memory_space<hbm>>
      tpu.wait_dma2 semaphore(%run_scoped3A : memref<!tpu.dma_semaphore, #tpu.memory_space<semaphore_mem>>) src(%dma_wait3A_99 : memref<16384xi32, #tpu.memory_space<hbm>>) dst(%arg6 : memref<16384xi32, #tpu.memory_space<vmem>>)
      tpu.yield
    }) : () -> ()
    "tpu.trace_stop"() : () -> ()
    "tpu.trace_start"() <{level = 10 : i32, message = "build_idx"}> : () -> ()
    %scan3A = arith.constant 0 : i32
    %scan3A_3 = arith.constant 0 : i32
    %scan3A_4 = arith.constant 128 : i32
    %scan3A_5 = arith.addi %scan3A_3, %scan3A_4 : i32
    %scan3A_6 = arith.constant 8 : i32
    scf.for %scan3A_96 = %scan3A_3 to %scan3A_5 step %scan3A_6  : i32 {
      %mul3A_97 = arith.constant 16 : i32
      %mul3A_98 = arith.muli %scan3A_96, %mul3A_97 : i32
      %add3A_99 = arith.constant 0 : i32
      %add3A_100 = arith.addi %add3A_99, %mul3A_98 : i32
      %get3A = arith.index_cast %add3A_100 : i32 to index
      %get3A_101 = tpu.vector_load %arg6[%get3A] {strides = array<i32>} : memref<16384xi32, #tpu.memory_space<vmem>>, vector<16xi32>,
      %get3A_102 = vector.shape_cast %get3A_101 : vector<16xi32> to vector<16xi32>
      %swap3A = arith.index_cast %mul3A_98 : i32 to index
      %swap3A_103 = tpu.vector_load %arg7[%swap3A] {strides = array<i32>} : memref<4096xi32, #tpu.memory_space<vmem>>, vector<16xi32>,
      %swap3A_104 = vector.shape_cast %swap3A_103 : vector<16xi32> to vector<16xi32>
      %swap3A_105 = vector.shape_cast %get3A_102 : vector<16xi32> to vector<16xi32>
      tpu.vector_store %arg7[%swap3A], %swap3A_105 {strides = array<i32>} : memref<4096xi32, #tpu.memory_space<vmem>>, vector<16xi32>,
      %add3A_106 = arith.constant 2048 : i32
      %add3A_107 = vector.broadcast %add3A_106 : i32 to vector<16xi32>
      %add3A_108 = arith.addi %get3A_102, %add3A_107 : vector<16xi32>
      %add3A_109 = arith.constant 2048 : i32
      %add3A_110 = arith.addi %add3A_109, %mul3A_98 : i32
      %swap3A_111 = arith.index_cast %add3A_110 : i32 to index
      %swap3A_112 = tpu.vector_load %arg7[%swap3A_111] {strides = array<i32>} : memref<4096xi32, #tpu.memory_space<vmem>>, vector<16xi32>,
      %swap3A_113 = vector.shape_cast %swap3A_112 : vector<16xi32> to vector<16xi32>
      %swap3A_114 = vector.shape_cast %add3A_108 : vector<16xi32> to vector<16xi32>
      tpu.vector_store %arg7[%swap3A_111], %swap3A_114 {strides = array<i32>} : memref<4096xi32, #tpu.memory_space<vmem>>, vector<16xi32>,
      %scan3A_115 = arith.constant 1 : i32
      %scan3A_116 = arith.addi %scan3A_96, %scan3A_115 : i32
      %mul3A_117 = arith.constant 16 : i32
      %mul3A_118 = arith.muli %scan3A_116, %mul3A_117 : i32
      %add3A_119 = arith.constant 0 : i32
      %add3A_120 = arith.addi %add3A_119, %mul3A_118 : i32
      %get3A_121 = arith.index_cast %add3A_120 : i32 to index
      %get3A_122 = tpu.vector_load %arg6[%get3A_121] {strides = array<i32>} : memref<16384xi32, #tpu.memory_space<vmem>>, vector<16xi32>,
      %get3A_123 = vector.shape_cast %get3A_122 : vector<16xi32> to vector<16xi32>
      %swap3A_124 = arith.index_cast %mul3A_118 : i32 to index
      %swap3A_125 = tpu.vector_load %arg7[%swap3A_124] {strides = array<i32>} : memref<4096xi32, #tpu.memory_space<vmem>>, vector<16xi32>,
      %swap3A_126 = vector.shape_cast %swap3A_125 : vector<16xi32> to vector<16xi32>
      %swap3A_127 = vector.shape_cast %get3A_123 : vector<16xi32> to vector<16xi32>
      tpu.vector_store %arg7[%swap3A_124], %swap3A_127 {strides = array<i32>} : memref<4096xi32, #tpu.memory_space<vmem>>, vector<16xi32>,
      %add3A_128 = arith.constant 2048 : i32
      %add3A_129 = vector.broadcast %add3A_128 : i32 to vector<16xi32>
      %add3A_130 = arith.addi %get3A_123, %add3A_129 : vector<16xi32>
      %add3A_131 = arith.constant 2048 : i32
      %add3A_132 = arith.addi %add3A_131, %mul3A_118 : i32
      %swap3A_133 = arith.index_cast %add3A_132 : i32 to index
      %swap3A_134 = tpu.vector_load %arg7[%swap3A_133] {strides = array<i32>} : memref<4096xi32, #tpu.memory_space<vmem>>, vector<16xi32>,
      %swap3A_135 = vector.shape_cast %swap3A_134 : vector<16xi32> to vector<16xi32>
      %swap3A_136 = vector.shape_cast %add3A_130 : vector<16xi32> to vector<16xi32>
      tpu.vector_store %arg7[%swap3A_133], %swap3A_136 {strides = array<i32>} : memref<4096xi32, #tpu.memory_space<vmem>>, vector<16xi32>,
      %scan3A_137 = arith.constant 2 : i32
      %scan3A_138 = arith.addi %scan3A_96, %scan3A_137 : i32
      %mul3A_139 = arith.constant 16 : i32
      %mul3A_140 = arith.muli %scan3A_138, %mul3A_139 : i32
      %add3A_141 = arith.constant 0 : i32
      %add3A_142 = arith.addi %add3A_141, %mul3A_140 : i32
      %get3A_143 = arith.index_cast %add3A_142 : i32 to index
      %get3A_144 = tpu.vector_load %arg6[%get3A_143] {strides = array<i32>} : memref<16384xi32, #tpu.memory_space<vmem>>, vector<16xi32>,
      %get3A_145 = vector.shape_cast %get3A_144 : vector<16xi32> to vector<16xi32>
      %swap3A_146 = arith.index_cast %mul3A_140 : i32 to index
      %swap3A_147 = tpu.vector_load %arg7[%swap3A_146] {strides = array<i32>} : memref<4096xi32, #tpu.memory_space<vmem>>, vector<16xi32>,
      %swap3A_148 = vector.shape_cast %swap3A_147 : vector<16xi32> to vector<16xi32>
      %swap3A_149 = vector.shape_cast %get3A_145 : vector<16xi32> to vector<16xi32>
      tpu.vector_store %arg7[%swap3A_146], %swap3A_149 {strides = array<i32>} : memref<4096xi32, #tpu.memory_space<vmem>>, vector<16xi32>,
      %add3A_150 = arith.constant 2048 : i32
      %add3A_151 = vector.broadcast %add3A_150 : i32 to vector<16xi32>
      %add3A_152 = arith.addi %get3A_145, %add3A_151 : vector<16xi32>
      %add3A_153 = arith.constant 2048 : i32
      %add3A_154 = arith.addi %add3A_153, %mul3A_140 : i32
      %swap3A_155 = arith.index_cast %add3A_154 : i32 to index
      %swap3A_156 = tpu.vector_load %arg7[%swap3A_155] {strides = array<i32>} : memref<4096xi32, #tpu.memory_space<vmem>>, vector<16xi32>,
      %swap3A_157 = vector.shape_cast %swap3A_156 : vector<16xi32> to vector<16xi32>
      %swap3A_158 = vector.shape_cast %add3A_152 : vector<16xi32> to vector<16xi32>
      tpu.vector_store %arg7[%swap3A_155], %swap3A_158 {strides = array<i32>} : memref<4096xi32, #tpu.memory_space<vmem>>, vector<16xi32>,
      %scan3A_159 = arith.constant 3 : i32
      %scan3A_160 = arith.addi %scan3A_96, %scan3A_159 : i32
      %mul3A_161 = arith.constant 16 : i32
      %mul3A_162 = arith.muli %scan3A_160, %mul3A_161 : i32
      %add3A_163 = arith.constant 0 : i32
      %add3A_164 = arith.addi %add3A_163, %mul3A_162 : i32
      %get3A_165 = arith.index_cast %add3A_164 : i32 to index
      %get3A_166 = tpu.vector_load %arg6[%get3A_165] {strides = array<i32>} : memref<16384xi32, #tpu.memory_space<vmem>>, vector<16xi32>,
      %get3A_167 = vector.shape_cast %get3A_166 : vector<16xi32> to vector<16xi32>
      %swap3A_168 = arith.index_cast %mul3A_162 : i32 to index
      %swap3A_169 = tpu.vector_load %arg7[%swap3A_168] {strides = array<i32>} : memref<4096xi32, #tpu.memory_space<vmem>>, vector<16xi32>,
      %swap3A_170 = vector.shape_cast %swap3A_169 : vector<16xi32> to vector<16xi32>
      %swap3A_171 = vector.shape_cast %get3A_167 : vector<16xi32> to vector<16xi32>
      tpu.vector_store %arg7[%swap3A_168], %swap3A_171 {strides = array<i32>} : memref<4096xi32, #tpu.memory_space<vmem>>, vector<16xi32>,
      %add3A_172 = arith.constant 2048 : i32
      %add3A_173 = vector.broadcast %add3A_172 : i32 to vector<16xi32>
      %add3A_174 = arith.addi %get3A_167, %add3A_173 : vector<16xi32>
      %add3A_175 = arith.constant 2048 : i32
      %add3A_176 = arith.addi %add3A_175, %mul3A_162 : i32
      %swap3A_177 = arith.index_cast %add3A_176 : i32 to index
      %swap3A_178 = tpu.vector_load %arg7[%swap3A_177] {strides = array<i32>} : memref<4096xi32, #tpu.memory_space<vmem>>, vector<16xi32>,
      %swap3A_179 = vector.shape_cast %swap3A_178 : vector<16xi32> to vector<16xi32>
      %swap3A_180 = vector.shape_cast %add3A_174 : vector<16xi32> to vector<16xi32>
      tpu.vector_store %arg7[%swap3A_177], %swap3A_180 {strides = array<i32>} : memref<4096xi32, #tpu.memory_space<vmem>>, vector<16xi32>,
      %scan3A_181 = arith.constant 4 : i32
      %scan3A_182 = arith.addi %scan3A_96, %scan3A_181 : i32
      %mul3A_183 = arith.constant 16 : i32
      %mul3A_184 = arith.muli %scan3A_182, %mul3A_183 : i32
      %add3A_185 = arith.constant 0 : i32
      %add3A_186 = arith.addi %add3A_185, %mul3A_184 : i32
      %get3A_187 = arith.index_cast %add3A_186 : i32 to index
      %get3A_188 = tpu.vector_load %arg6[%get3A_187] {strides = array<i32>} : memref<16384xi32, #tpu.memory_space<vmem>>, vector<16xi32>,
      %get3A_189 = vector.shape_cast %get3A_188 : vector<16xi32> to vector<16xi32>
      %swap3A_190 = arith.index_cast %mul3A_184 : i32 to index
      %swap3A_191 = tpu.vector_load %arg7[%swap3A_190] {strides = array<i32>} : memref<4096xi32, #tpu.memory_space<vmem>>, vector<16xi32>,
      %swap3A_192 = vector.shape_cast %swap3A_191 : vector<16xi32> to vector<16xi32>
      %swap3A_193 = vector.shape_cast %get3A_189 : vector<16xi32> to vector<16xi32>
      tpu.vector_store %arg7[%swap3A_190], %swap3A_193 {strides = array<i32>} : memref<4096xi32, #tpu.memory_space<vmem>>, vector<16xi32>,
      %add3A_194 = arith.constant 2048 : i32
      %add3A_195 = vector.broadcast %add3A_194 : i32 to vector<16xi32>
      %add3A_196 = arith.addi %get3A_189, %add3A_195 : vector<16xi32>
      %add3A_197 = arith.constant 2048 : i32
      %add3A_198 = arith.addi %add3A_197, %mul3A_184 : i32
      %swap3A_199 = arith.index_cast %add3A_198 : i32 to index
      %swap3A_200 = tpu.vector_load %arg7[%swap3A_199] {strides = array<i32>} : memref<4096xi32, #tpu.memory_space<vmem>>, vector<16xi32>,
      %swap3A_201 = vector.shape_cast %swap3A_200 : vector<16xi32> to vector<16xi32>
      %swap3A_202 = vector.shape_cast %add3A_196 : vector<16xi32> to vector<16xi32>
      tpu.vector_store %arg7[%swap3A_199], %swap3A_202 {strides = array<i32>} : memref<4096xi32, #tpu.memory_space<vmem>>, vector<16xi32>,
      %scan3A_203 = arith.constant 5 : i32
      %scan3A_204 = arith.addi %scan3A_96, %scan3A_203 : i32
      %mul3A_205 = arith.constant 16 : i32
      %mul3A_206 = arith.muli %scan3A_204, %mul3A_205 : i32
      %add3A_207 = arith.constant 0 : i32
      %add3A_208 = arith.addi %add3A_207, %mul3A_206 : i32
      %get3A_209 = arith.index_cast %add3A_208 : i32 to index
      %get3A_210 = tpu.vector_load %arg6[%get3A_209] {strides = array<i32>} : memref<16384xi32, #tpu.memory_space<vmem>>, vector<16xi32>,
      %get3A_211 = vector.shape_cast %get3A_210 : vector<16xi32> to vector<16xi32>
      %swap3A_212 = arith.index_cast %mul3A_206 : i32 to index
      %swap3A_213 = tpu.vector_load %arg7[%swap3A_212] {strides = array<i32>} : memref<4096xi32, #tpu.memory_space<vmem>>, vector<16xi32>,
      %swap3A_214 = vector.shape_cast %swap3A_213 : vector<16xi32> to vector<16xi32>
      %swap3A_215 = vector.shape_cast %get3A_211 : vector<16xi32> to vector<16xi32>
      tpu.vector_store %arg7[%swap3A_212], %swap3A_215 {strides = array<i32>} : memref<4096xi32, #tpu.memory_space<vmem>>, vector<16xi32>,
      %add3A_216 = arith.constant 2048 : i32
      %add3A_217 = vector.broadcast %add3A_216 : i32 to vector<16xi32>
      %add3A_218 = arith.addi %get3A_211, %add3A_217 : vector<16xi32>
      %add3A_219 = arith.constant 2048 : i32
      %add3A_220 = arith.addi %add3A_219, %mul3A_206 : i32
      %swap3A_221 = arith.index_cast %add3A_220 : i32 to index
      %swap3A_222 = tpu.vector_load %arg7[%swap3A_221] {strides = array<i32>} : memref<4096xi32, #tpu.memory_space<vmem>>, vector<16xi32>,
      %swap3A_223 = vector.shape_cast %swap3A_222 : vector<16xi32> to vector<16xi32>
      %swap3A_224 = vector.shape_cast %add3A_218 : vector<16xi32> to vector<16xi32>
      tpu.vector_store %arg7[%swap3A_221], %swap3A_224 {strides = array<i32>} : memref<4096xi32, #tpu.memory_space<vmem>>, vector<16xi32>,
      %scan3A_225 = arith.constant 6 : i32
      %scan3A_226 = arith.addi %scan3A_96, %scan3A_225 : i32
      %mul3A_227 = arith.constant 16 : i32
      %mul3A_228 = arith.muli %scan3A_226, %mul3A_227 : i32
      %add3A_229 = arith.constant 0 : i32
      %add3A_230 = arith.addi %add3A_229, %mul3A_228 : i32
      %get3A_231 = arith.index_cast %add3A_230 : i32 to index
      %get3A_232 = tpu.vector_load %arg6[%get3A_231] {strides = array<i32>} : memref<16384xi32, #tpu.memory_space<vmem>>, vector<16xi32>,
      %get3A_233 = vector.shape_cast %get3A_232 : vector<16xi32> to vector<16xi32>
      %swap3A_234 = arith.index_cast %mul3A_228 : i32 to index
      %swap3A_235 = tpu.vector_load %arg7[%swap3A_234] {strides = array<i32>} : memref<4096xi32, #tpu.memory_space<vmem>>, vector<16xi32>,
      %swap3A_236 = vector.shape_cast %swap3A_235 : vector<16xi32> to vector<16xi32>
      %swap3A_237 = vector.shape_cast %get3A_233 : vector<16xi32> to vector<16xi32>
      tpu.vector_store %arg7[%swap3A_234], %swap3A_237 {strides = array<i32>} : memref<4096xi32, #tpu.memory_space<vmem>>, vector<16xi32>,
      %add3A_238 = arith.constant 2048 : i32
      %add3A_239 = vector.broadcast %add3A_238 : i32 to vector<16xi32>
      %add3A_240 = arith.addi %get3A_233, %add3A_239 : vector<16xi32>
      %add3A_241 = arith.constant 2048 : i32
      %add3A_242 = arith.addi %add3A_241, %mul3A_228 : i32
      %swap3A_243 = arith.index_cast %add3A_242 : i32 to index
      %swap3A_244 = tpu.vector_load %arg7[%swap3A_243] {strides = array<i32>} : memref<4096xi32, #tpu.memory_space<vmem>>, vector<16xi32>,
      %swap3A_245 = vector.shape_cast %swap3A_244 : vector<16xi32> to vector<16xi32>
      %swap3A_246 = vector.shape_cast %add3A_240 : vector<16xi32> to vector<16xi32>
      tpu.vector_store %arg7[%swap3A_243], %swap3A_246 {strides = array<i32>} : memref<4096xi32, #tpu.memory_space<vmem>>, vector<16xi32>,
      %scan3A_247 = arith.constant 7 : i32
      %scan3A_248 = arith.addi %scan3A_96, %scan3A_247 : i32
      %mul3A_249 = arith.constant 16 : i32
      %mul3A_250 = arith.muli %scan3A_248, %mul3A_249 : i32
      %add3A_251 = arith.constant 0 : i32
      %add3A_252 = arith.addi %add3A_251, %mul3A_250 : i32
      %get3A_253 = arith.index_cast %add3A_252 : i32 to index
      %get3A_254 = tpu.vector_load %arg6[%get3A_253] {strides = array<i32>} : memref<16384xi32, #tpu.memory_space<vmem>>, vector<16xi32>,
      %get3A_255 = vector.shape_cast %get3A_254 : vector<16xi32> to vector<16xi32>
      %swap3A_256 = arith.index_cast %mul3A_250 : i32 to index
      %swap3A_257 = tpu.vector_load %arg7[%swap3A_256] {strides = array<i32>} : memref<4096xi32, #tpu.memory_space<vmem>>, vector<16xi32>,
      %swap3A_258 = vector.shape_cast %swap3A_257 : vector<16xi32> to vector<16xi32>
      %swap3A_259 = vector.shape_cast %get3A_255 : vector<16xi32> to vector<16xi32>
      tpu.vector_store %arg7[%swap3A_256], %swap3A_259 {strides = array<i32>} : memref<4096xi32, #tpu.memory_space<vmem>>, vector<16xi32>,
      %add3A_260 = arith.constant 2048 : i32
      %add3A_261 = vector.broadcast %add3A_260 : i32 to vector<16xi32>
      %add3A_262 = arith.addi %get3A_255, %add3A_261 : vector<16xi32>
      %add3A_263 = arith.constant 2048 : i32
      %add3A_264 = arith.addi %add3A_263, %mul3A_250 : i32
      %swap3A_265 = arith.index_cast %add3A_264 : i32 to index
      %swap3A_266 = tpu.vector_load %arg7[%swap3A_265] {strides = array<i32>} : memref<4096xi32, #tpu.memory_space<vmem>>, vector<16xi32>,
      %swap3A_267 = vector.shape_cast %swap3A_266 : vector<16xi32> to vector<16xi32>
      %swap3A_268 = vector.shape_cast %add3A_262 : vector<16xi32> to vector<16xi32>
      tpu.vector_store %arg7[%swap3A_265], %swap3A_268 {strides = array<i32>} : memref<4096xi32, #tpu.memory_space<vmem>>, vector<16xi32>,
    }
    %scan3A_7 = arith.constant 128 : i32
    "tpu.trace_stop"() : () -> ()
    %dma_start3A = arith.constant 0 : i32
    %dma_start3A_8 = tpu.memref_slice %arg3[%dma_start3A] : memref<4194304xi32, #tpu.memory_space<hbm>> -> memref<4194304xi32, #tpu.memory_space<hbm>>
    tpu.enqueue_indirect_dma source(%dma_start3A_8 : memref<4194304xi32, #tpu.memory_space<hbm>>) target(%arg11 : memref<4096xi32, #tpu.memory_space<vmem>>) offsets(%arg7 : memref<4096xi32, #tpu.memory_space<vmem>>) semaphore(%arg15 : memref<!tpu.dma_semaphore, #tpu.memory_space<semaphore_mem>>)
    "tpu.trace_start"() <{level = 10 : i32, message = "build_idx"}> : () -> ()
    %scan3A_9 = arith.constant 0 : i32
    %scan3A_10 = arith.constant 0 : i32
    %scan3A_11 = arith.constant 128 : i32
    %scan3A_12 = arith.addi %scan3A_10, %scan3A_11 : i32
    %scan3A_13 = arith.constant 8 : i32
    scf.for %scan3A_96 = %scan3A_10 to %scan3A_12 step %scan3A_13  : i32 {
      %mul3A_97 = arith.constant 16 : i32
      %mul3A_98 = arith.muli %scan3A_96, %mul3A_97 : i32
      %add3A_99 = arith.constant 2048 : i32
      %add3A_100 = arith.addi %add3A_99, %mul3A_98 : i32
      %get3A = arith.index_cast %add3A_100 : i32 to index
      %get3A_101 = tpu.vector_load %arg6[%get3A] {strides = array<i32>} : memref<16384xi32, #tpu.memory_space<vmem>>, vector<16xi32>,
      %get3A_102 = vector.shape_cast %get3A_101 : vector<16xi32> to vector<16xi32>
      %swap3A = arith.index_cast %mul3A_98 : i32 to index
      %swap3A_103 = tpu.vector_load %arg8[%swap3A] {strides = array<i32>} : memref<4096xi32, #tpu.memory_space<vmem>>, vector<16xi32>,
      %swap3A_104 = vector.shape_cast %swap3A_103 : vector<16xi32> to vector<16xi32>
      %swap3A_105 = vector.shape_cast %get3A_102 : vector<16xi32> to vector<16xi32>
      tpu.vector_store %arg8[%swap3A], %swap3A_105 {strides = array<i32>} : memref<4096xi32, #tpu.memory_space<vmem>>, vector<16xi32>,
      %add3A_106 = arith.constant 2048 : i32
      %add3A_107 = vector.broadcast %add3A_106 : i32 to vector<16xi32>
      %add3A_108 = arith.addi %get3A_102, %add3A_107 : vector<16xi32>
      %add3A_109 = arith.constant 2048 : i32
      %add3A_110 = arith.addi %add3A_109, %mul3A_98 : i32
      %swap3A_111 = arith.index_cast %add3A_110 : i32 to index
      %swap3A_112 = tpu.vector_load %arg8[%swap3A_111] {strides = array<i32>} : memref<4096xi32, #tpu.memory_space<vmem>>, vector<16xi32>,
      %swap3A_113 = vector.shape_cast %swap3A_112 : vector<16xi32> to vector<16xi32>
      %swap3A_114 = vector.shape_cast %add3A_108 : vector<16xi32> to vector<16xi32>
      tpu.vector_store %arg8[%swap3A_111], %swap3A_114 {strides = array<i32>} : memref<4096xi32, #tpu.memory_space<vmem>>, vector<16xi32>,
      %scan3A_115 = arith.constant 1 : i32
      %scan3A_116 = arith.addi %scan3A_96, %scan3A_115 : i32
      %mul3A_117 = arith.constant 16 : i32
      %mul3A_118 = arith.muli %scan3A_116, %mul3A_117 : i32
      %add3A_119 = arith.constant 2048 : i32
      %add3A_120 = arith.addi %add3A_119, %mul3A_118 : i32
      %get3A_121 = arith.index_cast %add3A_120 : i32 to index
      %get3A_122 = tpu.vector_load %arg6[%get3A_121] {strides = array<i32>} : memref<16384xi32, #tpu.memory_space<vmem>>, vector<16xi32>,
      %get3A_123 = vector.shape_cast %get3A_122 : vector<16xi32> to vector<16xi32>
      %swap3A_124 = arith.index_cast %mul3A_118 : i32 to index
      %swap3A_125 = tpu.vector_load %arg8[%swap3A_124] {strides = array<i32>} : memref<4096xi32, #tpu.memory_space<vmem>>, vector<16xi32>,
      %swap3A_126 = vector.shape_cast %swap3A_125 : vector<16xi32> to vector<16xi32>
      %swap3A_127 = vector.shape_cast %get3A_123 : vector<16xi32> to vector<16xi32>
      tpu.vector_store %arg8[%swap3A_124], %swap3A_127 {strides = array<i32>} : memref<4096xi32, #tpu.memory_space<vmem>>, vector<16xi32>,
      %add3A_128 = arith.constant 2048 : i32
      %add3A_129 = vector.broadcast %add3A_128 : i32 to vector<16xi32>
      %add3A_130 = arith.addi %get3A_123, %add3A_129 : vector<16xi32>
      %add3A_131 = arith.constant 2048 : i32
      %add3A_132 = arith.addi %add3A_131, %mul3A_118 : i32
      %swap3A_133 = arith.index_cast %add3A_132 : i32 to index
      %swap3A_134 = tpu.vector_load %arg8[%swap3A_133] {strides = array<i32>} : memref<4096xi32, #tpu.memory_space<vmem>>, vector<16xi32>,
      %swap3A_135 = vector.shape_cast %swap3A_134 : vector<16xi32> to vector<16xi32>
      %swap3A_136 = vector.shape_cast %add3A_130 : vector<16xi32> to vector<16xi32>
      tpu.vector_store %arg8[%swap3A_133], %swap3A_136 {strides = array<i32>} : memref<4096xi32, #tpu.memory_space<vmem>>, vector<16xi32>,
      %scan3A_137 = arith.constant 2 : i32
      %scan3A_138 = arith.addi %scan3A_96, %scan3A_137 : i32
      %mul3A_139 = arith.constant 16 : i32
      %mul3A_140 = arith.muli %scan3A_138, %mul3A_139 : i32
      %add3A_141 = arith.constant 2048 : i32
      %add3A_142 = arith.addi %add3A_141, %mul3A_140 : i32
      %get3A_143 = arith.index_cast %add3A_142 : i32 to index
      %get3A_144 = tpu.vector_load %arg6[%get3A_143] {strides = array<i32>} : memref<16384xi32, #tpu.memory_space<vmem>>, vector<16xi32>,
      %get3A_145 = vector.shape_cast %get3A_144 : vector<16xi32> to vector<16xi32>
      %swap3A_146 = arith.index_cast %mul3A_140 : i32 to index
      %swap3A_147 = tpu.vector_load %arg8[%swap3A_146] {strides = array<i32>} : memref<4096xi32, #tpu.memory_space<vmem>>, vector<16xi32>,
      %swap3A_148 = vector.shape_cast %swap3A_147 : vector<16xi32> to vector<16xi32>
      %swap3A_149 = vector.shape_cast %get3A_145 : vector<16xi32> to vector<16xi32>
      tpu.vector_store %arg8[%swap3A_146], %swap3A_149 {strides = array<i32>} : memref<4096xi32, #tpu.memory_space<vmem>>, vector<16xi32>,
      %add3A_150 = arith.constant 2048 : i32
      %add3A_151 = vector.broadcast %add3A_150 : i32 to vector<16xi32>
      %add3A_152 = arith.addi %get3A_145, %add3A_151 : vector<16xi32>
      %add3A_153 = arith.constant 2048 : i32
      %add3A_154 = arith.addi %add3A_153, %mul3A_140 : i32
      %swap3A_155 = arith.index_cast %add3A_154 : i32 to index
      %swap3A_156 = tpu.vector_load %arg8[%swap3A_155] {strides = array<i32>} : memref<4096xi32, #tpu.memory_space<vmem>>, vector<16xi32>,
      %swap3A_157 = vector.shape_cast %swap3A_156 : vector<16xi32> to vector<16xi32>
      %swap3A_158 = vector.shape_cast %add3A_152 : vector<16xi32> to vector<16xi32>
      tpu.vector_store %arg8[%swap3A_155], %swap3A_158 {strides = array<i32>} : memref<4096xi32, #tpu.memory_space<vmem>>, vector<16xi32>,
      %scan3A_159 = arith.constant 3 : i32
      %scan3A_160 = arith.addi %scan3A_96, %scan3A_159 : i32
      %mul3A_161 = arith.constant 16 : i32
      %mul3A_162 = arith.muli %scan3A_160, %mul3A_161 : i32
      %add3A_163 = arith.constant 2048 : i32
      %add3A_164 = arith.addi %add3A_163, %mul3A_162 : i32
      %get3A_165 = arith.index_cast %add3A_164 : i32 to index
      %get3A_166 = tpu.vector_load %arg6[%get3A_165] {strides = array<i32>} : memref<16384xi32, #tpu.memory_space<vmem>>, vector<16xi32>,
      %get3A_167 = vector.shape_cast %get3A_166 : vector<16xi32> to vector<16xi32>
      %swap3A_168 = arith.index_cast %mul3A_162 : i32 to index
      %swap3A_169 = tpu.vector_load %arg8[%swap3A_168] {strides = array<i32>} : memref<4096xi32, #tpu.memory_space<vmem>>, vector<16xi32>,
      %swap3A_170 = vector.shape_cast %swap3A_169 : vector<16xi32> to vector<16xi32>
      %swap3A_171 = vector.shape_cast %get3A_167 : vector<16xi32> to vector<16xi32>
      tpu.vector_store %arg8[%swap3A_168], %swap3A_171 {strides = array<i32>} : memref<4096xi32, #tpu.memory_space<vmem>>, vector<16xi32>,
      %add3A_172 = arith.constant 2048 : i32
      %add3A_173 = vector.broadcast %add3A_172 : i32 to vector<16xi32>
      %add3A_174 = arith.addi %get3A_167, %add3A_173 : vector<16xi32>
      %add3A_175 = arith.constant 2048 : i32
      %add3A_176 = arith.addi %add3A_175, %mul3A_162 : i32
      %swap3A_177 = arith.index_cast %add3A_176 : i32 to index
      %swap3A_178 = tpu.vector_load %arg8[%swap3A_177] {strides = array<i32>} : memref<4096xi32, #tpu.memory_space<vmem>>, vector<16xi32>,
      %swap3A_179 = vector.shape_cast %swap3A_178 : vector<16xi32> to vector<16xi32>
      %swap3A_180 = vector.shape_cast %add3A_174 : vector<16xi32> to vector<16xi32>
      tpu.vector_store %arg8[%swap3A_177], %swap3A_180 {strides = array<i32>} : memref<4096xi32, #tpu.memory_space<vmem>>, vector<16xi32>,
      %scan3A_181 = arith.constant 4 : i32
      %scan3A_182 = arith.addi %scan3A_96, %scan3A_181 : i32
      %mul3A_183 = arith.constant 16 : i32
      %mul3A_184 = arith.muli %scan3A_182, %mul3A_183 : i32
      %add3A_185 = arith.constant 2048 : i32
      %add3A_186 = arith.addi %add3A_185, %mul3A_184 : i32
      %get3A_187 = arith.index_cast %add3A_186 : i32 to index
      %get3A_188 = tpu.vector_load %arg6[%get3A_187] {strides = array<i32>} : memref<16384xi32, #tpu.memory_space<vmem>>, vector<16xi32>,
      %get3A_189 = vector.shape_cast %get3A_188 : vector<16xi32> to vector<16xi32>
      %swap3A_190 = arith.index_cast %mul3A_184 : i32 to index
      %swap3A_191 = tpu.vector_load %arg8[%swap3A_190] {strides = array<i32>} : memref<4096xi32, #tpu.memory_space<vmem>>, vector<16xi32>,
      %swap3A_192 = vector.shape_cast %swap3A_191 : vector<16xi32> to vector<16xi32>
      %swap3A_193 = vector.shape_cast %get3A_189 : vector<16xi32> to vector<16xi32>
      tpu.vector_store %arg8[%swap3A_190], %swap3A_193 {strides = array<i32>} : memref<4096xi32, #tpu.memory_space<vmem>>, vector<16xi32>,
      %add3A_194 = arith.constant 2048 : i32
      %add3A_195 = vector.broadcast %add3A_194 : i32 to vector<16xi32>
      %add3A_196 = arith.addi %get3A_189, %add3A_195 : vector<16xi32>
      %add3A_197 = arith.constant 2048 : i32
      %add3A_198 = arith.addi %add3A_197, %mul3A_184 : i32
      %swap3A_199 = arith.index_cast %add3A_198 : i32 to index
      %swap3A_200 = tpu.vector_load %arg8[%swap3A_199] {strides = array<i32>} : memref<4096xi32, #tpu.memory_space<vmem>>, vector<16xi32>,
      %swap3A_201 = vector.shape_cast %swap3A_200 : vector<16xi32> to vector<16xi32>
      %swap3A_202 = vector.shape_cast %add3A_196 : vector<16xi32> to vector<16xi32>
      tpu.vector_store %arg8[%swap3A_199], %swap3A_202 {strides = array<i32>} : memref<4096xi32, #tpu.memory_space<vmem>>, vector<16xi32>,
      %scan3A_203 = arith.constant 5 : i32
      %scan3A_204 = arith.addi %scan3A_96, %scan3A_203 : i32
      %mul3A_205 = arith.constant 16 : i32
      %mul3A_206 = arith.muli %scan3A_204, %mul3A_205 : i32
      %add3A_207 = arith.constant 2048 : i32
      %add3A_208 = arith.addi %add3A_207, %mul3A_206 : i32
      %get3A_209 = arith.index_cast %add3A_208 : i32 to index
      %get3A_210 = tpu.vector_load %arg6[%get3A_209] {strides = array<i32>} : memref<16384xi32, #tpu.memory_space<vmem>>, vector<16xi32>,
      %get3A_211 = vector.shape_cast %get3A_210 : vector<16xi32> to vector<16xi32>
      %swap3A_212 = arith.index_cast %mul3A_206 : i32 to index
      %swap3A_213 = tpu.vector_load %arg8[%swap3A_212] {strides = array<i32>} : memref<4096xi32, #tpu.memory_space<vmem>>, vector<16xi32>,
      %swap3A_214 = vector.shape_cast %swap3A_213 : vector<16xi32> to vector<16xi32>
      %swap3A_215 = vector.shape_cast %get3A_211 : vector<16xi32> to vector<16xi32>
      tpu.vector_store %arg8[%swap3A_212], %swap3A_215 {strides = array<i32>} : memref<4096xi32, #tpu.memory_space<vmem>>, vector<16xi32>,
      %add3A_216 = arith.constant 2048 : i32
      %add3A_217 = vector.broadcast %add3A_216 : i32 to vector<16xi32>
      %add3A_218 = arith.addi %get3A_211, %add3A_217 : vector<16xi32>
      %add3A_219 = arith.constant 2048 : i32
      %add3A_220 = arith.addi %add3A_219, %mul3A_206 : i32
      %swap3A_221 = arith.index_cast %add3A_220 : i32 to index
      %swap3A_222 = tpu.vector_load %arg8[%swap3A_221] {strides = array<i32>} : memref<4096xi32, #tpu.memory_space<vmem>>, vector<16xi32>,
      %swap3A_223 = vector.shape_cast %swap3A_222 : vector<16xi32> to vector<16xi32>
      %swap3A_224 = vector.shape_cast %add3A_218 : vector<16xi32> to vector<16xi32>
      tpu.vector_store %arg8[%swap3A_221], %swap3A_224 {strides = array<i32>} : memref<4096xi32, #tpu.memory_space<vmem>>, vector<16xi32>,
      %scan3A_225 = arith.constant 6 : i32
      %scan3A_226 = arith.addi %scan3A_96, %scan3A_225 : i32
      %mul3A_227 = arith.constant 16 : i32
      %mul3A_228 = arith.muli %scan3A_226, %mul3A_227 : i32
      %add3A_229 = arith.constant 2048 : i32
      %add3A_230 = arith.addi %add3A_229, %mul3A_228 : i32
      %get3A_231 = arith.index_cast %add3A_230 : i32 to index
      %get3A_232 = tpu.vector_load %arg6[%get3A_231] {strides = array<i32>} : memref<16384xi32, #tpu.memory_space<vmem>>, vector<16xi32>,
      %get3A_233 = vector.shape_cast %get3A_232 : vector<16xi32> to vector<16xi32>
      %swap3A_234 = arith.index_cast %mul3A_228 : i32 to index
      %swap3A_235 = tpu.vector_load %arg8[%swap3A_234] {strides = array<i32>} : memref<4096xi32, #tpu.memory_space<vmem>>, vector<16xi32>,
      %swap3A_236 = vector.shape_cast %swap3A_235 : vector<16xi32> to vector<16xi32>
      %swap3A_237 = vector.shape_cast %get3A_233 : vector<16xi32> to vector<16xi32>
      tpu.vector_store %arg8[%swap3A_234], %swap3A_237 {strides = array<i32>} : memref<4096xi32, #tpu.memory_space<vmem>>, vector<16xi32>,
      %add3A_238 = arith.constant 2048 : i32
      %add3A_239 = vector.broadcast %add3A_238 : i32 to vector<16xi32>
      %add3A_240 = arith.addi %get3A_233, %add3A_239 : vector<16xi32>
      %add3A_241 = arith.constant 2048 : i32
      %add3A_242 = arith.addi %add3A_241, %mul3A_228 : i32
      %swap3A_243 = arith.index_cast %add3A_242 : i32 to index
      %swap3A_244 = tpu.vector_load %arg8[%swap3A_243] {strides = array<i32>} : memref<4096xi32, #tpu.memory_space<vmem>>, vector<16xi32>,
      %swap3A_245 = vector.shape_cast %swap3A_244 : vector<16xi32> to vector<16xi32>
      %swap3A_246 = vector.shape_cast %add3A_240 : vector<16xi32> to vector<16xi32>
      tpu.vector_store %arg8[%swap3A_243], %swap3A_246 {strides = array<i32>} : memref<4096xi32, #tpu.memory_space<vmem>>, vector<16xi32>,
      %scan3A_247 = arith.constant 7 : i32
      %scan3A_248 = arith.addi %scan3A_96, %scan3A_247 : i32
      %mul3A_249 = arith.constant 16 : i32
      %mul3A_250 = arith.muli %scan3A_248, %mul3A_249 : i32
      %add3A_251 = arith.constant 2048 : i32
      %add3A_252 = arith.addi %add3A_251, %mul3A_250 : i32
      %get3A_253 = arith.index_cast %add3A_252 : i32 to index
      %get3A_254 = tpu.vector_load %arg6[%get3A_253] {strides = array<i32>} : memref<16384xi32, #tpu.memory_space<vmem>>, vector<16xi32>,
      %get3A_255 = vector.shape_cast %get3A_254 : vector<16xi32> to vector<16xi32>
      %swap3A_256 = arith.index_cast %mul3A_250 : i32 to index
      %swap3A_257 = tpu.vector_load %arg8[%swap3A_256] {strides = array<i32>} : memref<4096xi32, #tpu.memory_space<vmem>>, vector<16xi32>,
      %swap3A_258 = vector.shape_cast %swap3A_257 : vector<16xi32> to vector<16xi32>
      %swap3A_259 = vector.shape_cast %get3A_255 : vector<16xi32> to vector<16xi32>
      tpu.vector_store %arg8[%swap3A_256], %swap3A_259 {strides = array<i32>} : memref<4096xi32, #tpu.memory_space<vmem>>, vector<16xi32>,
      %add3A_260 = arith.constant 2048 : i32
      %add3A_261 = vector.broadcast %add3A_260 : i32 to vector<16xi32>
      %add3A_262 = arith.addi %get3A_255, %add3A_261 : vector<16xi32>
      %add3A_263 = arith.constant 2048 : i32
      %add3A_264 = arith.addi %add3A_263, %mul3A_250 : i32
      %swap3A_265 = arith.index_cast %add3A_264 : i32 to index
      %swap3A_266 = tpu.vector_load %arg8[%swap3A_265] {strides = array<i32>} : memref<4096xi32, #tpu.memory_space<vmem>>, vector<16xi32>,
      %swap3A_267 = vector.shape_cast %swap3A_266 : vector<16xi32> to vector<16xi32>
      %swap3A_268 = vector.shape_cast %add3A_262 : vector<16xi32> to vector<16xi32>
      tpu.vector_store %arg8[%swap3A_265], %swap3A_268 {strides = array<i32>} : memref<4096xi32, #tpu.memory_space<vmem>>, vector<16xi32>,
    }
    %scan3A_14 = arith.constant 128 : i32
    "tpu.trace_stop"() : () -> ()
    %dma_start3A_15 = arith.constant 0 : i32
    %dma_start3A_16 = tpu.memref_slice %arg3[%dma_start3A_15] : memref<4194304xi32, #tpu.memory_space<hbm>> -> memref<4194304xi32, #tpu.memory_space<hbm>>
    tpu.enqueue_indirect_dma source(%dma_start3A_16 : memref<4194304xi32, #tpu.memory_space<hbm>>) target(%arg12 : memref<4096xi32, #tpu.memory_space<vmem>>) offsets(%arg8 : memref<4096xi32, #tpu.memory_space<vmem>>) semaphore(%arg16 : memref<!tpu.dma_semaphore, #tpu.memory_space<semaphore_mem>>)
    "tpu.trace_start"() <{level = 10 : i32, message = "build_idx"}> : () -> ()
    %scan3A_17 = arith.constant 0 : i32
    %scan3A_18 = arith.constant 0 : i32
    %scan3A_19 = arith.constant 128 : i32
    %scan3A_20 = arith.addi %scan3A_18, %scan3A_19 : i32
    %scan3A_21 = arith.constant 8 : i32
    scf.for %scan3A_96 = %scan3A_18 to %scan3A_20 step %scan3A_21  : i32 {
      %mul3A_97 = arith.constant 16 : i32
      %mul3A_98 = arith.muli %scan3A_96, %mul3A_97 : i32
      %add3A_99 = arith.constant 4096 : i32
      %add3A_100 = arith.addi %add3A_99, %mul3A_98 : i32
      %get3A = arith.index_cast %add3A_100 : i32 to index
      %get3A_101 = tpu.vector_load %arg6[%get3A] {strides = array<i32>} : memref<16384xi32, #tpu.memory_space<vmem>>, vector<16xi32>,
      %get3A_102 = vector.shape_cast %get3A_101 : vector<16xi32> to vector<16xi32>
      %swap3A = arith.index_cast %mul3A_98 : i32 to index
      %swap3A_103 = tpu.vector_load %arg9[%swap3A] {strides = array<i32>} : memref<4096xi32, #tpu.memory_space<vmem>>, vector<16xi32>,
      %swap3A_104 = vector.shape_cast %swap3A_103 : vector<16xi32> to vector<16xi32>
      %swap3A_105 = vector.shape_cast %get3A_102 : vector<16xi32> to vector<16xi32>
      tpu.vector_store %arg9[%swap3A], %swap3A_105 {strides = array<i32>} : memref<4096xi32, #tpu.memory_space<vmem>>, vector<16xi32>,
      %add3A_106 = arith.constant 2048 : i32
      %add3A_107 = vector.broadcast %add3A_106 : i32 to vector<16xi32>
      %add3A_108 = arith.addi %get3A_102, %add3A_107 : vector<16xi32>
      %add3A_109 = arith.constant 2048 : i32
      %add3A_110 = arith.addi %add3A_109, %mul3A_98 : i32
      %swap3A_111 = arith.index_cast %add3A_110 : i32 to index
      %swap3A_112 = tpu.vector_load %arg9[%swap3A_111] {strides = array<i32>} : memref<4096xi32, #tpu.memory_space<vmem>>, vector<16xi32>,
      %swap3A_113 = vector.shape_cast %swap3A_112 : vector<16xi32> to vector<16xi32>
      %swap3A_114 = vector.shape_cast %add3A_108 : vector<16xi32> to vector<16xi32>
      tpu.vector_store %arg9[%swap3A_111], %swap3A_114 {strides = array<i32>} : memref<4096xi32, #tpu.memory_space<vmem>>, vector<16xi32>,
      %scan3A_115 = arith.constant 1 : i32
      %scan3A_116 = arith.addi %scan3A_96, %scan3A_115 : i32
      %mul3A_117 = arith.constant 16 : i32
      %mul3A_118 = arith.muli %scan3A_116, %mul3A_117 : i32
      %add3A_119 = arith.constant 4096 : i32
      %add3A_120 = arith.addi %add3A_119, %mul3A_118 : i32
      %get3A_121 = arith.index_cast %add3A_120 : i32 to index
      %get3A_122 = tpu.vector_load %arg6[%get3A_121] {strides = array<i32>} : memref<16384xi32, #tpu.memory_space<vmem>>, vector<16xi32>,
      %get3A_123 = vector.shape_cast %get3A_122 : vector<16xi32> to vector<16xi32>
      %swap3A_124 = arith.index_cast %mul3A_118 : i32 to index
      %swap3A_125 = tpu.vector_load %arg9[%swap3A_124] {strides = array<i32>} : memref<4096xi32, #tpu.memory_space<vmem>>, vector<16xi32>,
      %swap3A_126 = vector.shape_cast %swap3A_125 : vector<16xi32> to vector<16xi32>
      %swap3A_127 = vector.shape_cast %get3A_123 : vector<16xi32> to vector<16xi32>
      tpu.vector_store %arg9[%swap3A_124], %swap3A_127 {strides = array<i32>} : memref<4096xi32, #tpu.memory_space<vmem>>, vector<16xi32>,
      %add3A_128 = arith.constant 2048 : i32
      %add3A_129 = vector.broadcast %add3A_128 : i32 to vector<16xi32>
      %add3A_130 = arith.addi %get3A_123, %add3A_129 : vector<16xi32>
      %add3A_131 = arith.constant 2048 : i32
      %add3A_132 = arith.addi %add3A_131, %mul3A_118 : i32
      %swap3A_133 = arith.index_cast %add3A_132 : i32 to index
      %swap3A_134 = tpu.vector_load %arg9[%swap3A_133] {strides = array<i32>} : memref<4096xi32, #tpu.memory_space<vmem>>, vector<16xi32>,
      %swap3A_135 = vector.shape_cast %swap3A_134 : vector<16xi32> to vector<16xi32>
      %swap3A_136 = vector.shape_cast %add3A_130 : vector<16xi32> to vector<16xi32>
      tpu.vector_store %arg9[%swap3A_133], %swap3A_136 {strides = array<i32>} : memref<4096xi32, #tpu.memory_space<vmem>>, vector<16xi32>,
      %scan3A_137 = arith.constant 2 : i32
      %scan3A_138 = arith.addi %scan3A_96, %scan3A_137 : i32
      %mul3A_139 = arith.constant 16 : i32
      %mul3A_140 = arith.muli %scan3A_138, %mul3A_139 : i32
      %add3A_141 = arith.constant 4096 : i32
      %add3A_142 = arith.addi %add3A_141, %mul3A_140 : i32
      %get3A_143 = arith.index_cast %add3A_142 : i32 to index
      %get3A_144 = tpu.vector_load %arg6[%get3A_143] {strides = array<i32>} : memref<16384xi32, #tpu.memory_space<vmem>>, vector<16xi32>,
      %get3A_145 = vector.shape_cast %get3A_144 : vector<16xi32> to vector<16xi32>
      %swap3A_146 = arith.index_cast %mul3A_140 : i32 to index
      %swap3A_147 = tpu.vector_load %arg9[%swap3A_146] {strides = array<i32>} : memref<4096xi32, #tpu.memory_space<vmem>>, vector<16xi32>,
      %swap3A_148 = vector.shape_cast %swap3A_147 : vector<16xi32> to vector<16xi32>
      %swap3A_149 = vector.shape_cast %get3A_145 : vector<16xi32> to vector<16xi32>
      tpu.vector_store %arg9[%swap3A_146], %swap3A_149 {strides = array<i32>} : memref<4096xi32, #tpu.memory_space<vmem>>, vector<16xi32>,
      %add3A_150 = arith.constant 2048 : i32
      %add3A_151 = vector.broadcast %add3A_150 : i32 to vector<16xi32>
      %add3A_152 = arith.addi %get3A_145, %add3A_151 : vector<16xi32>
      %add3A_153 = arith.constant 2048 : i32
      %add3A_154 = arith.addi %add3A_153, %mul3A_140 : i32
      %swap3A_155 = arith.index_cast %add3A_154 : i32 to index
      %swap3A_156 = tpu.vector_load %arg9[%swap3A_155] {strides = array<i32>} : memref<4096xi32, #tpu.memory_space<vmem>>, vector<16xi32>,
      %swap3A_157 = vector.shape_cast %swap3A_156 : vector<16xi32> to vector<16xi32>
      %swap3A_158 = vector.shape_cast %add3A_152 : vector<16xi32> to vector<16xi32>
      tpu.vector_store %arg9[%swap3A_155], %swap3A_158 {strides = array<i32>} : memref<4096xi32, #tpu.memory_space<vmem>>, vector<16xi32>,
      %scan3A_159 = arith.constant 3 : i32
      %scan3A_160 = arith.addi %scan3A_96, %scan3A_159 : i32
      %mul3A_161 = arith.constant 16 : i32
      %mul3A_162 = arith.muli %scan3A_160, %mul3A_161 : i32
      %add3A_163 = arith.constant 4096 : i32
      %add3A_164 = arith.addi %add3A_163, %mul3A_162 : i32
      %get3A_165 = arith.index_cast %add3A_164 : i32 to index
      %get3A_166 = tpu.vector_load %arg6[%get3A_165] {strides = array<i32>} : memref<16384xi32, #tpu.memory_space<vmem>>, vector<16xi32>,
      %get3A_167 = vector.shape_cast %get3A_166 : vector<16xi32> to vector<16xi32>
      %swap3A_168 = arith.index_cast %mul3A_162 : i32 to index
      %swap3A_169 = tpu.vector_load %arg9[%swap3A_168] {strides = array<i32>} : memref<4096xi32, #tpu.memory_space<vmem>>, vector<16xi32>,
      %swap3A_170 = vector.shape_cast %swap3A_169 : vector<16xi32> to vector<16xi32>
      %swap3A_171 = vector.shape_cast %get3A_167 : vector<16xi32> to vector<16xi32>
      tpu.vector_store %arg9[%swap3A_168], %swap3A_171 {strides = array<i32>} : memref<4096xi32, #tpu.memory_space<vmem>>, vector<16xi32>,
      %add3A_172 = arith.constant 2048 : i32
      %add3A_173 = vector.broadcast %add3A_172 : i32 to vector<16xi32>
      %add3A_174 = arith.addi %get3A_167, %add3A_173 : vector<16xi32>
      %add3A_175 = arith.constant 2048 : i32
      %add3A_176 = arith.addi %add3A_175, %mul3A_162 : i32
      %swap3A_177 = arith.index_cast %add3A_176 : i32 to index
      %swap3A_178 = tpu.vector_load %arg9[%swap3A_177] {strides = array<i32>} : memref<4096xi32, #tpu.memory_space<vmem>>, vector<16xi32>,
      %swap3A_179 = vector.shape_cast %swap3A_178 : vector<16xi32> to vector<16xi32>
      %swap3A_180 = vector.shape_cast %add3A_174 : vector<16xi32> to vector<16xi32>
      tpu.vector_store %arg9[%swap3A_177], %swap3A_180 {strides = array<i32>} : memref<4096xi32, #tpu.memory_space<vmem>>, vector<16xi32>,
      %scan3A_181 = arith.constant 4 : i32
      %scan3A_182 = arith.addi %scan3A_96, %scan3A_181 : i32
      %mul3A_183 = arith.constant 16 : i32
      %mul3A_184 = arith.muli %scan3A_182, %mul3A_183 : i32
      %add3A_185 = arith.constant 4096 : i32
      %add3A_186 = arith.addi %add3A_185, %mul3A_184 : i32
      %get3A_187 = arith.index_cast %add3A_186 : i32 to index
      %get3A_188 = tpu.vector_load %arg6[%get3A_187] {strides = array<i32>} : memref<16384xi32, #tpu.memory_space<vmem>>, vector<16xi32>,
      %get3A_189 = vector.shape_cast %get3A_188 : vector<16xi32> to vector<16xi32>
      %swap3A_190 = arith.index_cast %mul3A_184 : i32 to index
      %swap3A_191 = tpu.vector_load %arg9[%swap3A_190] {strides = array<i32>} : memref<4096xi32, #tpu.memory_space<vmem>>, vector<16xi32>,
      %swap3A_192 = vector.shape_cast %swap3A_191 : vector<16xi32> to vector<16xi32>
      %swap3A_193 = vector.shape_cast %get3A_189 : vector<16xi32> to vector<16xi32>
      tpu.vector_store %arg9[%swap3A_190], %swap3A_193 {strides = array<i32>} : memref<4096xi32, #tpu.memory_space<vmem>>, vector<16xi32>,
      %add3A_194 = arith.constant 2048 : i32
      %add3A_195 = vector.broadcast %add3A_194 : i32 to vector<16xi32>
      %add3A_196 = arith.addi %get3A_189, %add3A_195 : vector<16xi32>
      %add3A_197 = arith.constant 2048 : i32
      %add3A_198 = arith.addi %add3A_197, %mul3A_184 : i32
      %swap3A_199 = arith.index_cast %add3A_198 : i32 to index
      %swap3A_200 = tpu.vector_load %arg9[%swap3A_199] {strides = array<i32>} : memref<4096xi32, #tpu.memory_space<vmem>>, vector<16xi32>,
      %swap3A_201 = vector.shape_cast %swap3A_200 : vector<16xi32> to vector<16xi32>
      %swap3A_202 = vector.shape_cast %add3A_196 : vector<16xi32> to vector<16xi32>
      tpu.vector_store %arg9[%swap3A_199], %swap3A_202 {strides = array<i32>} : memref<4096xi32, #tpu.memory_space<vmem>>, vector<16xi32>,
      %scan3A_203 = arith.constant 5 : i32
      %scan3A_204 = arith.addi %scan3A_96, %scan3A_203 : i32
      %mul3A_205 = arith.constant 16 : i32
      %mul3A_206 = arith.muli %scan3A_204, %mul3A_205 : i32
      %add3A_207 = arith.constant 4096 : i32
      %add3A_208 = arith.addi %add3A_207, %mul3A_206 : i32
      %get3A_209 = arith.index_cast %add3A_208 : i32 to index
      %get3A_210 = tpu.vector_load %arg6[%get3A_209] {strides = array<i32>} : memref<16384xi32, #tpu.memory_space<vmem>>, vector<16xi32>,
      %get3A_211 = vector.shape_cast %get3A_210 : vector<16xi32> to vector<16xi32>
      %swap3A_212 = arith.index_cast %mul3A_206 : i32 to index
      %swap3A_213 = tpu.vector_load %arg9[%swap3A_212] {strides = array<i32>} : memref<4096xi32, #tpu.memory_space<vmem>>, vector<16xi32>,
      %swap3A_214 = vector.shape_cast %swap3A_213 : vector<16xi32> to vector<16xi32>
      %swap3A_215 = vector.shape_cast %get3A_211 : vector<16xi32> to vector<16xi32>
      tpu.vector_store %arg9[%swap3A_212], %swap3A_215 {strides = array<i32>} : memref<4096xi32, #tpu.memory_space<vmem>>, vector<16xi32>,
      %add3A_216 = arith.constant 2048 : i32
      %add3A_217 = vector.broadcast %add3A_216 : i32 to vector<16xi32>
      %add3A_218 = arith.addi %get3A_211, %add3A_217 : vector<16xi32>
      %add3A_219 = arith.constant 2048 : i32
      %add3A_220 = arith.addi %add3A_219, %mul3A_206 : i32
      %swap3A_221 = arith.index_cast %add3A_220 : i32 to index
      %swap3A_222 = tpu.vector_load %arg9[%swap3A_221] {strides = array<i32>} : memref<4096xi32, #tpu.memory_space<vmem>>, vector<16xi32>,
      %swap3A_223 = vector.shape_cast %swap3A_222 : vector<16xi32> to vector<16xi32>
      %swap3A_224 = vector.shape_cast %add3A_218 : vector<16xi32> to vector<16xi32>
      tpu.vector_store %arg9[%swap3A_221], %swap3A_224 {strides = array<i32>} : memref<4096xi32, #tpu.memory_space<vmem>>, vector<16xi32>,
      %scan3A_225 = arith.constant 6 : i32
      %scan3A_226 = arith.addi %scan3A_96, %scan3A_225 : i32
      %mul3A_227 = arith.constant 16 : i32
      %mul3A_228 = arith.muli %scan3A_226, %mul3A_227 : i32
      %add3A_229 = arith.constant 4096 : i32
      %add3A_230 = arith.addi %add3A_229, %mul3A_228 : i32
      %get3A_231 = arith.index_cast %add3A_230 : i32 to index
      %get3A_232 = tpu.vector_load %arg6[%get3A_231] {strides = array<i32>} : memref<16384xi32, #tpu.memory_space<vmem>>, vector<16xi32>,
      %get3A_233 = vector.shape_cast %get3A_232 : vector<16xi32> to vector<16xi32>
      %swap3A_234 = arith.index_cast %mul3A_228 : i32 to index
      %swap3A_235 = tpu.vector_load %arg9[%swap3A_234] {strides = array<i32>} : memref<4096xi32, #tpu.memory_space<vmem>>, vector<16xi32>,
      %swap3A_236 = vector.shape_cast %swap3A_235 : vector<16xi32> to vector<16xi32>
      %swap3A_237 = vector.shape_cast %get3A_233 : vector<16xi32> to vector<16xi32>
      tpu.vector_store %arg9[%swap3A_234], %swap3A_237 {strides = array<i32>} : memref<4096xi32, #tpu.memory_space<vmem>>, vector<16xi32>,
      %add3A_238 = arith.constant 2048 : i32
      %add3A_239 = vector.broadcast %add3A_238 : i32 to vector<16xi32>
      %add3A_240 = arith.addi %get3A_233, %add3A_239 : vector<16xi32>
      %add3A_241 = arith.constant 2048 : i32
      %add3A_242 = arith.addi %add3A_241, %mul3A_228 : i32
      %swap3A_243 = arith.index_cast %add3A_242 : i32 to index
      %swap3A_244 = tpu.vector_load %arg9[%swap3A_243] {strides = array<i32>} : memref<4096xi32, #tpu.memory_space<vmem>>, vector<16xi32>,
      %swap3A_245 = vector.shape_cast %swap3A_244 : vector<16xi32> to vector<16xi32>
      %swap3A_246 = vector.shape_cast %add3A_240 : vector<16xi32> to vector<16xi32>
      tpu.vector_store %arg9[%swap3A_243], %swap3A_246 {strides = array<i32>} : memref<4096xi32, #tpu.memory_space<vmem>>, vector<16xi32>,
      %scan3A_247 = arith.constant 7 : i32
      %scan3A_248 = arith.addi %scan3A_96, %scan3A_247 : i32
      %mul3A_249 = arith.constant 16 : i32
      %mul3A_250 = arith.muli %scan3A_248, %mul3A_249 : i32
      %add3A_251 = arith.constant 4096 : i32
      %add3A_252 = arith.addi %add3A_251, %mul3A_250 : i32
      %get3A_253 = arith.index_cast %add3A_252 : i32 to index
      %get3A_254 = tpu.vector_load %arg6[%get3A_253] {strides = array<i32>} : memref<16384xi32, #tpu.memory_space<vmem>>, vector<16xi32>,
      %get3A_255 = vector.shape_cast %get3A_254 : vector<16xi32> to vector<16xi32>
      %swap3A_256 = arith.index_cast %mul3A_250 : i32 to index
      %swap3A_257 = tpu.vector_load %arg9[%swap3A_256] {strides = array<i32>} : memref<4096xi32, #tpu.memory_space<vmem>>, vector<16xi32>,
      %swap3A_258 = vector.shape_cast %swap3A_257 : vector<16xi32> to vector<16xi32>
      %swap3A_259 = vector.shape_cast %get3A_255 : vector<16xi32> to vector<16xi32>
      tpu.vector_store %arg9[%swap3A_256], %swap3A_259 {strides = array<i32>} : memref<4096xi32, #tpu.memory_space<vmem>>, vector<16xi32>,
      %add3A_260 = arith.constant 2048 : i32
      %add3A_261 = vector.broadcast %add3A_260 : i32 to vector<16xi32>
      %add3A_262 = arith.addi %get3A_255, %add3A_261 : vector<16xi32>
      %add3A_263 = arith.constant 2048 : i32
      %add3A_264 = arith.addi %add3A_263, %mul3A_250 : i32
      %swap3A_265 = arith.index_cast %add3A_264 : i32 to index
      %swap3A_266 = tpu.vector_load %arg9[%swap3A_265] {strides = array<i32>} : memref<4096xi32, #tpu.memory_space<vmem>>, vector<16xi32>,
      %swap3A_267 = vector.shape_cast %swap3A_266 : vector<16xi32> to vector<16xi32>
      %swap3A_268 = vector.shape_cast %add3A_262 : vector<16xi32> to vector<16xi32>
      tpu.vector_store %arg9[%swap3A_265], %swap3A_268 {strides = array<i32>} : memref<4096xi32, #tpu.memory_space<vmem>>, vector<16xi32>,
    }
    %scan3A_22 = arith.constant 128 : i32
    "tpu.trace_stop"() : () -> ()
    %dma_start3A_23 = arith.constant 0 : i32
    %dma_start3A_24 = tpu.memref_slice %arg3[%dma_start3A_23] : memref<4194304xi32, #tpu.memory_space<hbm>> -> memref<4194304xi32, #tpu.memory_space<hbm>>
    tpu.enqueue_indirect_dma source(%dma_start3A_24 : memref<4194304xi32, #tpu.memory_space<hbm>>) target(%arg13 : memref<4096xi32, #tpu.memory_space<vmem>>) offsets(%arg9 : memref<4096xi32, #tpu.memory_space<vmem>>) semaphore(%arg17 : memref<!tpu.dma_semaphore, #tpu.memory_space<semaphore_mem>>)
    "tpu.trace_start"() <{level = 10 : i32, message = "build_idx"}> : () -> ()
    %scan3A_25 = arith.constant 0 : i32
    %scan3A_26 = arith.constant 0 : i32
    %scan3A_27 = arith.constant 128 : i32
    %scan3A_28 = arith.addi %scan3A_26, %scan3A_27 : i32
    %scan3A_29 = arith.constant 8 : i32
    scf.for %scan3A_96 = %scan3A_26 to %scan3A_28 step %scan3A_29  : i32 {
      %mul3A_97 = arith.constant 16 : i32
      %mul3A_98 = arith.muli %scan3A_96, %mul3A_97 : i32
      %add3A_99 = arith.constant 6144 : i32
      %add3A_100 = arith.addi %add3A_99, %mul3A_98 : i32
      %get3A = arith.index_cast %add3A_100 : i32 to index
      %get3A_101 = tpu.vector_load %arg6[%get3A] {strides = array<i32>} : memref<16384xi32, #tpu.memory_space<vmem>>, vector<16xi32>,
      %get3A_102 = vector.shape_cast %get3A_101 : vector<16xi32> to vector<16xi32>
      %swap3A = arith.index_cast %mul3A_98 : i32 to index
      %swap3A_103 = tpu.vector_load %arg10[%swap3A] {strides = array<i32>} : memref<4096xi32, #tpu.memory_space<vmem>>, vector<16xi32>,
      %swap3A_104 = vector.shape_cast %swap3A_103 : vector<16xi32> to vector<16xi32>
      %swap3A_105 = vector.shape_cast %get3A_102 : vector<16xi32> to vector<16xi32>
      tpu.vector_store %arg10[%swap3A], %swap3A_105 {strides = array<i32>} : memref<4096xi32, #tpu.memory_space<vmem>>, vector<16xi32>,
      %add3A_106 = arith.constant 2048 : i32
      %add3A_107 = vector.broadcast %add3A_106 : i32 to vector<16xi32>
      %add3A_108 = arith.addi %get3A_102, %add3A_107 : vector<16xi32>
      %add3A_109 = arith.constant 2048 : i32
      %add3A_110 = arith.addi %add3A_109, %mul3A_98 : i32
      %swap3A_111 = arith.index_cast %add3A_110 : i32 to index
      %swap3A_112 = tpu.vector_load %arg10[%swap3A_111] {strides = array<i32>} : memref<4096xi32, #tpu.memory_space<vmem>>, vector<16xi32>,
      %swap3A_113 = vector.shape_cast %swap3A_112 : vector<16xi32> to vector<16xi32>
      %swap3A_114 = vector.shape_cast %add3A_108 : vector<16xi32> to vector<16xi32>
      tpu.vector_store %arg10[%swap3A_111], %swap3A_114 {strides = array<i32>} : memref<4096xi32, #tpu.memory_space<vmem>>, vector<16xi32>,
      %scan3A_115 = arith.constant 1 : i32
      %scan3A_116 = arith.addi %scan3A_96, %scan3A_115 : i32
      %mul3A_117 = arith.constant 16 : i32
      %mul3A_118 = arith.muli %scan3A_116, %mul3A_117 : i32
      %add3A_119 = arith.constant 6144 : i32
      %add3A_120 = arith.addi %add3A_119, %mul3A_118 : i32
      %get3A_121 = arith.index_cast %add3A_120 : i32 to index
      %get3A_122 = tpu.vector_load %arg6[%get3A_121] {strides = array<i32>} : memref<16384xi32, #tpu.memory_space<vmem>>, vector<16xi32>,
      %get3A_123 = vector.shape_cast %get3A_122 : vector<16xi32> to vector<16xi32>
      %swap3A_124 = arith.index_cast %mul3A_118 : i32 to index
      %swap3A_125 = tpu.vector_load %arg10[%swap3A_124] {strides = array<i32>} : memref<4096xi32, #tpu.memory_space<vmem>>, vector<16xi32>,
      %swap3A_126 = vector.shape_cast %swap3A_125 : vector<16xi32> to vector<16xi32>
      %swap3A_127 = vector.shape_cast %get3A_123 : vector<16xi32> to vector<16xi32>
      tpu.vector_store %arg10[%swap3A_124], %swap3A_127 {strides = array<i32>} : memref<4096xi32, #tpu.memory_space<vmem>>, vector<16xi32>,
      %add3A_128 = arith.constant 2048 : i32
      %add3A_129 = vector.broadcast %add3A_128 : i32 to vector<16xi32>
      %add3A_130 = arith.addi %get3A_123, %add3A_129 : vector<16xi32>
      %add3A_131 = arith.constant 2048 : i32
      %add3A_132 = arith.addi %add3A_131, %mul3A_118 : i32
      %swap3A_133 = arith.index_cast %add3A_132 : i32 to index
      %swap3A_134 = tpu.vector_load %arg10[%swap3A_133] {strides = array<i32>} : memref<4096xi32, #tpu.memory_space<vmem>>, vector<16xi32>,
      %swap3A_135 = vector.shape_cast %swap3A_134 : vector<16xi32> to vector<16xi32>
      %swap3A_136 = vector.shape_cast %add3A_130 : vector<16xi32> to vector<16xi32>
      tpu.vector_store %arg10[%swap3A_133], %swap3A_136 {strides = array<i32>} : memref<4096xi32, #tpu.memory_space<vmem>>, vector<16xi32>,
      %scan3A_137 = arith.constant 2 : i32
      %scan3A_138 = arith.addi %scan3A_96, %scan3A_137 : i32
      %mul3A_139 = arith.constant 16 : i32
      %mul3A_140 = arith.muli %scan3A_138, %mul3A_139 : i32
      %add3A_141 = arith.constant 6144 : i32
      %add3A_142 = arith.addi %add3A_141, %mul3A_140 : i32
      %get3A_143 = arith.index_cast %add3A_142 : i32 to index
      %get3A_144 = tpu.vector_load %arg6[%get3A_143] {strides = array<i32>} : memref<16384xi32, #tpu.memory_space<vmem>>, vector<16xi32>,
      %get3A_145 = vector.shape_cast %get3A_144 : vector<16xi32> to vector<16xi32>
      %swap3A_146 = arith.index_cast %mul3A_140 : i32 to index
      %swap3A_147 = tpu.vector_load %arg10[%swap3A_146] {strides = array<i32>} : memref<4096xi32, #tpu.memory_space<vmem>>, vector<16xi32>,
      %swap3A_148 = vector.shape_cast %swap3A_147 : vector<16xi32> to vector<16xi32>
      %swap3A_149 = vector.shape_cast %get3A_145 : vector<16xi32> to vector<16xi32>
      tpu.vector_store %arg10[%swap3A_146], %swap3A_149 {strides = array<i32>} : memref<4096xi32, #tpu.memory_space<vmem>>, vector<16xi32>,
      %add3A_150 = arith.constant 2048 : i32
      %add3A_151 = vector.broadcast %add3A_150 : i32 to vector<16xi32>
      %add3A_152 = arith.addi %get3A_145, %add3A_151 : vector<16xi32>
      %add3A_153 = arith.constant 2048 : i32
      %add3A_154 = arith.addi %add3A_153, %mul3A_140 : i32
      %swap3A_155 = arith.index_cast %add3A_154 : i32 to index
      %swap3A_156 = tpu.vector_load %arg10[%swap3A_155] {strides = array<i32>} : memref<4096xi32, #tpu.memory_space<vmem>>, vector<16xi32>,
      %swap3A_157 = vector.shape_cast %swap3A_156 : vector<16xi32> to vector<16xi32>
      %swap3A_158 = vector.shape_cast %add3A_152 : vector<16xi32> to vector<16xi32>
      tpu.vector_store %arg10[%swap3A_155], %swap3A_158 {strides = array<i32>} : memref<4096xi32, #tpu.memory_space<vmem>>, vector<16xi32>,
      %scan3A_159 = arith.constant 3 : i32
      %scan3A_160 = arith.addi %scan3A_96, %scan3A_159 : i32
      %mul3A_161 = arith.constant 16 : i32
      %mul3A_162 = arith.muli %scan3A_160, %mul3A_161 : i32
      %add3A_163 = arith.constant 6144 : i32
      %add3A_164 = arith.addi %add3A_163, %mul3A_162 : i32
      %get3A_165 = arith.index_cast %add3A_164 : i32 to index
      %get3A_166 = tpu.vector_load %arg6[%get3A_165] {strides = array<i32>} : memref<16384xi32, #tpu.memory_space<vmem>>, vector<16xi32>,
      %get3A_167 = vector.shape_cast %get3A_166 : vector<16xi32> to vector<16xi32>
      %swap3A_168 = arith.index_cast %mul3A_162 : i32 to index
      %swap3A_169 = tpu.vector_load %arg10[%swap3A_168] {strides = array<i32>} : memref<4096xi32, #tpu.memory_space<vmem>>, vector<16xi32>,
      %swap3A_170 = vector.shape_cast %swap3A_169 : vector<16xi32> to vector<16xi32>
      %swap3A_171 = vector.shape_cast %get3A_167 : vector<16xi32> to vector<16xi32>
      tpu.vector_store %arg10[%swap3A_168], %swap3A_171 {strides = array<i32>} : memref<4096xi32, #tpu.memory_space<vmem>>, vector<16xi32>,
      %add3A_172 = arith.constant 2048 : i32
      %add3A_173 = vector.broadcast %add3A_172 : i32 to vector<16xi32>
      %add3A_174 = arith.addi %get3A_167, %add3A_173 : vector<16xi32>
      %add3A_175 = arith.constant 2048 : i32
      %add3A_176 = arith.addi %add3A_175, %mul3A_162 : i32
      %swap3A_177 = arith.index_cast %add3A_176 : i32 to index
      %swap3A_178 = tpu.vector_load %arg10[%swap3A_177] {strides = array<i32>} : memref<4096xi32, #tpu.memory_space<vmem>>, vector<16xi32>,
      %swap3A_179 = vector.shape_cast %swap3A_178 : vector<16xi32> to vector<16xi32>
      %swap3A_180 = vector.shape_cast %add3A_174 : vector<16xi32> to vector<16xi32>
      tpu.vector_store %arg10[%swap3A_177], %swap3A_180 {strides = array<i32>} : memref<4096xi32, #tpu.memory_space<vmem>>, vector<16xi32>,
      %scan3A_181 = arith.constant 4 : i32
      %scan3A_182 = arith.addi %scan3A_96, %scan3A_181 : i32
      %mul3A_183 = arith.constant 16 : i32
      %mul3A_184 = arith.muli %scan3A_182, %mul3A_183 : i32
      %add3A_185 = arith.constant 6144 : i32
      %add3A_186 = arith.addi %add3A_185, %mul3A_184 : i32
      %get3A_187 = arith.index_cast %add3A_186 : i32 to index
      %get3A_188 = tpu.vector_load %arg6[%get3A_187] {strides = array<i32>} : memref<16384xi32, #tpu.memory_space<vmem>>, vector<16xi32>,
      %get3A_189 = vector.shape_cast %get3A_188 : vector<16xi32> to vector<16xi32>
      %swap3A_190 = arith.index_cast %mul3A_184 : i32 to index
      %swap3A_191 = tpu.vector_load %arg10[%swap3A_190] {strides = array<i32>} : memref<4096xi32, #tpu.memory_space<vmem>>, vector<16xi32>,
      %swap3A_192 = vector.shape_cast %swap3A_191 : vector<16xi32> to vector<16xi32>
      %swap3A_193 = vector.shape_cast %get3A_189 : vector<16xi32> to vector<16xi32>
      tpu.vector_store %arg10[%swap3A_190], %swap3A_193 {strides = array<i32>} : memref<4096xi32, #tpu.memory_space<vmem>>, vector<16xi32>,
      %add3A_194 = arith.constant 2048 : i32
      %add3A_195 = vector.broadcast %add3A_194 : i32 to vector<16xi32>
      %add3A_196 = arith.addi %get3A_189, %add3A_195 : vector<16xi32>
      %add3A_197 = arith.constant 2048 : i32
      %add3A_198 = arith.addi %add3A_197, %mul3A_184 : i32
      %swap3A_199 = arith.index_cast %add3A_198 : i32 to index
      %swap3A_200 = tpu.vector_load %arg10[%swap3A_199] {strides = array<i32>} : memref<4096xi32, #tpu.memory_space<vmem>>, vector<16xi32>,
      %swap3A_201 = vector.shape_cast %swap3A_200 : vector<16xi32> to vector<16xi32>
      %swap3A_202 = vector.shape_cast %add3A_196 : vector<16xi32> to vector<16xi32>
      tpu.vector_store %arg10[%swap3A_199], %swap3A_202 {strides = array<i32>} : memref<4096xi32, #tpu.memory_space<vmem>>, vector<16xi32>,
      %scan3A_203 = arith.constant 5 : i32
      %scan3A_204 = arith.addi %scan3A_96, %scan3A_203 : i32
      %mul3A_205 = arith.constant 16 : i32
      %mul3A_206 = arith.muli %scan3A_204, %mul3A_205 : i32
      %add3A_207 = arith.constant 6144 : i32
      %add3A_208 = arith.addi %add3A_207, %mul3A_206 : i32
      %get3A_209 = arith.index_cast %add3A_208 : i32 to index
      %get3A_210 = tpu.vector_load %arg6[%get3A_209] {strides = array<i32>} : memref<16384xi32, #tpu.memory_space<vmem>>, vector<16xi32>,
      %get3A_211 = vector.shape_cast %get3A_210 : vector<16xi32> to vector<16xi32>
      %swap3A_212 = arith.index_cast %mul3A_206 : i32 to index
      %swap3A_213 = tpu.vector_load %arg10[%swap3A_212] {strides = array<i32>} : memref<4096xi32, #tpu.memory_space<vmem>>, vector<16xi32>,
      %swap3A_214 = vector.shape_cast %swap3A_213 : vector<16xi32> to vector<16xi32>
      %swap3A_215 = vector.shape_cast %get3A_211 : vector<16xi32> to vector<16xi32>
      tpu.vector_store %arg10[%swap3A_212], %swap3A_215 {strides = array<i32>} : memref<4096xi32, #tpu.memory_space<vmem>>, vector<16xi32>,
      %add3A_216 = arith.constant 2048 : i32
      %add3A_217 = vector.broadcast %add3A_216 : i32 to vector<16xi32>
      %add3A_218 = arith.addi %get3A_211, %add3A_217 : vector<16xi32>
      %add3A_219 = arith.constant 2048 : i32
      %add3A_220 = arith.addi %add3A_219, %mul3A_206 : i32
      %swap3A_221 = arith.index_cast %add3A_220 : i32 to index
      %swap3A_222 = tpu.vector_load %arg10[%swap3A_221] {strides = array<i32>} : memref<4096xi32, #tpu.memory_space<vmem>>, vector<16xi32>,
      %swap3A_223 = vector.shape_cast %swap3A_222 : vector<16xi32> to vector<16xi32>
      %swap3A_224 = vector.shape_cast %add3A_218 : vector<16xi32> to vector<16xi32>
      tpu.vector_store %arg10[%swap3A_221], %swap3A_224 {strides = array<i32>} : memref<4096xi32, #tpu.memory_space<vmem>>, vector<16xi32>,
      %scan3A_225 = arith.constant 6 : i32
      %scan3A_226 = arith.addi %scan3A_96, %scan3A_225 : i32
      %mul3A_227 = arith.constant 16 : i32
      %mul3A_228 = arith.muli %scan3A_226, %mul3A_227 : i32
      %add3A_229 = arith.constant 6144 : i32
      %add3A_230 = arith.addi %add3A_229, %mul3A_228 : i32
      %get3A_231 = arith.index_cast %add3A_230 : i32 to index
      %get3A_232 = tpu.vector_load %arg6[%get3A_231] {strides = array<i32>} : memref<16384xi32, #tpu.memory_space<vmem>>, vector<16xi32>,
      %get3A_233 = vector.shape_cast %get3A_232 : vector<16xi32> to vector<16xi32>
      %swap3A_234 = arith.index_cast %mul3A_228 : i32 to index
      %swap3A_235 = tpu.vector_load %arg10[%swap3A_234] {strides = array<i32>} : memref<4096xi32, #tpu.memory_space<vmem>>, vector<16xi32>,
      %swap3A_236 = vector.shape_cast %swap3A_235 : vector<16xi32> to vector<16xi32>
      %swap3A_237 = vector.shape_cast %get3A_233 : vector<16xi32> to vector<16xi32>
      tpu.vector_store %arg10[%swap3A_234], %swap3A_237 {strides = array<i32>} : memref<4096xi32, #tpu.memory_space<vmem>>, vector<16xi32>,
      %add3A_238 = arith.constant 2048 : i32
      %add3A_239 = vector.broadcast %add3A_238 : i32 to vector<16xi32>
      %add3A_240 = arith.addi %get3A_233, %add3A_239 : vector<16xi32>
      %add3A_241 = arith.constant 2048 : i32
      %add3A_242 = arith.addi %add3A_241, %mul3A_228 : i32
      %swap3A_243 = arith.index_cast %add3A_242 : i32 to index
      %swap3A_244 = tpu.vector_load %arg10[%swap3A_243] {strides = array<i32>} : memref<4096xi32, #tpu.memory_space<vmem>>, vector<16xi32>,
      %swap3A_245 = vector.shape_cast %swap3A_244 : vector<16xi32> to vector<16xi32>
      %swap3A_246 = vector.shape_cast %add3A_240 : vector<16xi32> to vector<16xi32>
      tpu.vector_store %arg10[%swap3A_243], %swap3A_246 {strides = array<i32>} : memref<4096xi32, #tpu.memory_space<vmem>>, vector<16xi32>,
      %scan3A_247 = arith.constant 7 : i32
      %scan3A_248 = arith.addi %scan3A_96, %scan3A_247 : i32
      %mul3A_249 = arith.constant 16 : i32
      %mul3A_250 = arith.muli %scan3A_248, %mul3A_249 : i32
      %add3A_251 = arith.constant 6144 : i32
      %add3A_252 = arith.addi %add3A_251, %mul3A_250 : i32
      %get3A_253 = arith.index_cast %add3A_252 : i32 to index
      %get3A_254 = tpu.vector_load %arg6[%get3A_253] {strides = array<i32>} : memref<16384xi32, #tpu.memory_space<vmem>>, vector<16xi32>,
      %get3A_255 = vector.shape_cast %get3A_254 : vector<16xi32> to vector<16xi32>
      %swap3A_256 = arith.index_cast %mul3A_250 : i32 to index
      %swap3A_257 = tpu.vector_load %arg10[%swap3A_256] {strides = array<i32>} : memref<4096xi32, #tpu.memory_space<vmem>>, vector<16xi32>,
      %swap3A_258 = vector.shape_cast %swap3A_257 : vector<16xi32> to vector<16xi32>
      %swap3A_259 = vector.shape_cast %get3A_255 : vector<16xi32> to vector<16xi32>
      tpu.vector_store %arg10[%swap3A_256], %swap3A_259 {strides = array<i32>} : memref<4096xi32, #tpu.memory_space<vmem>>, vector<16xi32>,
      %add3A_260 = arith.constant 2048 : i32
      %add3A_261 = vector.broadcast %add3A_260 : i32 to vector<16xi32>
      %add3A_262 = arith.addi %get3A_255, %add3A_261 : vector<16xi32>
      %add3A_263 = arith.constant 2048 : i32
      %add3A_264 = arith.addi %add3A_263, %mul3A_250 : i32
      %swap3A_265 = arith.index_cast %add3A_264 : i32 to index
      %swap3A_266 = tpu.vector_load %arg10[%swap3A_265] {strides = array<i32>} : memref<4096xi32, #tpu.memory_space<vmem>>, vector<16xi32>,
      %swap3A_267 = vector.shape_cast %swap3A_266 : vector<16xi32> to vector<16xi32>
      %swap3A_268 = vector.shape_cast %add3A_262 : vector<16xi32> to vector<16xi32>
      tpu.vector_store %arg10[%swap3A_265], %swap3A_268 {strides = array<i32>} : memref<4096xi32, #tpu.memory_space<vmem>>, vector<16xi32>,
    }
    %scan3A_30 = arith.constant 128 : i32
    "tpu.trace_stop"() : () -> ()
    %dma_start3A_31 = arith.constant 0 : i32
    %dma_start3A_32 = tpu.memref_slice %arg3[%dma_start3A_31] : memref<4194304xi32, #tpu.memory_space<hbm>> -> memref<4194304xi32, #tpu.memory_space<hbm>>
    tpu.enqueue_indirect_dma source(%dma_start3A_32 : memref<4194304xi32, #tpu.memory_space<hbm>>) target(%arg14 : memref<4096xi32, #tpu.memory_space<vmem>>) offsets(%arg10 : memref<4096xi32, #tpu.memory_space<vmem>>) semaphore(%arg18 : memref<!tpu.dma_semaphore, #tpu.memory_space<semaphore_mem>>)
    "tpu.trace_start"() <{level = 10 : i32, message = "gather_wait"}> : () -> ()
    %dma_wait3A = arith.constant 0 : i32
    %dma_wait3A_33 = tpu.memref_slice %arg3[%dma_wait3A] : memref<4194304xi32, #tpu.memory_space<hbm>> -> memref<4194304xi32, #tpu.memory_space<hbm>>
    tpu.wait_indirect_dma semaphore(%arg15 : memref<!tpu.dma_semaphore, #tpu.memory_space<semaphore_mem>>) src(%dma_wait3A_33 : memref<4194304xi32, #tpu.memory_space<hbm>>) dst(%arg11 : memref<4096xi32, #tpu.memory_space<vmem>>)
    "tpu.trace_stop"() : () -> ()
    "tpu.trace_start"() <{level = 10 : i32, message = "store_vals"}> : () -> ()
    %add3A_34 = arith.constant 0 : i32
    %add3A_35 = arith.addi %mul3A_2, %add3A_34 : i32
    "tpu.region"() ({
      %run_scoped3A = tpu.sem_alloc : memref<!tpu.dma_semaphore, #tpu.memory_space<semaphore_mem>>
      %dma_start3A_96 = arith.constant 0 : i32
      %dma_start3A_97 = tpu.memref_slice %arg11[%dma_start3A_96] : memref<4096xi32, #tpu.memory_space<vmem>> -> memref<2048xi32, #tpu.memory_space<vmem>>
      %dma_start3A_98 = tpu.memref_slice %arg4[%add3A_35] : memref<524288xi32, #tpu.memory_space<hbm>> -> memref<2048xi32, #tpu.memory_space<hbm>>
      %dma_start3A_99 = tpu.memref_slice %arg4[%add3A_35] : memref<524288xi32, #tpu.memory_space<hbm>> -> memref<2048xi32, #tpu.memory_space<hbm>>
      %dma_start3A_100 = arith.constant 0 : i32
      %dma_start3A_101 = tpu.memref_slice %arg11[%dma_start3A_100] : memref<4096xi32, #tpu.memory_space<vmem>> -> memref<2048xi32, #tpu.memory_space<vmem>>
      tpu.enqueue_dma source(%dma_start3A_101 : memref<2048xi32, #tpu.memory_space<vmem>>) target(%dma_start3A_99 : memref<2048xi32, #tpu.memory_space<hbm>>) target_semaphore(%run_scoped3A : memref<!tpu.dma_semaphore, #tpu.memory_space<semaphore_mem>>)
      %dma_wait3A_102 = arith.constant 0 : i32
      %dma_wait3A_103 = tpu.memref_slice %arg11[%dma_wait3A_102] : memref<4096xi32, #tpu.memory_space<vmem>> -> memref<2048xi32, #tpu.memory_space<vmem>>
      %dma_wait3A_104 = tpu.memref_slice %arg4[%add3A_35] : memref<524288xi32, #tpu.memory_space<hbm>> -> memref<2048xi32, #tpu.memory_space<hbm>>
      %dma_wait3A_105 = tpu.memref_slice %arg4[%add3A_35] : memref<524288xi32, #tpu.memory_space<hbm>> -> memref<2048xi32, #tpu.memory_space<hbm>>
      %dma_wait3A_106 = arith.constant 0 : i32
      %dma_wait3A_107 = tpu.memref_slice %arg11[%dma_wait3A_106] : memref<4096xi32, #tpu.memory_space<vmem>> -> memref<2048xi32, #tpu.memory_space<vmem>>
      tpu.wait_dma2 semaphore(%run_scoped3A : memref<!tpu.dma_semaphore, #tpu.memory_space<semaphore_mem>>) src(%dma_wait3A_107 : memref<2048xi32, #tpu.memory_space<vmem>>) dst(%dma_wait3A_105 : memref<2048xi32, #tpu.memory_space<hbm>>)
      tpu.yield
    }) : () -> ()
    "tpu.region"() ({
      %run_scoped3A = tpu.sem_alloc : memref<!tpu.dma_semaphore, #tpu.memory_space<semaphore_mem>>
      %dma_start3A_96 = arith.constant 2048 : i32
      %dma_start3A_97 = tpu.memref_slice %arg11[%dma_start3A_96] : memref<4096xi32, #tpu.memory_space<vmem>> -> memref<2048xi32, #tpu.memory_space<vmem>>
      %dma_start3A_98 = tpu.memref_slice %arg5[%add3A_35] : memref<524288xi32, #tpu.memory_space<hbm>> -> memref<2048xi32, #tpu.memory_space<hbm>>
      %dma_start3A_99 = tpu.memref_slice %arg5[%add3A_35] : memref<524288xi32, #tpu.memory_space<hbm>> -> memref<2048xi32, #tpu.memory_space<hbm>>
      %dma_start3A_100 = arith.constant 2048 : i32
      %dma_start3A_101 = tpu.memref_slice %arg11[%dma_start3A_100] : memref<4096xi32, #tpu.memory_space<vmem>> -> memref<2048xi32, #tpu.memory_space<vmem>>
      tpu.enqueue_dma source(%dma_start3A_101 : memref<2048xi32, #tpu.memory_space<vmem>>) target(%dma_start3A_99 : memref<2048xi32, #tpu.memory_space<hbm>>) target_semaphore(%run_scoped3A : memref<!tpu.dma_semaphore, #tpu.memory_space<semaphore_mem>>)
      %dma_wait3A_102 = arith.constant 2048 : i32
      %dma_wait3A_103 = tpu.memref_slice %arg11[%dma_wait3A_102] : memref<4096xi32, #tpu.memory_space<vmem>> -> memref<2048xi32, #tpu.memory_space<vmem>>
      %dma_wait3A_104 = tpu.memref_slice %arg5[%add3A_35] : memref<524288xi32, #tpu.memory_space<hbm>> -> memref<2048xi32, #tpu.memory_space<hbm>>
      %dma_wait3A_105 = tpu.memref_slice %arg5[%add3A_35] : memref<524288xi32, #tpu.memory_space<hbm>> -> memref<2048xi32, #tpu.memory_space<hbm>>
      %dma_wait3A_106 = arith.constant 2048 : i32
      %dma_wait3A_107 = tpu.memref_slice %arg11[%dma_wait3A_106] : memref<4096xi32, #tpu.memory_space<vmem>> -> memref<2048xi32, #tpu.memory_space<vmem>>
      tpu.wait_dma2 semaphore(%run_scoped3A : memref<!tpu.dma_semaphore, #tpu.memory_space<semaphore_mem>>) src(%dma_wait3A_107 : memref<2048xi32, #tpu.memory_space<vmem>>) dst(%dma_wait3A_105 : memref<2048xi32, #tpu.memory_space<hbm>>)
      tpu.yield
    }) : () -> ()
    "tpu.trace_stop"() : () -> ()
    "tpu.trace_start"() <{level = 10 : i32, message = "build_idx"}> : () -> ()
    %scan3A_36 = arith.constant 0 : i32
    %scan3A_37 = arith.constant 0 : i32
    %scan3A_38 = arith.constant 128 : i32
    %scan3A_39 = arith.addi %scan3A_37, %scan3A_38 : i32
    %scan3A_40 = arith.constant 8 : i32
    scf.for %scan3A_96 = %scan3A_37 to %scan3A_39 step %scan3A_40  : i32 {
      %mul3A_97 = arith.constant 16 : i32
      %mul3A_98 = arith.muli %scan3A_96, %mul3A_97 : i32
      %add3A_99 = arith.constant 8192 : i32
      %add3A_100 = arith.addi %add3A_99, %mul3A_98 : i32
      %get3A = arith.index_cast %add3A_100 : i32 to index
      %get3A_101 = tpu.vector_load %arg6[%get3A] {strides = array<i32>} : memref<16384xi32, #tpu.memory_space<vmem>>, vector<16xi32>,
      %get3A_102 = vector.shape_cast %get3A_101 : vector<16xi32> to vector<16xi32>
      %swap3A = arith.index_cast %mul3A_98 : i32 to index
      %swap3A_103 = tpu.vector_load %arg7[%swap3A] {strides = array<i32>} : memref<4096xi32, #tpu.memory_space<vmem>>, vector<16xi32>,
      %swap3A_104 = vector.shape_cast %swap3A_103 : vector<16xi32> to vector<16xi32>
      %swap3A_105 = vector.shape_cast %get3A_102 : vector<16xi32> to vector<16xi32>
      tpu.vector_store %arg7[%swap3A], %swap3A_105 {strides = array<i32>} : memref<4096xi32, #tpu.memory_space<vmem>>, vector<16xi32>,
      %add3A_106 = arith.constant 2048 : i32
      %add3A_107 = vector.broadcast %add3A_106 : i32 to vector<16xi32>
      %add3A_108 = arith.addi %get3A_102, %add3A_107 : vector<16xi32>
      %add3A_109 = arith.constant 2048 : i32
      %add3A_110 = arith.addi %add3A_109, %mul3A_98 : i32
      %swap3A_111 = arith.index_cast %add3A_110 : i32 to index
      %swap3A_112 = tpu.vector_load %arg7[%swap3A_111] {strides = array<i32>} : memref<4096xi32, #tpu.memory_space<vmem>>, vector<16xi32>,
      %swap3A_113 = vector.shape_cast %swap3A_112 : vector<16xi32> to vector<16xi32>
      %swap3A_114 = vector.shape_cast %add3A_108 : vector<16xi32> to vector<16xi32>
      tpu.vector_store %arg7[%swap3A_111], %swap3A_114 {strides = array<i32>} : memref<4096xi32, #tpu.memory_space<vmem>>, vector<16xi32>,
      %scan3A_115 = arith.constant 1 : i32
      %scan3A_116 = arith.addi %scan3A_96, %scan3A_115 : i32
      %mul3A_117 = arith.constant 16 : i32
      %mul3A_118 = arith.muli %scan3A_116, %mul3A_117 : i32
      %add3A_119 = arith.constant 8192 : i32
      %add3A_120 = arith.addi %add3A_119, %mul3A_118 : i32
      %get3A_121 = arith.index_cast %add3A_120 : i32 to index
      %get3A_122 = tpu.vector_load %arg6[%get3A_121] {strides = array<i32>} : memref<16384xi32, #tpu.memory_space<vmem>>, vector<16xi32>,
      %get3A_123 = vector.shape_cast %get3A_122 : vector<16xi32> to vector<16xi32>
      %swap3A_124 = arith.index_cast %mul3A_118 : i32 to index
      %swap3A_125 = tpu.vector_load %arg7[%swap3A_124] {strides = array<i32>} : memref<4096xi32, #tpu.memory_space<vmem>>, vector<16xi32>,
      %swap3A_126 = vector.shape_cast %swap3A_125 : vector<16xi32> to vector<16xi32>
      %swap3A_127 = vector.shape_cast %get3A_123 : vector<16xi32> to vector<16xi32>
      tpu.vector_store %arg7[%swap3A_124], %swap3A_127 {strides = array<i32>} : memref<4096xi32, #tpu.memory_space<vmem>>, vector<16xi32>,
      %add3A_128 = arith.constant 2048 : i32
      %add3A_129 = vector.broadcast %add3A_128 : i32 to vector<16xi32>
      %add3A_130 = arith.addi %get3A_123, %add3A_129 : vector<16xi32>
      %add3A_131 = arith.constant 2048 : i32
      %add3A_132 = arith.addi %add3A_131, %mul3A_118 : i32
      %swap3A_133 = arith.index_cast %add3A_132 : i32 to index
      %swap3A_134 = tpu.vector_load %arg7[%swap3A_133] {strides = array<i32>} : memref<4096xi32, #tpu.memory_space<vmem>>, vector<16xi32>,
      %swap3A_135 = vector.shape_cast %swap3A_134 : vector<16xi32> to vector<16xi32>
      %swap3A_136 = vector.shape_cast %add3A_130 : vector<16xi32> to vector<16xi32>
      tpu.vector_store %arg7[%swap3A_133], %swap3A_136 {strides = array<i32>} : memref<4096xi32, #tpu.memory_space<vmem>>, vector<16xi32>,
      %scan3A_137 = arith.constant 2 : i32
      %scan3A_138 = arith.addi %scan3A_96, %scan3A_137 : i32
      %mul3A_139 = arith.constant 16 : i32
      %mul3A_140 = arith.muli %scan3A_138, %mul3A_139 : i32
      %add3A_141 = arith.constant 8192 : i32
      %add3A_142 = arith.addi %add3A_141, %mul3A_140 : i32
      %get3A_143 = arith.index_cast %add3A_142 : i32 to index
      %get3A_144 = tpu.vector_load %arg6[%get3A_143] {strides = array<i32>} : memref<16384xi32, #tpu.memory_space<vmem>>, vector<16xi32>,
      %get3A_145 = vector.shape_cast %get3A_144 : vector<16xi32> to vector<16xi32>
      %swap3A_146 = arith.index_cast %mul3A_140 : i32 to index
      %swap3A_147 = tpu.vector_load %arg7[%swap3A_146] {strides = array<i32>} : memref<4096xi32, #tpu.memory_space<vmem>>, vector<16xi32>,
      %swap3A_148 = vector.shape_cast %swap3A_147 : vector<16xi32> to vector<16xi32>
      %swap3A_149 = vector.shape_cast %get3A_145 : vector<16xi32> to vector<16xi32>
      tpu.vector_store %arg7[%swap3A_146], %swap3A_149 {strides = array<i32>} : memref<4096xi32, #tpu.memory_space<vmem>>, vector<16xi32>,
      %add3A_150 = arith.constant 2048 : i32
      %add3A_151 = vector.broadcast %add3A_150 : i32 to vector<16xi32>
      %add3A_152 = arith.addi %get3A_145, %add3A_151 : vector<16xi32>
      %add3A_153 = arith.constant 2048 : i32
      %add3A_154 = arith.addi %add3A_153, %mul3A_140 : i32
      %swap3A_155 = arith.index_cast %add3A_154 : i32 to index
      %swap3A_156 = tpu.vector_load %arg7[%swap3A_155] {strides = array<i32>} : memref<4096xi32, #tpu.memory_space<vmem>>, vector<16xi32>,
      %swap3A_157 = vector.shape_cast %swap3A_156 : vector<16xi32> to vector<16xi32>
      %swap3A_158 = vector.shape_cast %add3A_152 : vector<16xi32> to vector<16xi32>
      tpu.vector_store %arg7[%swap3A_155], %swap3A_158 {strides = array<i32>} : memref<4096xi32, #tpu.memory_space<vmem>>, vector<16xi32>,
      %scan3A_159 = arith.constant 3 : i32
      %scan3A_160 = arith.addi %scan3A_96, %scan3A_159 : i32
      %mul3A_161 = arith.constant 16 : i32
      %mul3A_162 = arith.muli %scan3A_160, %mul3A_161 : i32
      %add3A_163 = arith.constant 8192 : i32
      %add3A_164 = arith.addi %add3A_163, %mul3A_162 : i32
      %get3A_165 = arith.index_cast %add3A_164 : i32 to index
      %get3A_166 = tpu.vector_load %arg6[%get3A_165] {strides = array<i32>} : memref<16384xi32, #tpu.memory_space<vmem>>, vector<16xi32>,
      %get3A_167 = vector.shape_cast %get3A_166 : vector<16xi32> to vector<16xi32>
      %swap3A_168 = arith.index_cast %mul3A_162 : i32 to index
      %swap3A_169 = tpu.vector_load %arg7[%swap3A_168] {strides = array<i32>} : memref<4096xi32, #tpu.memory_space<vmem>>, vector<16xi32>,
      %swap3A_170 = vector.shape_cast %swap3A_169 : vector<16xi32> to vector<16xi32>
      %swap3A_171 = vector.shape_cast %get3A_167 : vector<16xi32> to vector<16xi32>
      tpu.vector_store %arg7[%swap3A_168], %swap3A_171 {strides = array<i32>} : memref<4096xi32, #tpu.memory_space<vmem>>, vector<16xi32>,
      %add3A_172 = arith.constant 2048 : i32
      %add3A_173 = vector.broadcast %add3A_172 : i32 to vector<16xi32>
      %add3A_174 = arith.addi %get3A_167, %add3A_173 : vector<16xi32>
      %add3A_175 = arith.constant 2048 : i32
      %add3A_176 = arith.addi %add3A_175, %mul3A_162 : i32
      %swap3A_177 = arith.index_cast %add3A_176 : i32 to index
      %swap3A_178 = tpu.vector_load %arg7[%swap3A_177] {strides = array<i32>} : memref<4096xi32, #tpu.memory_space<vmem>>, vector<16xi32>,
      %swap3A_179 = vector.shape_cast %swap3A_178 : vector<16xi32> to vector<16xi32>
      %swap3A_180 = vector.shape_cast %add3A_174 : vector<16xi32> to vector<16xi32>
      tpu.vector_store %arg7[%swap3A_177], %swap3A_180 {strides = array<i32>} : memref<4096xi32, #tpu.memory_space<vmem>>, vector<16xi32>,
      %scan3A_181 = arith.constant 4 : i32
      %scan3A_182 = arith.addi %scan3A_96, %scan3A_181 : i32
      %mul3A_183 = arith.constant 16 : i32
      %mul3A_184 = arith.muli %scan3A_182, %mul3A_183 : i32
      %add3A_185 = arith.constant 8192 : i32
      %add3A_186 = arith.addi %add3A_185, %mul3A_184 : i32
      %get3A_187 = arith.index_cast %add3A_186 : i32 to index
      %get3A_188 = tpu.vector_load %arg6[%get3A_187] {strides = array<i32>} : memref<16384xi32, #tpu.memory_space<vmem>>, vector<16xi32>,
      %get3A_189 = vector.shape_cast %get3A_188 : vector<16xi32> to vector<16xi32>
      %swap3A_190 = arith.index_cast %mul3A_184 : i32 to index
      %swap3A_191 = tpu.vector_load %arg7[%swap3A_190] {strides = array<i32>} : memref<4096xi32, #tpu.memory_space<vmem>>, vector<16xi32>,
      %swap3A_192 = vector.shape_cast %swap3A_191 : vector<16xi32> to vector<16xi32>
      %swap3A_193 = vector.shape_cast %get3A_189 : vector<16xi32> to vector<16xi32>
      tpu.vector_store %arg7[%swap3A_190], %swap3A_193 {strides = array<i32>} : memref<4096xi32, #tpu.memory_space<vmem>>, vector<16xi32>,
      %add3A_194 = arith.constant 2048 : i32
      %add3A_195 = vector.broadcast %add3A_194 : i32 to vector<16xi32>
      %add3A_196 = arith.addi %get3A_189, %add3A_195 : vector<16xi32>
      %add3A_197 = arith.constant 2048 : i32
      %add3A_198 = arith.addi %add3A_197, %mul3A_184 : i32
      %swap3A_199 = arith.index_cast %add3A_198 : i32 to index
      %swap3A_200 = tpu.vector_load %arg7[%swap3A_199] {strides = array<i32>} : memref<4096xi32, #tpu.memory_space<vmem>>, vector<16xi32>,
      %swap3A_201 = vector.shape_cast %swap3A_200 : vector<16xi32> to vector<16xi32>
      %swap3A_202 = vector.shape_cast %add3A_196 : vector<16xi32> to vector<16xi32>
      tpu.vector_store %arg7[%swap3A_199], %swap3A_202 {strides = array<i32>} : memref<4096xi32, #tpu.memory_space<vmem>>, vector<16xi32>,
      %scan3A_203 = arith.constant 5 : i32
      %scan3A_204 = arith.addi %scan3A_96, %scan3A_203 : i32
      %mul3A_205 = arith.constant 16 : i32
      %mul3A_206 = arith.muli %scan3A_204, %mul3A_205 : i32
      %add3A_207 = arith.constant 8192 : i32
      %add3A_208 = arith.addi %add3A_207, %mul3A_206 : i32
      %get3A_209 = arith.index_cast %add3A_208 : i32 to index
      %get3A_210 = tpu.vector_load %arg6[%get3A_209] {strides = array<i32>} : memref<16384xi32, #tpu.memory_space<vmem>>, vector<16xi32>,
      %get3A_211 = vector.shape_cast %get3A_210 : vector<16xi32> to vector<16xi32>
      %swap3A_212 = arith.index_cast %mul3A_206 : i32 to index
      %swap3A_213 = tpu.vector_load %arg7[%swap3A_212] {strides = array<i32>} : memref<4096xi32, #tpu.memory_space<vmem>>, vector<16xi32>,
      %swap3A_214 = vector.shape_cast %swap3A_213 : vector<16xi32> to vector<16xi32>
      %swap3A_215 = vector.shape_cast %get3A_211 : vector<16xi32> to vector<16xi32>
      tpu.vector_store %arg7[%swap3A_212], %swap3A_215 {strides = array<i32>} : memref<4096xi32, #tpu.memory_space<vmem>>, vector<16xi32>,
      %add3A_216 = arith.constant 2048 : i32
      %add3A_217 = vector.broadcast %add3A_216 : i32 to vector<16xi32>
      %add3A_218 = arith.addi %get3A_211, %add3A_217 : vector<16xi32>
      %add3A_219 = arith.constant 2048 : i32
      %add3A_220 = arith.addi %add3A_219, %mul3A_206 : i32
      %swap3A_221 = arith.index_cast %add3A_220 : i32 to index
      %swap3A_222 = tpu.vector_load %arg7[%swap3A_221] {strides = array<i32>} : memref<4096xi32, #tpu.memory_space<vmem>>, vector<16xi32>,
      %swap3A_223 = vector.shape_cast %swap3A_222 : vector<16xi32> to vector<16xi32>
      %swap3A_224 = vector.shape_cast %add3A_218 : vector<16xi32> to vector<16xi32>
      tpu.vector_store %arg7[%swap3A_221], %swap3A_224 {strides = array<i32>} : memref<4096xi32, #tpu.memory_space<vmem>>, vector<16xi32>,
      %scan3A_225 = arith.constant 6 : i32
      %scan3A_226 = arith.addi %scan3A_96, %scan3A_225 : i32
      %mul3A_227 = arith.constant 16 : i32
      %mul3A_228 = arith.muli %scan3A_226, %mul3A_227 : i32
      %add3A_229 = arith.constant 8192 : i32
      %add3A_230 = arith.addi %add3A_229, %mul3A_228 : i32
      %get3A_231 = arith.index_cast %add3A_230 : i32 to index
      %get3A_232 = tpu.vector_load %arg6[%get3A_231] {strides = array<i32>} : memref<16384xi32, #tpu.memory_space<vmem>>, vector<16xi32>,
      %get3A_233 = vector.shape_cast %get3A_232 : vector<16xi32> to vector<16xi32>
      %swap3A_234 = arith.index_cast %mul3A_228 : i32 to index
      %swap3A_235 = tpu.vector_load %arg7[%swap3A_234] {strides = array<i32>} : memref<4096xi32, #tpu.memory_space<vmem>>, vector<16xi32>,
      %swap3A_236 = vector.shape_cast %swap3A_235 : vector<16xi32> to vector<16xi32>
      %swap3A_237 = vector.shape_cast %get3A_233 : vector<16xi32> to vector<16xi32>
      tpu.vector_store %arg7[%swap3A_234], %swap3A_237 {strides = array<i32>} : memref<4096xi32, #tpu.memory_space<vmem>>, vector<16xi32>,
      %add3A_238 = arith.constant 2048 : i32
      %add3A_239 = vector.broadcast %add3A_238 : i32 to vector<16xi32>
      %add3A_240 = arith.addi %get3A_233, %add3A_239 : vector<16xi32>
      %add3A_241 = arith.constant 2048 : i32
      %add3A_242 = arith.addi %add3A_241, %mul3A_228 : i32
      %swap3A_243 = arith.index_cast %add3A_242 : i32 to index
      %swap3A_244 = tpu.vector_load %arg7[%swap3A_243] {strides = array<i32>} : memref<4096xi32, #tpu.memory_space<vmem>>, vector<16xi32>,
      %swap3A_245 = vector.shape_cast %swap3A_244 : vector<16xi32> to vector<16xi32>
      %swap3A_246 = vector.shape_cast %add3A_240 : vector<16xi32> to vector<16xi32>
      tpu.vector_store %arg7[%swap3A_243], %swap3A_246 {strides = array<i32>} : memref<4096xi32, #tpu.memory_space<vmem>>, vector<16xi32>,
      %scan3A_247 = arith.constant 7 : i32
      %scan3A_248 = arith.addi %scan3A_96, %scan3A_247 : i32
      %mul3A_249 = arith.constant 16 : i32
      %mul3A_250 = arith.muli %scan3A_248, %mul3A_249 : i32
      %add3A_251 = arith.constant 8192 : i32
      %add3A_252 = arith.addi %add3A_251, %mul3A_250 : i32
      %get3A_253 = arith.index_cast %add3A_252 : i32 to index
      %get3A_254 = tpu.vector_load %arg6[%get3A_253] {strides = array<i32>} : memref<16384xi32, #tpu.memory_space<vmem>>, vector<16xi32>,
      %get3A_255 = vector.shape_cast %get3A_254 : vector<16xi32> to vector<16xi32>
      %swap3A_256 = arith.index_cast %mul3A_250 : i32 to index
      %swap3A_257 = tpu.vector_load %arg7[%swap3A_256] {strides = array<i32>} : memref<4096xi32, #tpu.memory_space<vmem>>, vector<16xi32>,
      %swap3A_258 = vector.shape_cast %swap3A_257 : vector<16xi32> to vector<16xi32>
      %swap3A_259 = vector.shape_cast %get3A_255 : vector<16xi32> to vector<16xi32>
      tpu.vector_store %arg7[%swap3A_256], %swap3A_259 {strides = array<i32>} : memref<4096xi32, #tpu.memory_space<vmem>>, vector<16xi32>,
      %add3A_260 = arith.constant 2048 : i32
      %add3A_261 = vector.broadcast %add3A_260 : i32 to vector<16xi32>
      %add3A_262 = arith.addi %get3A_255, %add3A_261 : vector<16xi32>
      %add3A_263 = arith.constant 2048 : i32
      %add3A_264 = arith.addi %add3A_263, %mul3A_250 : i32
      %swap3A_265 = arith.index_cast %add3A_264 : i32 to index
      %swap3A_266 = tpu.vector_load %arg7[%swap3A_265] {strides = array<i32>} : memref<4096xi32, #tpu.memory_space<vmem>>, vector<16xi32>,
      %swap3A_267 = vector.shape_cast %swap3A_266 : vector<16xi32> to vector<16xi32>
      %swap3A_268 = vector.shape_cast %add3A_262 : vector<16xi32> to vector<16xi32>
      tpu.vector_store %arg7[%swap3A_265], %swap3A_268 {strides = array<i32>} : memref<4096xi32, #tpu.memory_space<vmem>>, vector<16xi32>,
    }
    %scan3A_41 = arith.constant 128 : i32
    "tpu.trace_stop"() : () -> ()
    %dma_start3A_42 = arith.constant 0 : i32
    %dma_start3A_43 = tpu.memref_slice %arg3[%dma_start3A_42] : memref<4194304xi32, #tpu.memory_space<hbm>> -> memref<4194304xi32, #tpu.memory_space<hbm>>
    tpu.enqueue_indirect_dma source(%dma_start3A_43 : memref<4194304xi32, #tpu.memory_space<hbm>>) target(%arg11 : memref<4096xi32, #tpu.memory_space<vmem>>) offsets(%arg7 : memref<4096xi32, #tpu.memory_space<vmem>>) semaphore(%arg15 : memref<!tpu.dma_semaphore, #tpu.memory_space<semaphore_mem>>)
    "tpu.trace_start"() <{level = 10 : i32, message = "gather_wait"}> : () -> ()
    %dma_wait3A_44 = arith.constant 0 : i32
    %dma_wait3A_45 = tpu.memref_slice %arg3[%dma_wait3A_44] : memref<4194304xi32, #tpu.memory_space<hbm>> -> memref<4194304xi32, #tpu.memory_space<hbm>>
    tpu.wait_indirect_dma semaphore(%arg16 : memref<!tpu.dma_semaphore, #tpu.memory_space<semaphore_mem>>) src(%dma_wait3A_45 : memref<4194304xi32, #tpu.memory_space<hbm>>) dst(%arg12 : memref<4096xi32, #tpu.memory_space<vmem>>)
    "tpu.trace_stop"() : () -> ()
    "tpu.trace_start"() <{level = 10 : i32, message = "store_vals"}> : () -> ()
    %add3A_46 = arith.constant 2048 : i32
    %add3A_47 = arith.addi %mul3A_2, %add3A_46 : i32
    "tpu.region"() ({
      %run_scoped3A = tpu.sem_alloc : memref<!tpu.dma_semaphore, #tpu.memory_space<semaphore_mem>>
      %dma_start3A_96 = arith.constant 0 : i32
      %dma_start3A_97 = tpu.memref_slice %arg12[%dma_start3A_96] : memref<4096xi32, #tpu.memory_space<vmem>> -> memref<2048xi32, #tpu.memory_space<vmem>>
      %dma_start3A_98 = tpu.memref_slice %arg4[%add3A_47] : memref<524288xi32, #tpu.memory_space<hbm>> -> memref<2048xi32, #tpu.memory_space<hbm>>
      %dma_start3A_99 = tpu.memref_slice %arg4[%add3A_47] : memref<524288xi32, #tpu.memory_space<hbm>> -> memref<2048xi32, #tpu.memory_space<hbm>>
      %dma_start3A_100 = arith.constant 0 : i32
      %dma_start3A_101 = tpu.memref_slice %arg12[%dma_start3A_100] : memref<4096xi32, #tpu.memory_space<vmem>> -> memref<2048xi32, #tpu.memory_space<vmem>>
      tpu.enqueue_dma source(%dma_start3A_101 : memref<2048xi32, #tpu.memory_space<vmem>>) target(%dma_start3A_99 : memref<2048xi32, #tpu.memory_space<hbm>>) target_semaphore(%run_scoped3A : memref<!tpu.dma_semaphore, #tpu.memory_space<semaphore_mem>>)
      %dma_wait3A_102 = arith.constant 0 : i32
      %dma_wait3A_103 = tpu.memref_slice %arg12[%dma_wait3A_102] : memref<4096xi32, #tpu.memory_space<vmem>> -> memref<2048xi32, #tpu.memory_space<vmem>>
      %dma_wait3A_104 = tpu.memref_slice %arg4[%add3A_47] : memref<524288xi32, #tpu.memory_space<hbm>> -> memref<2048xi32, #tpu.memory_space<hbm>>
      %dma_wait3A_105 = tpu.memref_slice %arg4[%add3A_47] : memref<524288xi32, #tpu.memory_space<hbm>> -> memref<2048xi32, #tpu.memory_space<hbm>>
      %dma_wait3A_106 = arith.constant 0 : i32
      %dma_wait3A_107 = tpu.memref_slice %arg12[%dma_wait3A_106] : memref<4096xi32, #tpu.memory_space<vmem>> -> memref<2048xi32, #tpu.memory_space<vmem>>
      tpu.wait_dma2 semaphore(%run_scoped3A : memref<!tpu.dma_semaphore, #tpu.memory_space<semaphore_mem>>) src(%dma_wait3A_107 : memref<2048xi32, #tpu.memory_space<vmem>>) dst(%dma_wait3A_105 : memref<2048xi32, #tpu.memory_space<hbm>>)
      tpu.yield
    }) : () -> ()
    "tpu.region"() ({
      %run_scoped3A = tpu.sem_alloc : memref<!tpu.dma_semaphore, #tpu.memory_space<semaphore_mem>>
      %dma_start3A_96 = arith.constant 2048 : i32
      %dma_start3A_97 = tpu.memref_slice %arg12[%dma_start3A_96] : memref<4096xi32, #tpu.memory_space<vmem>> -> memref<2048xi32, #tpu.memory_space<vmem>>
      %dma_start3A_98 = tpu.memref_slice %arg5[%add3A_47] : memref<524288xi32, #tpu.memory_space<hbm>> -> memref<2048xi32, #tpu.memory_space<hbm>>
      %dma_start3A_99 = tpu.memref_slice %arg5[%add3A_47] : memref<524288xi32, #tpu.memory_space<hbm>> -> memref<2048xi32, #tpu.memory_space<hbm>>
      %dma_start3A_100 = arith.constant 2048 : i32
      %dma_start3A_101 = tpu.memref_slice %arg12[%dma_start3A_100] : memref<4096xi32, #tpu.memory_space<vmem>> -> memref<2048xi32, #tpu.memory_space<vmem>>
      tpu.enqueue_dma source(%dma_start3A_101 : memref<2048xi32, #tpu.memory_space<vmem>>) target(%dma_start3A_99 : memref<2048xi32, #tpu.memory_space<hbm>>) target_semaphore(%run_scoped3A : memref<!tpu.dma_semaphore, #tpu.memory_space<semaphore_mem>>)
      %dma_wait3A_102 = arith.constant 2048 : i32
      %dma_wait3A_103 = tpu.memref_slice %arg12[%dma_wait3A_102] : memref<4096xi32, #tpu.memory_space<vmem>> -> memref<2048xi32, #tpu.memory_space<vmem>>
      %dma_wait3A_104 = tpu.memref_slice %arg5[%add3A_47] : memref<524288xi32, #tpu.memory_space<hbm>> -> memref<2048xi32, #tpu.memory_space<hbm>>
      %dma_wait3A_105 = tpu.memref_slice %arg5[%add3A_47] : memref<524288xi32, #tpu.memory_space<hbm>> -> memref<2048xi32, #tpu.memory_space<hbm>>
      %dma_wait3A_106 = arith.constant 2048 : i32
      %dma_wait3A_107 = tpu.memref_slice %arg12[%dma_wait3A_106] : memref<4096xi32, #tpu.memory_space<vmem>> -> memref<2048xi32, #tpu.memory_space<vmem>>
      tpu.wait_dma2 semaphore(%run_scoped3A : memref<!tpu.dma_semaphore, #tpu.memory_space<semaphore_mem>>) src(%dma_wait3A_107 : memref<2048xi32, #tpu.memory_space<vmem>>) dst(%dma_wait3A_105 : memref<2048xi32, #tpu.memory_space<hbm>>)
      tpu.yield
    }) : () -> ()
    "tpu.trace_stop"() : () -> ()
    "tpu.trace_start"() <{level = 10 : i32, message = "build_idx"}> : () -> ()
    %scan3A_48 = arith.constant 0 : i32
    %scan3A_49 = arith.constant 0 : i32
    %scan3A_50 = arith.constant 128 : i32
    %scan3A_51 = arith.addi %scan3A_49, %scan3A_50 : i32
    %scan3A_52 = arith.constant 8 : i32
    scf.for %scan3A_96 = %scan3A_49 to %scan3A_51 step %scan3A_52  : i32 {
      %mul3A_97 = arith.constant 16 : i32
      %mul3A_98 = arith.muli %scan3A_96, %mul3A_97 : i32
      %add3A_99 = arith.constant 10240 : i32
      %add3A_100 = arith.addi %add3A_99, %mul3A_98 : i32
      %get3A = arith.index_cast %add3A_100 : i32 to index
      %get3A_101 = tpu.vector_load %arg6[%get3A] {strides = array<i32>} : memref<16384xi32, #tpu.memory_space<vmem>>, vector<16xi32>,
      %get3A_102 = vector.shape_cast %get3A_101 : vector<16xi32> to vector<16xi32>
      %swap3A = arith.index_cast %mul3A_98 : i32 to index
      %swap3A_103 = tpu.vector_load %arg8[%swap3A] {strides = array<i32>} : memref<4096xi32, #tpu.memory_space<vmem>>, vector<16xi32>,
      %swap3A_104 = vector.shape_cast %swap3A_103 : vector<16xi32> to vector<16xi32>
      %swap3A_105 = vector.shape_cast %get3A_102 : vector<16xi32> to vector<16xi32>
      tpu.vector_store %arg8[%swap3A], %swap3A_105 {strides = array<i32>} : memref<4096xi32, #tpu.memory_space<vmem>>, vector<16xi32>,
      %add3A_106 = arith.constant 2048 : i32
      %add3A_107 = vector.broadcast %add3A_106 : i32 to vector<16xi32>
      %add3A_108 = arith.addi %get3A_102, %add3A_107 : vector<16xi32>
      %add3A_109 = arith.constant 2048 : i32
      %add3A_110 = arith.addi %add3A_109, %mul3A_98 : i32
      %swap3A_111 = arith.index_cast %add3A_110 : i32 to index
      %swap3A_112 = tpu.vector_load %arg8[%swap3A_111] {strides = array<i32>} : memref<4096xi32, #tpu.memory_space<vmem>>, vector<16xi32>,
      %swap3A_113 = vector.shape_cast %swap3A_112 : vector<16xi32> to vector<16xi32>
      %swap3A_114 = vector.shape_cast %add3A_108 : vector<16xi32> to vector<16xi32>
      tpu.vector_store %arg8[%swap3A_111], %swap3A_114 {strides = array<i32>} : memref<4096xi32, #tpu.memory_space<vmem>>, vector<16xi32>,
      %scan3A_115 = arith.constant 1 : i32
      %scan3A_116 = arith.addi %scan3A_96, %scan3A_115 : i32
      %mul3A_117 = arith.constant 16 : i32
      %mul3A_118 = arith.muli %scan3A_116, %mul3A_117 : i32
      %add3A_119 = arith.constant 10240 : i32
      %add3A_120 = arith.addi %add3A_119, %mul3A_118 : i32
      %get3A_121 = arith.index_cast %add3A_120 : i32 to index
      %get3A_122 = tpu.vector_load %arg6[%get3A_121] {strides = array<i32>} : memref<16384xi32, #tpu.memory_space<vmem>>, vector<16xi32>,
      %get3A_123 = vector.shape_cast %get3A_122 : vector<16xi32> to vector<16xi32>
      %swap3A_124 = arith.index_cast %mul3A_118 : i32 to index
      %swap3A_125 = tpu.vector_load %arg8[%swap3A_124] {strides = array<i32>} : memref<4096xi32, #tpu.memory_space<vmem>>, vector<16xi32>,
      %swap3A_126 = vector.shape_cast %swap3A_125 : vector<16xi32> to vector<16xi32>
      %swap3A_127 = vector.shape_cast %get3A_123 : vector<16xi32> to vector<16xi32>
      tpu.vector_store %arg8[%swap3A_124], %swap3A_127 {strides = array<i32>} : memref<4096xi32, #tpu.memory_space<vmem>>, vector<16xi32>,
      %add3A_128 = arith.constant 2048 : i32
      %add3A_129 = vector.broadcast %add3A_128 : i32 to vector<16xi32>
      %add3A_130 = arith.addi %get3A_123, %add3A_129 : vector<16xi32>
      %add3A_131 = arith.constant 2048 : i32
      %add3A_132 = arith.addi %add3A_131, %mul3A_118 : i32
      %swap3A_133 = arith.index_cast %add3A_132 : i32 to index
      %swap3A_134 = tpu.vector_load %arg8[%swap3A_133] {strides = array<i32>} : memref<4096xi32, #tpu.memory_space<vmem>>, vector<16xi32>,
      %swap3A_135 = vector.shape_cast %swap3A_134 : vector<16xi32> to vector<16xi32>
      %swap3A_136 = vector.shape_cast %add3A_130 : vector<16xi32> to vector<16xi32>
      tpu.vector_store %arg8[%swap3A_133], %swap3A_136 {strides = array<i32>} : memref<4096xi32, #tpu.memory_space<vmem>>, vector<16xi32>,
      %scan3A_137 = arith.constant 2 : i32
      %scan3A_138 = arith.addi %scan3A_96, %scan3A_137 : i32
      %mul3A_139 = arith.constant 16 : i32
      %mul3A_140 = arith.muli %scan3A_138, %mul3A_139 : i32
      %add3A_141 = arith.constant 10240 : i32
      %add3A_142 = arith.addi %add3A_141, %mul3A_140 : i32
      %get3A_143 = arith.index_cast %add3A_142 : i32 to index
      %get3A_144 = tpu.vector_load %arg6[%get3A_143] {strides = array<i32>} : memref<16384xi32, #tpu.memory_space<vmem>>, vector<16xi32>,
      %get3A_145 = vector.shape_cast %get3A_144 : vector<16xi32> to vector<16xi32>
      %swap3A_146 = arith.index_cast %mul3A_140 : i32 to index
      %swap3A_147 = tpu.vector_load %arg8[%swap3A_146] {strides = array<i32>} : memref<4096xi32, #tpu.memory_space<vmem>>, vector<16xi32>,
      %swap3A_148 = vector.shape_cast %swap3A_147 : vector<16xi32> to vector<16xi32>
      %swap3A_149 = vector.shape_cast %get3A_145 : vector<16xi32> to vector<16xi32>
      tpu.vector_store %arg8[%swap3A_146], %swap3A_149 {strides = array<i32>} : memref<4096xi32, #tpu.memory_space<vmem>>, vector<16xi32>,
      %add3A_150 = arith.constant 2048 : i32
      %add3A_151 = vector.broadcast %add3A_150 : i32 to vector<16xi32>
      %add3A_152 = arith.addi %get3A_145, %add3A_151 : vector<16xi32>
      %add3A_153 = arith.constant 2048 : i32
      %add3A_154 = arith.addi %add3A_153, %mul3A_140 : i32
      %swap3A_155 = arith.index_cast %add3A_154 : i32 to index
      %swap3A_156 = tpu.vector_load %arg8[%swap3A_155] {strides = array<i32>} : memref<4096xi32, #tpu.memory_space<vmem>>, vector<16xi32>,
      %swap3A_157 = vector.shape_cast %swap3A_156 : vector<16xi32> to vector<16xi32>
      %swap3A_158 = vector.shape_cast %add3A_152 : vector<16xi32> to vector<16xi32>
      tpu.vector_store %arg8[%swap3A_155], %swap3A_158 {strides = array<i32>} : memref<4096xi32, #tpu.memory_space<vmem>>, vector<16xi32>,
      %scan3A_159 = arith.constant 3 : i32
      %scan3A_160 = arith.addi %scan3A_96, %scan3A_159 : i32
      %mul3A_161 = arith.constant 16 : i32
      %mul3A_162 = arith.muli %scan3A_160, %mul3A_161 : i32
      %add3A_163 = arith.constant 10240 : i32
      %add3A_164 = arith.addi %add3A_163, %mul3A_162 : i32
      %get3A_165 = arith.index_cast %add3A_164 : i32 to index
      %get3A_166 = tpu.vector_load %arg6[%get3A_165] {strides = array<i32>} : memref<16384xi32, #tpu.memory_space<vmem>>, vector<16xi32>,
      %get3A_167 = vector.shape_cast %get3A_166 : vector<16xi32> to vector<16xi32>
      %swap3A_168 = arith.index_cast %mul3A_162 : i32 to index
      %swap3A_169 = tpu.vector_load %arg8[%swap3A_168] {strides = array<i32>} : memref<4096xi32, #tpu.memory_space<vmem>>, vector<16xi32>,
      %swap3A_170 = vector.shape_cast %swap3A_169 : vector<16xi32> to vector<16xi32>
      %swap3A_171 = vector.shape_cast %get3A_167 : vector<16xi32> to vector<16xi32>
      tpu.vector_store %arg8[%swap3A_168], %swap3A_171 {strides = array<i32>} : memref<4096xi32, #tpu.memory_space<vmem>>, vector<16xi32>,
      %add3A_172 = arith.constant 2048 : i32
      %add3A_173 = vector.broadcast %add3A_172 : i32 to vector<16xi32>
      %add3A_174 = arith.addi %get3A_167, %add3A_173 : vector<16xi32>
      %add3A_175 = arith.constant 2048 : i32
      %add3A_176 = arith.addi %add3A_175, %mul3A_162 : i32
      %swap3A_177 = arith.index_cast %add3A_176 : i32 to index
      %swap3A_178 = tpu.vector_load %arg8[%swap3A_177] {strides = array<i32>} : memref<4096xi32, #tpu.memory_space<vmem>>, vector<16xi32>,
      %swap3A_179 = vector.shape_cast %swap3A_178 : vector<16xi32> to vector<16xi32>
      %swap3A_180 = vector.shape_cast %add3A_174 : vector<16xi32> to vector<16xi32>
      tpu.vector_store %arg8[%swap3A_177], %swap3A_180 {strides = array<i32>} : memref<4096xi32, #tpu.memory_space<vmem>>, vector<16xi32>,
      %scan3A_181 = arith.constant 4 : i32
      %scan3A_182 = arith.addi %scan3A_96, %scan3A_181 : i32
      %mul3A_183 = arith.constant 16 : i32
      %mul3A_184 = arith.muli %scan3A_182, %mul3A_183 : i32
      %add3A_185 = arith.constant 10240 : i32
      %add3A_186 = arith.addi %add3A_185, %mul3A_184 : i32
      %get3A_187 = arith.index_cast %add3A_186 : i32 to index
      %get3A_188 = tpu.vector_load %arg6[%get3A_187] {strides = array<i32>} : memref<16384xi32, #tpu.memory_space<vmem>>, vector<16xi32>,
      %get3A_189 = vector.shape_cast %get3A_188 : vector<16xi32> to vector<16xi32>
      %swap3A_190 = arith.index_cast %mul3A_184 : i32 to index
      %swap3A_191 = tpu.vector_load %arg8[%swap3A_190] {strides = array<i32>} : memref<4096xi32, #tpu.memory_space<vmem>>, vector<16xi32>,
      %swap3A_192 = vector.shape_cast %swap3A_191 : vector<16xi32> to vector<16xi32>
      %swap3A_193 = vector.shape_cast %get3A_189 : vector<16xi32> to vector<16xi32>
      tpu.vector_store %arg8[%swap3A_190], %swap3A_193 {strides = array<i32>} : memref<4096xi32, #tpu.memory_space<vmem>>, vector<16xi32>,
      %add3A_194 = arith.constant 2048 : i32
      %add3A_195 = vector.broadcast %add3A_194 : i32 to vector<16xi32>
      %add3A_196 = arith.addi %get3A_189, %add3A_195 : vector<16xi32>
      %add3A_197 = arith.constant 2048 : i32
      %add3A_198 = arith.addi %add3A_197, %mul3A_184 : i32
      %swap3A_199 = arith.index_cast %add3A_198 : i32 to index
      %swap3A_200 = tpu.vector_load %arg8[%swap3A_199] {strides = array<i32>} : memref<4096xi32, #tpu.memory_space<vmem>>, vector<16xi32>,
      %swap3A_201 = vector.shape_cast %swap3A_200 : vector<16xi32> to vector<16xi32>
      %swap3A_202 = vector.shape_cast %add3A_196 : vector<16xi32> to vector<16xi32>
      tpu.vector_store %arg8[%swap3A_199], %swap3A_202 {strides = array<i32>} : memref<4096xi32, #tpu.memory_space<vmem>>, vector<16xi32>,
      %scan3A_203 = arith.constant 5 : i32
      %scan3A_204 = arith.addi %scan3A_96, %scan3A_203 : i32
      %mul3A_205 = arith.constant 16 : i32
      %mul3A_206 = arith.muli %scan3A_204, %mul3A_205 : i32
      %add3A_207 = arith.constant 10240 : i32
      %add3A_208 = arith.addi %add3A_207, %mul3A_206 : i32
      %get3A_209 = arith.index_cast %add3A_208 : i32 to index
      %get3A_210 = tpu.vector_load %arg6[%get3A_209] {strides = array<i32>} : memref<16384xi32, #tpu.memory_space<vmem>>, vector<16xi32>,
      %get3A_211 = vector.shape_cast %get3A_210 : vector<16xi32> to vector<16xi32>
      %swap3A_212 = arith.index_cast %mul3A_206 : i32 to index
      %swap3A_213 = tpu.vector_load %arg8[%swap3A_212] {strides = array<i32>} : memref<4096xi32, #tpu.memory_space<vmem>>, vector<16xi32>,
      %swap3A_214 = vector.shape_cast %swap3A_213 : vector<16xi32> to vector<16xi32>
      %swap3A_215 = vector.shape_cast %get3A_211 : vector<16xi32> to vector<16xi32>
      tpu.vector_store %arg8[%swap3A_212], %swap3A_215 {strides = array<i32>} : memref<4096xi32, #tpu.memory_space<vmem>>, vector<16xi32>,
      %add3A_216 = arith.constant 2048 : i32
      %add3A_217 = vector.broadcast %add3A_216 : i32 to vector<16xi32>
      %add3A_218 = arith.addi %get3A_211, %add3A_217 : vector<16xi32>
      %add3A_219 = arith.constant 2048 : i32
      %add3A_220 = arith.addi %add3A_219, %mul3A_206 : i32
      %swap3A_221 = arith.index_cast %add3A_220 : i32 to index
      %swap3A_222 = tpu.vector_load %arg8[%swap3A_221] {strides = array<i32>} : memref<4096xi32, #tpu.memory_space<vmem>>, vector<16xi32>,
      %swap3A_223 = vector.shape_cast %swap3A_222 : vector<16xi32> to vector<16xi32>
      %swap3A_224 = vector.shape_cast %add3A_218 : vector<16xi32> to vector<16xi32>
      tpu.vector_store %arg8[%swap3A_221], %swap3A_224 {strides = array<i32>} : memref<4096xi32, #tpu.memory_space<vmem>>, vector<16xi32>,
      %scan3A_225 = arith.constant 6 : i32
      %scan3A_226 = arith.addi %scan3A_96, %scan3A_225 : i32
      %mul3A_227 = arith.constant 16 : i32
      %mul3A_228 = arith.muli %scan3A_226, %mul3A_227 : i32
      %add3A_229 = arith.constant 10240 : i32
      %add3A_230 = arith.addi %add3A_229, %mul3A_228 : i32
      %get3A_231 = arith.index_cast %add3A_230 : i32 to index
      %get3A_232 = tpu.vector_load %arg6[%get3A_231] {strides = array<i32>} : memref<16384xi32, #tpu.memory_space<vmem>>, vector<16xi32>,
      %get3A_233 = vector.shape_cast %get3A_232 : vector<16xi32> to vector<16xi32>
      %swap3A_234 = arith.index_cast %mul3A_228 : i32 to index
      %swap3A_235 = tpu.vector_load %arg8[%swap3A_234] {strides = array<i32>} : memref<4096xi32, #tpu.memory_space<vmem>>, vector<16xi32>,
      %swap3A_236 = vector.shape_cast %swap3A_235 : vector<16xi32> to vector<16xi32>
      %swap3A_237 = vector.shape_cast %get3A_233 : vector<16xi32> to vector<16xi32>
      tpu.vector_store %arg8[%swap3A_234], %swap3A_237 {strides = array<i32>} : memref<4096xi32, #tpu.memory_space<vmem>>, vector<16xi32>,
      %add3A_238 = arith.constant 2048 : i32
      %add3A_239 = vector.broadcast %add3A_238 : i32 to vector<16xi32>
      %add3A_240 = arith.addi %get3A_233, %add3A_239 : vector<16xi32>
      %add3A_241 = arith.constant 2048 : i32
      %add3A_242 = arith.addi %add3A_241, %mul3A_228 : i32
      %swap3A_243 = arith.index_cast %add3A_242 : i32 to index
      %swap3A_244 = tpu.vector_load %arg8[%swap3A_243] {strides = array<i32>} : memref<4096xi32, #tpu.memory_space<vmem>>, vector<16xi32>,
      %swap3A_245 = vector.shape_cast %swap3A_244 : vector<16xi32> to vector<16xi32>
      %swap3A_246 = vector.shape_cast %add3A_240 : vector<16xi32> to vector<16xi32>
      tpu.vector_store %arg8[%swap3A_243], %swap3A_246 {strides = array<i32>} : memref<4096xi32, #tpu.memory_space<vmem>>, vector<16xi32>,
      %scan3A_247 = arith.constant 7 : i32
      %scan3A_248 = arith.addi %scan3A_96, %scan3A_247 : i32
      %mul3A_249 = arith.constant 16 : i32
      %mul3A_250 = arith.muli %scan3A_248, %mul3A_249 : i32
      %add3A_251 = arith.constant 10240 : i32
      %add3A_252 = arith.addi %add3A_251, %mul3A_250 : i32
      %get3A_253 = arith.index_cast %add3A_252 : i32 to index
      %get3A_254 = tpu.vector_load %arg6[%get3A_253] {strides = array<i32>} : memref<16384xi32, #tpu.memory_space<vmem>>, vector<16xi32>,
      %get3A_255 = vector.shape_cast %get3A_254 : vector<16xi32> to vector<16xi32>
      %swap3A_256 = arith.index_cast %mul3A_250 : i32 to index
      %swap3A_257 = tpu.vector_load %arg8[%swap3A_256] {strides = array<i32>} : memref<4096xi32, #tpu.memory_space<vmem>>, vector<16xi32>,
      %swap3A_258 = vector.shape_cast %swap3A_257 : vector<16xi32> to vector<16xi32>
      %swap3A_259 = vector.shape_cast %get3A_255 : vector<16xi32> to vector<16xi32>
      tpu.vector_store %arg8[%swap3A_256], %swap3A_259 {strides = array<i32>} : memref<4096xi32, #tpu.memory_space<vmem>>, vector<16xi32>,
      %add3A_260 = arith.constant 2048 : i32
      %add3A_261 = vector.broadcast %add3A_260 : i32 to vector<16xi32>
      %add3A_262 = arith.addi %get3A_255, %add3A_261 : vector<16xi32>
      %add3A_263 = arith.constant 2048 : i32
      %add3A_264 = arith.addi %add3A_263, %mul3A_250 : i32
      %swap3A_265 = arith.index_cast %add3A_264 : i32 to index
      %swap3A_266 = tpu.vector_load %arg8[%swap3A_265] {strides = array<i32>} : memref<4096xi32, #tpu.memory_space<vmem>>, vector<16xi32>,
      %swap3A_267 = vector.shape_cast %swap3A_266 : vector<16xi32> to vector<16xi32>
      %swap3A_268 = vector.shape_cast %add3A_262 : vector<16xi32> to vector<16xi32>
      tpu.vector_store %arg8[%swap3A_265], %swap3A_268 {strides = array<i32>} : memref<4096xi32, #tpu.memory_space<vmem>>, vector<16xi32>,
    }
    %scan3A_53 = arith.constant 128 : i32
    "tpu.trace_stop"() : () -> ()
    %dma_start3A_54 = arith.constant 0 : i32
    %dma_start3A_55 = tpu.memref_slice %arg3[%dma_start3A_54] : memref<4194304xi32, #tpu.memory_space<hbm>> -> memref<4194304xi32, #tpu.memory_space<hbm>>
    tpu.enqueue_indirect_dma source(%dma_start3A_55 : memref<4194304xi32, #tpu.memory_space<hbm>>) target(%arg12 : memref<4096xi32, #tpu.memory_space<vmem>>) offsets(%arg8 : memref<4096xi32, #tpu.memory_space<vmem>>) semaphore(%arg16 : memref<!tpu.dma_semaphore, #tpu.memory_space<semaphore_mem>>)
    "tpu.trace_start"() <{level = 10 : i32, message = "gather_wait"}> : () -> ()
    %dma_wait3A_56 = arith.constant 0 : i32
    %dma_wait3A_57 = tpu.memref_slice %arg3[%dma_wait3A_56] : memref<4194304xi32, #tpu.memory_space<hbm>> -> memref<4194304xi32, #tpu.memory_space<hbm>>
    tpu.wait_indirect_dma semaphore(%arg17 : memref<!tpu.dma_semaphore, #tpu.memory_space<semaphore_mem>>) src(%dma_wait3A_57 : memref<4194304xi32, #tpu.memory_space<hbm>>) dst(%arg13 : memref<4096xi32, #tpu.memory_space<vmem>>)
    "tpu.trace_stop"() : () -> ()
    "tpu.trace_start"() <{level = 10 : i32, message = "store_vals"}> : () -> ()
    %add3A_58 = arith.constant 4096 : i32
    %add3A_59 = arith.addi %mul3A_2, %add3A_58 : i32
    "tpu.region"() ({
      %run_scoped3A = tpu.sem_alloc : memref<!tpu.dma_semaphore, #tpu.memory_space<semaphore_mem>>
      %dma_start3A_96 = arith.constant 0 : i32
      %dma_start3A_97 = tpu.memref_slice %arg13[%dma_start3A_96] : memref<4096xi32, #tpu.memory_space<vmem>> -> memref<2048xi32, #tpu.memory_space<vmem>>
      %dma_start3A_98 = tpu.memref_slice %arg4[%add3A_59] : memref<524288xi32, #tpu.memory_space<hbm>> -> memref<2048xi32, #tpu.memory_space<hbm>>
      %dma_start3A_99 = tpu.memref_slice %arg4[%add3A_59] : memref<524288xi32, #tpu.memory_space<hbm>> -> memref<2048xi32, #tpu.memory_space<hbm>>
      %dma_start3A_100 = arith.constant 0 : i32
      %dma_start3A_101 = tpu.memref_slice %arg13[%dma_start3A_100] : memref<4096xi32, #tpu.memory_space<vmem>> -> memref<2048xi32, #tpu.memory_space<vmem>>
      tpu.enqueue_dma source(%dma_start3A_101 : memref<2048xi32, #tpu.memory_space<vmem>>) target(%dma_start3A_99 : memref<2048xi32, #tpu.memory_space<hbm>>) target_semaphore(%run_scoped3A : memref<!tpu.dma_semaphore, #tpu.memory_space<semaphore_mem>>)
      %dma_wait3A_102 = arith.constant 0 : i32
      %dma_wait3A_103 = tpu.memref_slice %arg13[%dma_wait3A_102] : memref<4096xi32, #tpu.memory_space<vmem>> -> memref<2048xi32, #tpu.memory_space<vmem>>
      %dma_wait3A_104 = tpu.memref_slice %arg4[%add3A_59] : memref<524288xi32, #tpu.memory_space<hbm>> -> memref<2048xi32, #tpu.memory_space<hbm>>
      %dma_wait3A_105 = tpu.memref_slice %arg4[%add3A_59] : memref<524288xi32, #tpu.memory_space<hbm>> -> memref<2048xi32, #tpu.memory_space<hbm>>
      %dma_wait3A_106 = arith.constant 0 : i32
      %dma_wait3A_107 = tpu.memref_slice %arg13[%dma_wait3A_106] : memref<4096xi32, #tpu.memory_space<vmem>> -> memref<2048xi32, #tpu.memory_space<vmem>>
      tpu.wait_dma2 semaphore(%run_scoped3A : memref<!tpu.dma_semaphore, #tpu.memory_space<semaphore_mem>>) src(%dma_wait3A_107 : memref<2048xi32, #tpu.memory_space<vmem>>) dst(%dma_wait3A_105 : memref<2048xi32, #tpu.memory_space<hbm>>)
      tpu.yield
    }) : () -> ()
    "tpu.region"() ({
      %run_scoped3A = tpu.sem_alloc : memref<!tpu.dma_semaphore, #tpu.memory_space<semaphore_mem>>
      %dma_start3A_96 = arith.constant 2048 : i32
      %dma_start3A_97 = tpu.memref_slice %arg13[%dma_start3A_96] : memref<4096xi32, #tpu.memory_space<vmem>> -> memref<2048xi32, #tpu.memory_space<vmem>>
      %dma_start3A_98 = tpu.memref_slice %arg5[%add3A_59] : memref<524288xi32, #tpu.memory_space<hbm>> -> memref<2048xi32, #tpu.memory_space<hbm>>
      %dma_start3A_99 = tpu.memref_slice %arg5[%add3A_59] : memref<524288xi32, #tpu.memory_space<hbm>> -> memref<2048xi32, #tpu.memory_space<hbm>>
      %dma_start3A_100 = arith.constant 2048 : i32
      %dma_start3A_101 = tpu.memref_slice %arg13[%dma_start3A_100] : memref<4096xi32, #tpu.memory_space<vmem>> -> memref<2048xi32, #tpu.memory_space<vmem>>
      tpu.enqueue_dma source(%dma_start3A_101 : memref<2048xi32, #tpu.memory_space<vmem>>) target(%dma_start3A_99 : memref<2048xi32, #tpu.memory_space<hbm>>) target_semaphore(%run_scoped3A : memref<!tpu.dma_semaphore, #tpu.memory_space<semaphore_mem>>)
      %dma_wait3A_102 = arith.constant 2048 : i32
      %dma_wait3A_103 = tpu.memref_slice %arg13[%dma_wait3A_102] : memref<4096xi32, #tpu.memory_space<vmem>> -> memref<2048xi32, #tpu.memory_space<vmem>>
      %dma_wait3A_104 = tpu.memref_slice %arg5[%add3A_59] : memref<524288xi32, #tpu.memory_space<hbm>> -> memref<2048xi32, #tpu.memory_space<hbm>>
      %dma_wait3A_105 = tpu.memref_slice %arg5[%add3A_59] : memref<524288xi32, #tpu.memory_space<hbm>> -> memref<2048xi32, #tpu.memory_space<hbm>>
      %dma_wait3A_106 = arith.constant 2048 : i32
      %dma_wait3A_107 = tpu.memref_slice %arg13[%dma_wait3A_106] : memref<4096xi32, #tpu.memory_space<vmem>> -> memref<2048xi32, #tpu.memory_space<vmem>>
      tpu.wait_dma2 semaphore(%run_scoped3A : memref<!tpu.dma_semaphore, #tpu.memory_space<semaphore_mem>>) src(%dma_wait3A_107 : memref<2048xi32, #tpu.memory_space<vmem>>) dst(%dma_wait3A_105 : memref<2048xi32, #tpu.memory_space<hbm>>)
      tpu.yield
    }) : () -> ()
    "tpu.trace_stop"() : () -> ()
    "tpu.trace_start"() <{level = 10 : i32, message = "build_idx"}> : () -> ()
    %scan3A_60 = arith.constant 0 : i32
    %scan3A_61 = arith.constant 0 : i32
    %scan3A_62 = arith.constant 128 : i32
    %scan3A_63 = arith.addi %scan3A_61, %scan3A_62 : i32
    %scan3A_64 = arith.constant 8 : i32
    scf.for %scan3A_96 = %scan3A_61 to %scan3A_63 step %scan3A_64  : i32 {
      %mul3A_97 = arith.constant 16 : i32
      %mul3A_98 = arith.muli %scan3A_96, %mul3A_97 : i32
      %add3A_99 = arith.constant 12288 : i32
      %add3A_100 = arith.addi %add3A_99, %mul3A_98 : i32
      %get3A = arith.index_cast %add3A_100 : i32 to index
      %get3A_101 = tpu.vector_load %arg6[%get3A] {strides = array<i32>} : memref<16384xi32, #tpu.memory_space<vmem>>, vector<16xi32>,
      %get3A_102 = vector.shape_cast %get3A_101 : vector<16xi32> to vector<16xi32>
      %swap3A = arith.index_cast %mul3A_98 : i32 to index
      %swap3A_103 = tpu.vector_load %arg9[%swap3A] {strides = array<i32>} : memref<4096xi32, #tpu.memory_space<vmem>>, vector<16xi32>,
      %swap3A_104 = vector.shape_cast %swap3A_103 : vector<16xi32> to vector<16xi32>
      %swap3A_105 = vector.shape_cast %get3A_102 : vector<16xi32> to vector<16xi32>
      tpu.vector_store %arg9[%swap3A], %swap3A_105 {strides = array<i32>} : memref<4096xi32, #tpu.memory_space<vmem>>, vector<16xi32>,
      %add3A_106 = arith.constant 2048 : i32
      %add3A_107 = vector.broadcast %add3A_106 : i32 to vector<16xi32>
      %add3A_108 = arith.addi %get3A_102, %add3A_107 : vector<16xi32>
      %add3A_109 = arith.constant 2048 : i32
      %add3A_110 = arith.addi %add3A_109, %mul3A_98 : i32
      %swap3A_111 = arith.index_cast %add3A_110 : i32 to index
      %swap3A_112 = tpu.vector_load %arg9[%swap3A_111] {strides = array<i32>} : memref<4096xi32, #tpu.memory_space<vmem>>, vector<16xi32>,
      %swap3A_113 = vector.shape_cast %swap3A_112 : vector<16xi32> to vector<16xi32>
      %swap3A_114 = vector.shape_cast %add3A_108 : vector<16xi32> to vector<16xi32>
      tpu.vector_store %arg9[%swap3A_111], %swap3A_114 {strides = array<i32>} : memref<4096xi32, #tpu.memory_space<vmem>>, vector<16xi32>,
      %scan3A_115 = arith.constant 1 : i32
      %scan3A_116 = arith.addi %scan3A_96, %scan3A_115 : i32
      %mul3A_117 = arith.constant 16 : i32
      %mul3A_118 = arith.muli %scan3A_116, %mul3A_117 : i32
      %add3A_119 = arith.constant 12288 : i32
      %add3A_120 = arith.addi %add3A_119, %mul3A_118 : i32
      %get3A_121 = arith.index_cast %add3A_120 : i32 to index
      %get3A_122 = tpu.vector_load %arg6[%get3A_121] {strides = array<i32>} : memref<16384xi32, #tpu.memory_space<vmem>>, vector<16xi32>,
      %get3A_123 = vector.shape_cast %get3A_122 : vector<16xi32> to vector<16xi32>
      %swap3A_124 = arith.index_cast %mul3A_118 : i32 to index
      %swap3A_125 = tpu.vector_load %arg9[%swap3A_124] {strides = array<i32>} : memref<4096xi32, #tpu.memory_space<vmem>>, vector<16xi32>,
      %swap3A_126 = vector.shape_cast %swap3A_125 : vector<16xi32> to vector<16xi32>
      %swap3A_127 = vector.shape_cast %get3A_123 : vector<16xi32> to vector<16xi32>
      tpu.vector_store %arg9[%swap3A_124], %swap3A_127 {strides = array<i32>} : memref<4096xi32, #tpu.memory_space<vmem>>, vector<16xi32>,
      %add3A_128 = arith.constant 2048 : i32
      %add3A_129 = vector.broadcast %add3A_128 : i32 to vector<16xi32>
      %add3A_130 = arith.addi %get3A_123, %add3A_129 : vector<16xi32>
      %add3A_131 = arith.constant 2048 : i32
      %add3A_132 = arith.addi %add3A_131, %mul3A_118 : i32
      %swap3A_133 = arith.index_cast %add3A_132 : i32 to index
      %swap3A_134 = tpu.vector_load %arg9[%swap3A_133] {strides = array<i32>} : memref<4096xi32, #tpu.memory_space<vmem>>, vector<16xi32>,
      %swap3A_135 = vector.shape_cast %swap3A_134 : vector<16xi32> to vector<16xi32>
      %swap3A_136 = vector.shape_cast %add3A_130 : vector<16xi32> to vector<16xi32>
      tpu.vector_store %arg9[%swap3A_133], %swap3A_136 {strides = array<i32>} : memref<4096xi32, #tpu.memory_space<vmem>>, vector<16xi32>,
      %scan3A_137 = arith.constant 2 : i32
      %scan3A_138 = arith.addi %scan3A_96, %scan3A_137 : i32
      %mul3A_139 = arith.constant 16 : i32
      %mul3A_140 = arith.muli %scan3A_138, %mul3A_139 : i32
      %add3A_141 = arith.constant 12288 : i32
      %add3A_142 = arith.addi %add3A_141, %mul3A_140 : i32
      %get3A_143 = arith.index_cast %add3A_142 : i32 to index
      %get3A_144 = tpu.vector_load %arg6[%get3A_143] {strides = array<i32>} : memref<16384xi32, #tpu.memory_space<vmem>>, vector<16xi32>,
      %get3A_145 = vector.shape_cast %get3A_144 : vector<16xi32> to vector<16xi32>
      %swap3A_146 = arith.index_cast %mul3A_140 : i32 to index
      %swap3A_147 = tpu.vector_load %arg9[%swap3A_146] {strides = array<i32>} : memref<4096xi32, #tpu.memory_space<vmem>>, vector<16xi32>,
      %swap3A_148 = vector.shape_cast %swap3A_147 : vector<16xi32> to vector<16xi32>
      %swap3A_149 = vector.shape_cast %get3A_145 : vector<16xi32> to vector<16xi32>
      tpu.vector_store %arg9[%swap3A_146], %swap3A_149 {strides = array<i32>} : memref<4096xi32, #tpu.memory_space<vmem>>, vector<16xi32>,
      %add3A_150 = arith.constant 2048 : i32
      %add3A_151 = vector.broadcast %add3A_150 : i32 to vector<16xi32>
      %add3A_152 = arith.addi %get3A_145, %add3A_151 : vector<16xi32>
      %add3A_153 = arith.constant 2048 : i32
      %add3A_154 = arith.addi %add3A_153, %mul3A_140 : i32
      %swap3A_155 = arith.index_cast %add3A_154 : i32 to index
      %swap3A_156 = tpu.vector_load %arg9[%swap3A_155] {strides = array<i32>} : memref<4096xi32, #tpu.memory_space<vmem>>, vector<16xi32>,
      %swap3A_157 = vector.shape_cast %swap3A_156 : vector<16xi32> to vector<16xi32>
      %swap3A_158 = vector.shape_cast %add3A_152 : vector<16xi32> to vector<16xi32>
      tpu.vector_store %arg9[%swap3A_155], %swap3A_158 {strides = array<i32>} : memref<4096xi32, #tpu.memory_space<vmem>>, vector<16xi32>,
      %scan3A_159 = arith.constant 3 : i32
      %scan3A_160 = arith.addi %scan3A_96, %scan3A_159 : i32
      %mul3A_161 = arith.constant 16 : i32
      %mul3A_162 = arith.muli %scan3A_160, %mul3A_161 : i32
      %add3A_163 = arith.constant 12288 : i32
      %add3A_164 = arith.addi %add3A_163, %mul3A_162 : i32
      %get3A_165 = arith.index_cast %add3A_164 : i32 to index
      %get3A_166 = tpu.vector_load %arg6[%get3A_165] {strides = array<i32>} : memref<16384xi32, #tpu.memory_space<vmem>>, vector<16xi32>,
      %get3A_167 = vector.shape_cast %get3A_166 : vector<16xi32> to vector<16xi32>
      %swap3A_168 = arith.index_cast %mul3A_162 : i32 to index
      %swap3A_169 = tpu.vector_load %arg9[%swap3A_168] {strides = array<i32>} : memref<4096xi32, #tpu.memory_space<vmem>>, vector<16xi32>,
      %swap3A_170 = vector.shape_cast %swap3A_169 : vector<16xi32> to vector<16xi32>
      %swap3A_171 = vector.shape_cast %get3A_167 : vector<16xi32> to vector<16xi32>
      tpu.vector_store %arg9[%swap3A_168], %swap3A_171 {strides = array<i32>} : memref<4096xi32, #tpu.memory_space<vmem>>, vector<16xi32>,
      %add3A_172 = arith.constant 2048 : i32
      %add3A_173 = vector.broadcast %add3A_172 : i32 to vector<16xi32>
      %add3A_174 = arith.addi %get3A_167, %add3A_173 : vector<16xi32>
      %add3A_175 = arith.constant 2048 : i32
      %add3A_176 = arith.addi %add3A_175, %mul3A_162 : i32
      %swap3A_177 = arith.index_cast %add3A_176 : i32 to index
      %swap3A_178 = tpu.vector_load %arg9[%swap3A_177] {strides = array<i32>} : memref<4096xi32, #tpu.memory_space<vmem>>, vector<16xi32>,
      %swap3A_179 = vector.shape_cast %swap3A_178 : vector<16xi32> to vector<16xi32>
      %swap3A_180 = vector.shape_cast %add3A_174 : vector<16xi32> to vector<16xi32>
      tpu.vector_store %arg9[%swap3A_177], %swap3A_180 {strides = array<i32>} : memref<4096xi32, #tpu.memory_space<vmem>>, vector<16xi32>,
      %scan3A_181 = arith.constant 4 : i32
      %scan3A_182 = arith.addi %scan3A_96, %scan3A_181 : i32
      %mul3A_183 = arith.constant 16 : i32
      %mul3A_184 = arith.muli %scan3A_182, %mul3A_183 : i32
      %add3A_185 = arith.constant 12288 : i32
      %add3A_186 = arith.addi %add3A_185, %mul3A_184 : i32
      %get3A_187 = arith.index_cast %add3A_186 : i32 to index
      %get3A_188 = tpu.vector_load %arg6[%get3A_187] {strides = array<i32>} : memref<16384xi32, #tpu.memory_space<vmem>>, vector<16xi32>,
      %get3A_189 = vector.shape_cast %get3A_188 : vector<16xi32> to vector<16xi32>
      %swap3A_190 = arith.index_cast %mul3A_184 : i32 to index
      %swap3A_191 = tpu.vector_load %arg9[%swap3A_190] {strides = array<i32>} : memref<4096xi32, #tpu.memory_space<vmem>>, vector<16xi32>,
      %swap3A_192 = vector.shape_cast %swap3A_191 : vector<16xi32> to vector<16xi32>
      %swap3A_193 = vector.shape_cast %get3A_189 : vector<16xi32> to vector<16xi32>
      tpu.vector_store %arg9[%swap3A_190], %swap3A_193 {strides = array<i32>} : memref<4096xi32, #tpu.memory_space<vmem>>, vector<16xi32>,
      %add3A_194 = arith.constant 2048 : i32
      %add3A_195 = vector.broadcast %add3A_194 : i32 to vector<16xi32>
      %add3A_196 = arith.addi %get3A_189, %add3A_195 : vector<16xi32>
      %add3A_197 = arith.constant 2048 : i32
      %add3A_198 = arith.addi %add3A_197, %mul3A_184 : i32
      %swap3A_199 = arith.index_cast %add3A_198 : i32 to index
      %swap3A_200 = tpu.vector_load %arg9[%swap3A_199] {strides = array<i32>} : memref<4096xi32, #tpu.memory_space<vmem>>, vector<16xi32>,
      %swap3A_201 = vector.shape_cast %swap3A_200 : vector<16xi32> to vector<16xi32>
      %swap3A_202 = vector.shape_cast %add3A_196 : vector<16xi32> to vector<16xi32>
      tpu.vector_store %arg9[%swap3A_199], %swap3A_202 {strides = array<i32>} : memref<4096xi32, #tpu.memory_space<vmem>>, vector<16xi32>,
      %scan3A_203 = arith.constant 5 : i32
      %scan3A_204 = arith.addi %scan3A_96, %scan3A_203 : i32
      %mul3A_205 = arith.constant 16 : i32
      %mul3A_206 = arith.muli %scan3A_204, %mul3A_205 : i32
      %add3A_207 = arith.constant 12288 : i32
      %add3A_208 = arith.addi %add3A_207, %mul3A_206 : i32
      %get3A_209 = arith.index_cast %add3A_208 : i32 to index
      %get3A_210 = tpu.vector_load %arg6[%get3A_209] {strides = array<i32>} : memref<16384xi32, #tpu.memory_space<vmem>>, vector<16xi32>,
      %get3A_211 = vector.shape_cast %get3A_210 : vector<16xi32> to vector<16xi32>
      %swap3A_212 = arith.index_cast %mul3A_206 : i32 to index
      %swap3A_213 = tpu.vector_load %arg9[%swap3A_212] {strides = array<i32>} : memref<4096xi32, #tpu.memory_space<vmem>>, vector<16xi32>,
      %swap3A_214 = vector.shape_cast %swap3A_213 : vector<16xi32> to vector<16xi32>
      %swap3A_215 = vector.shape_cast %get3A_211 : vector<16xi32> to vector<16xi32>
      tpu.vector_store %arg9[%swap3A_212], %swap3A_215 {strides = array<i32>} : memref<4096xi32, #tpu.memory_space<vmem>>, vector<16xi32>,
      %add3A_216 = arith.constant 2048 : i32
      %add3A_217 = vector.broadcast %add3A_216 : i32 to vector<16xi32>
      %add3A_218 = arith.addi %get3A_211, %add3A_217 : vector<16xi32>
      %add3A_219 = arith.constant 2048 : i32
      %add3A_220 = arith.addi %add3A_219, %mul3A_206 : i32
      %swap3A_221 = arith.index_cast %add3A_220 : i32 to index
      %swap3A_222 = tpu.vector_load %arg9[%swap3A_221] {strides = array<i32>} : memref<4096xi32, #tpu.memory_space<vmem>>, vector<16xi32>,
      %swap3A_223 = vector.shape_cast %swap3A_222 : vector<16xi32> to vector<16xi32>
      %swap3A_224 = vector.shape_cast %add3A_218 : vector<16xi32> to vector<16xi32>
      tpu.vector_store %arg9[%swap3A_221], %swap3A_224 {strides = array<i32>} : memref<4096xi32, #tpu.memory_space<vmem>>, vector<16xi32>,
      %scan3A_225 = arith.constant 6 : i32
      %scan3A_226 = arith.addi %scan3A_96, %scan3A_225 : i32
      %mul3A_227 = arith.constant 16 : i32
      %mul3A_228 = arith.muli %scan3A_226, %mul3A_227 : i32
      %add3A_229 = arith.constant 12288 : i32
      %add3A_230 = arith.addi %add3A_229, %mul3A_228 : i32
      %get3A_231 = arith.index_cast %add3A_230 : i32 to index
      %get3A_232 = tpu.vector_load %arg6[%get3A_231] {strides = array<i32>} : memref<16384xi32, #tpu.memory_space<vmem>>, vector<16xi32>,
      %get3A_233 = vector.shape_cast %get3A_232 : vector<16xi32> to vector<16xi32>
      %swap3A_234 = arith.index_cast %mul3A_228 : i32 to index
      %swap3A_235 = tpu.vector_load %arg9[%swap3A_234] {strides = array<i32>} : memref<4096xi32, #tpu.memory_space<vmem>>, vector<16xi32>,
      %swap3A_236 = vector.shape_cast %swap3A_235 : vector<16xi32> to vector<16xi32>
      %swap3A_237 = vector.shape_cast %get3A_233 : vector<16xi32> to vector<16xi32>
      tpu.vector_store %arg9[%swap3A_234], %swap3A_237 {strides = array<i32>} : memref<4096xi32, #tpu.memory_space<vmem>>, vector<16xi32>,
      %add3A_238 = arith.constant 2048 : i32
      %add3A_239 = vector.broadcast %add3A_238 : i32 to vector<16xi32>
      %add3A_240 = arith.addi %get3A_233, %add3A_239 : vector<16xi32>
      %add3A_241 = arith.constant 2048 : i32
      %add3A_242 = arith.addi %add3A_241, %mul3A_228 : i32
      %swap3A_243 = arith.index_cast %add3A_242 : i32 to index
      %swap3A_244 = tpu.vector_load %arg9[%swap3A_243] {strides = array<i32>} : memref<4096xi32, #tpu.memory_space<vmem>>, vector<16xi32>,
      %swap3A_245 = vector.shape_cast %swap3A_244 : vector<16xi32> to vector<16xi32>
      %swap3A_246 = vector.shape_cast %add3A_240 : vector<16xi32> to vector<16xi32>
      tpu.vector_store %arg9[%swap3A_243], %swap3A_246 {strides = array<i32>} : memref<4096xi32, #tpu.memory_space<vmem>>, vector<16xi32>,
      %scan3A_247 = arith.constant 7 : i32
      %scan3A_248 = arith.addi %scan3A_96, %scan3A_247 : i32
      %mul3A_249 = arith.constant 16 : i32
      %mul3A_250 = arith.muli %scan3A_248, %mul3A_249 : i32
      %add3A_251 = arith.constant 12288 : i32
      %add3A_252 = arith.addi %add3A_251, %mul3A_250 : i32
      %get3A_253 = arith.index_cast %add3A_252 : i32 to index
      %get3A_254 = tpu.vector_load %arg6[%get3A_253] {strides = array<i32>} : memref<16384xi32, #tpu.memory_space<vmem>>, vector<16xi32>,
      %get3A_255 = vector.shape_cast %get3A_254 : vector<16xi32> to vector<16xi32>
      %swap3A_256 = arith.index_cast %mul3A_250 : i32 to index
      %swap3A_257 = tpu.vector_load %arg9[%swap3A_256] {strides = array<i32>} : memref<4096xi32, #tpu.memory_space<vmem>>, vector<16xi32>,
      %swap3A_258 = vector.shape_cast %swap3A_257 : vector<16xi32> to vector<16xi32>
      %swap3A_259 = vector.shape_cast %get3A_255 : vector<16xi32> to vector<16xi32>
      tpu.vector_store %arg9[%swap3A_256], %swap3A_259 {strides = array<i32>} : memref<4096xi32, #tpu.memory_space<vmem>>, vector<16xi32>,
      %add3A_260 = arith.constant 2048 : i32
      %add3A_261 = vector.broadcast %add3A_260 : i32 to vector<16xi32>
      %add3A_262 = arith.addi %get3A_255, %add3A_261 : vector<16xi32>
      %add3A_263 = arith.constant 2048 : i32
      %add3A_264 = arith.addi %add3A_263, %mul3A_250 : i32
      %swap3A_265 = arith.index_cast %add3A_264 : i32 to index
      %swap3A_266 = tpu.vector_load %arg9[%swap3A_265] {strides = array<i32>} : memref<4096xi32, #tpu.memory_space<vmem>>, vector<16xi32>,
      %swap3A_267 = vector.shape_cast %swap3A_266 : vector<16xi32> to vector<16xi32>
      %swap3A_268 = vector.shape_cast %add3A_262 : vector<16xi32> to vector<16xi32>
      tpu.vector_store %arg9[%swap3A_265], %swap3A_268 {strides = array<i32>} : memref<4096xi32, #tpu.memory_space<vmem>>, vector<16xi32>,
    }
    %scan3A_65 = arith.constant 128 : i32
    "tpu.trace_stop"() : () -> ()
    %dma_start3A_66 = arith.constant 0 : i32
    %dma_start3A_67 = tpu.memref_slice %arg3[%dma_start3A_66] : memref<4194304xi32, #tpu.memory_space<hbm>> -> memref<4194304xi32, #tpu.memory_space<hbm>>
    tpu.enqueue_indirect_dma source(%dma_start3A_67 : memref<4194304xi32, #tpu.memory_space<hbm>>) target(%arg13 : memref<4096xi32, #tpu.memory_space<vmem>>) offsets(%arg9 : memref<4096xi32, #tpu.memory_space<vmem>>) semaphore(%arg17 : memref<!tpu.dma_semaphore, #tpu.memory_space<semaphore_mem>>)
    "tpu.trace_start"() <{level = 10 : i32, message = "gather_wait"}> : () -> ()
    %dma_wait3A_68 = arith.constant 0 : i32
    %dma_wait3A_69 = tpu.memref_slice %arg3[%dma_wait3A_68] : memref<4194304xi32, #tpu.memory_space<hbm>> -> memref<4194304xi32, #tpu.memory_space<hbm>>
    tpu.wait_indirect_dma semaphore(%arg18 : memref<!tpu.dma_semaphore, #tpu.memory_space<semaphore_mem>>) src(%dma_wait3A_69 : memref<4194304xi32, #tpu.memory_space<hbm>>) dst(%arg14 : memref<4096xi32, #tpu.memory_space<vmem>>)
    "tpu.trace_stop"() : () -> ()
    "tpu.trace_start"() <{level = 10 : i32, message = "store_vals"}> : () -> ()
    %add3A_70 = arith.constant 6144 : i32
    %add3A_71 = arith.addi %mul3A_2, %add3A_70 : i32
    "tpu.region"() ({
      %run_scoped3A = tpu.sem_alloc : memref<!tpu.dma_semaphore, #tpu.memory_space<semaphore_mem>>
      %dma_start3A_96 = arith.constant 0 : i32
      %dma_start3A_97 = tpu.memref_slice %arg14[%dma_start3A_96] : memref<4096xi32, #tpu.memory_space<vmem>> -> memref<2048xi32, #tpu.memory_space<vmem>>
      %dma_start3A_98 = tpu.memref_slice %arg4[%add3A_71] : memref<524288xi32, #tpu.memory_space<hbm>> -> memref<2048xi32, #tpu.memory_space<hbm>>
      %dma_start3A_99 = tpu.memref_slice %arg4[%add3A_71] : memref<524288xi32, #tpu.memory_space<hbm>> -> memref<2048xi32, #tpu.memory_space<hbm>>
      %dma_start3A_100 = arith.constant 0 : i32
      %dma_start3A_101 = tpu.memref_slice %arg14[%dma_start3A_100] : memref<4096xi32, #tpu.memory_space<vmem>> -> memref<2048xi32, #tpu.memory_space<vmem>>
      tpu.enqueue_dma source(%dma_start3A_101 : memref<2048xi32, #tpu.memory_space<vmem>>) target(%dma_start3A_99 : memref<2048xi32, #tpu.memory_space<hbm>>) target_semaphore(%run_scoped3A : memref<!tpu.dma_semaphore, #tpu.memory_space<semaphore_mem>>)
      %dma_wait3A_102 = arith.constant 0 : i32
      %dma_wait3A_103 = tpu.memref_slice %arg14[%dma_wait3A_102] : memref<4096xi32, #tpu.memory_space<vmem>> -> memref<2048xi32, #tpu.memory_space<vmem>>
      %dma_wait3A_104 = tpu.memref_slice %arg4[%add3A_71] : memref<524288xi32, #tpu.memory_space<hbm>> -> memref<2048xi32, #tpu.memory_space<hbm>>
      %dma_wait3A_105 = tpu.memref_slice %arg4[%add3A_71] : memref<524288xi32, #tpu.memory_space<hbm>> -> memref<2048xi32, #tpu.memory_space<hbm>>
      %dma_wait3A_106 = arith.constant 0 : i32
      %dma_wait3A_107 = tpu.memref_slice %arg14[%dma_wait3A_106] : memref<4096xi32, #tpu.memory_space<vmem>> -> memref<2048xi32, #tpu.memory_space<vmem>>
      tpu.wait_dma2 semaphore(%run_scoped3A : memref<!tpu.dma_semaphore, #tpu.memory_space<semaphore_mem>>) src(%dma_wait3A_107 : memref<2048xi32, #tpu.memory_space<vmem>>) dst(%dma_wait3A_105 : memref<2048xi32, #tpu.memory_space<hbm>>)
      tpu.yield
    }) : () -> ()
    "tpu.region"() ({
      %run_scoped3A = tpu.sem_alloc : memref<!tpu.dma_semaphore, #tpu.memory_space<semaphore_mem>>
      %dma_start3A_96 = arith.constant 2048 : i32
      %dma_start3A_97 = tpu.memref_slice %arg14[%dma_start3A_96] : memref<4096xi32, #tpu.memory_space<vmem>> -> memref<2048xi32, #tpu.memory_space<vmem>>
      %dma_start3A_98 = tpu.memref_slice %arg5[%add3A_71] : memref<524288xi32, #tpu.memory_space<hbm>> -> memref<2048xi32, #tpu.memory_space<hbm>>
      %dma_start3A_99 = tpu.memref_slice %arg5[%add3A_71] : memref<524288xi32, #tpu.memory_space<hbm>> -> memref<2048xi32, #tpu.memory_space<hbm>>
      %dma_start3A_100 = arith.constant 2048 : i32
      %dma_start3A_101 = tpu.memref_slice %arg14[%dma_start3A_100] : memref<4096xi32, #tpu.memory_space<vmem>> -> memref<2048xi32, #tpu.memory_space<vmem>>
      tpu.enqueue_dma source(%dma_start3A_101 : memref<2048xi32, #tpu.memory_space<vmem>>) target(%dma_start3A_99 : memref<2048xi32, #tpu.memory_space<hbm>>) target_semaphore(%run_scoped3A : memref<!tpu.dma_semaphore, #tpu.memory_space<semaphore_mem>>)
      %dma_wait3A_102 = arith.constant 2048 : i32
      %dma_wait3A_103 = tpu.memref_slice %arg14[%dma_wait3A_102] : memref<4096xi32, #tpu.memory_space<vmem>> -> memref<2048xi32, #tpu.memory_space<vmem>>
      %dma_wait3A_104 = tpu.memref_slice %arg5[%add3A_71] : memref<524288xi32, #tpu.memory_space<hbm>> -> memref<2048xi32, #tpu.memory_space<hbm>>
      %dma_wait3A_105 = tpu.memref_slice %arg5[%add3A_71] : memref<524288xi32, #tpu.memory_space<hbm>> -> memref<2048xi32, #tpu.memory_space<hbm>>
      %dma_wait3A_106 = arith.constant 2048 : i32
      %dma_wait3A_107 = tpu.memref_slice %arg14[%dma_wait3A_106] : memref<4096xi32, #tpu.memory_space<vmem>> -> memref<2048xi32, #tpu.memory_space<vmem>>
      tpu.wait_dma2 semaphore(%run_scoped3A : memref<!tpu.dma_semaphore, #tpu.memory_space<semaphore_mem>>) src(%dma_wait3A_107 : memref<2048xi32, #tpu.memory_space<vmem>>) dst(%dma_wait3A_105 : memref<2048xi32, #tpu.memory_space<hbm>>)
      tpu.yield
    }) : () -> ()
    "tpu.trace_stop"() : () -> ()
    "tpu.trace_start"() <{level = 10 : i32, message = "build_idx"}> : () -> ()
    %scan3A_72 = arith.constant 0 : i32
    %scan3A_73 = arith.constant 0 : i32
    %scan3A_74 = arith.constant 128 : i32
    %scan3A_75 = arith.addi %scan3A_73, %scan3A_74 : i32
    %scan3A_76 = arith.constant 8 : i32
    scf.for %scan3A_96 = %scan3A_73 to %scan3A_75 step %scan3A_76  : i32 {
      %mul3A_97 = arith.constant 16 : i32
      %mul3A_98 = arith.muli %scan3A_96, %mul3A_97 : i32
      %add3A_99 = arith.constant 14336 : i32
      %add3A_100 = arith.addi %add3A_99, %mul3A_98 : i32
      %get3A = arith.index_cast %add3A_100 : i32 to index
      %get3A_101 = tpu.vector_load %arg6[%get3A] {strides = array<i32>} : memref<16384xi32, #tpu.memory_space<vmem>>, vector<16xi32>,
      %get3A_102 = vector.shape_cast %get3A_101 : vector<16xi32> to vector<16xi32>
      %swap3A = arith.index_cast %mul3A_98 : i32 to index
      %swap3A_103 = tpu.vector_load %arg10[%swap3A] {strides = array<i32>} : memref<4096xi32, #tpu.memory_space<vmem>>, vector<16xi32>,
      %swap3A_104 = vector.shape_cast %swap3A_103 : vector<16xi32> to vector<16xi32>
      %swap3A_105 = vector.shape_cast %get3A_102 : vector<16xi32> to vector<16xi32>
      tpu.vector_store %arg10[%swap3A], %swap3A_105 {strides = array<i32>} : memref<4096xi32, #tpu.memory_space<vmem>>, vector<16xi32>,
      %add3A_106 = arith.constant 2048 : i32
      %add3A_107 = vector.broadcast %add3A_106 : i32 to vector<16xi32>
      %add3A_108 = arith.addi %get3A_102, %add3A_107 : vector<16xi32>
      %add3A_109 = arith.constant 2048 : i32
      %add3A_110 = arith.addi %add3A_109, %mul3A_98 : i32
      %swap3A_111 = arith.index_cast %add3A_110 : i32 to index
      %swap3A_112 = tpu.vector_load %arg10[%swap3A_111] {strides = array<i32>} : memref<4096xi32, #tpu.memory_space<vmem>>, vector<16xi32>,
      %swap3A_113 = vector.shape_cast %swap3A_112 : vector<16xi32> to vector<16xi32>
      %swap3A_114 = vector.shape_cast %add3A_108 : vector<16xi32> to vector<16xi32>
      tpu.vector_store %arg10[%swap3A_111], %swap3A_114 {strides = array<i32>} : memref<4096xi32, #tpu.memory_space<vmem>>, vector<16xi32>,
      %scan3A_115 = arith.constant 1 : i32
      %scan3A_116 = arith.addi %scan3A_96, %scan3A_115 : i32
      %mul3A_117 = arith.constant 16 : i32
      %mul3A_118 = arith.muli %scan3A_116, %mul3A_117 : i32
      %add3A_119 = arith.constant 14336 : i32
      %add3A_120 = arith.addi %add3A_119, %mul3A_118 : i32
      %get3A_121 = arith.index_cast %add3A_120 : i32 to index
      %get3A_122 = tpu.vector_load %arg6[%get3A_121] {strides = array<i32>} : memref<16384xi32, #tpu.memory_space<vmem>>, vector<16xi32>,
      %get3A_123 = vector.shape_cast %get3A_122 : vector<16xi32> to vector<16xi32>
      %swap3A_124 = arith.index_cast %mul3A_118 : i32 to index
      %swap3A_125 = tpu.vector_load %arg10[%swap3A_124] {strides = array<i32>} : memref<4096xi32, #tpu.memory_space<vmem>>, vector<16xi32>,
      %swap3A_126 = vector.shape_cast %swap3A_125 : vector<16xi32> to vector<16xi32>
      %swap3A_127 = vector.shape_cast %get3A_123 : vector<16xi32> to vector<16xi32>
      tpu.vector_store %arg10[%swap3A_124], %swap3A_127 {strides = array<i32>} : memref<4096xi32, #tpu.memory_space<vmem>>, vector<16xi32>,
      %add3A_128 = arith.constant 2048 : i32
      %add3A_129 = vector.broadcast %add3A_128 : i32 to vector<16xi32>
      %add3A_130 = arith.addi %get3A_123, %add3A_129 : vector<16xi32>
      %add3A_131 = arith.constant 2048 : i32
      %add3A_132 = arith.addi %add3A_131, %mul3A_118 : i32
      %swap3A_133 = arith.index_cast %add3A_132 : i32 to index
      %swap3A_134 = tpu.vector_load %arg10[%swap3A_133] {strides = array<i32>} : memref<4096xi32, #tpu.memory_space<vmem>>, vector<16xi32>,
      %swap3A_135 = vector.shape_cast %swap3A_134 : vector<16xi32> to vector<16xi32>
      %swap3A_136 = vector.shape_cast %add3A_130 : vector<16xi32> to vector<16xi32>
      tpu.vector_store %arg10[%swap3A_133], %swap3A_136 {strides = array<i32>} : memref<4096xi32, #tpu.memory_space<vmem>>, vector<16xi32>,
      %scan3A_137 = arith.constant 2 : i32
      %scan3A_138 = arith.addi %scan3A_96, %scan3A_137 : i32
      %mul3A_139 = arith.constant 16 : i32
      %mul3A_140 = arith.muli %scan3A_138, %mul3A_139 : i32
      %add3A_141 = arith.constant 14336 : i32
      %add3A_142 = arith.addi %add3A_141, %mul3A_140 : i32
      %get3A_143 = arith.index_cast %add3A_142 : i32 to index
      %get3A_144 = tpu.vector_load %arg6[%get3A_143] {strides = array<i32>} : memref<16384xi32, #tpu.memory_space<vmem>>, vector<16xi32>,
      %get3A_145 = vector.shape_cast %get3A_144 : vector<16xi32> to vector<16xi32>
      %swap3A_146 = arith.index_cast %mul3A_140 : i32 to index
      %swap3A_147 = tpu.vector_load %arg10[%swap3A_146] {strides = array<i32>} : memref<4096xi32, #tpu.memory_space<vmem>>, vector<16xi32>,
      %swap3A_148 = vector.shape_cast %swap3A_147 : vector<16xi32> to vector<16xi32>
      %swap3A_149 = vector.shape_cast %get3A_145 : vector<16xi32> to vector<16xi32>
      tpu.vector_store %arg10[%swap3A_146], %swap3A_149 {strides = array<i32>} : memref<4096xi32, #tpu.memory_space<vmem>>, vector<16xi32>,
      %add3A_150 = arith.constant 2048 : i32
      %add3A_151 = vector.broadcast %add3A_150 : i32 to vector<16xi32>
      %add3A_152 = arith.addi %get3A_145, %add3A_151 : vector<16xi32>
      %add3A_153 = arith.constant 2048 : i32
      %add3A_154 = arith.addi %add3A_153, %mul3A_140 : i32
      %swap3A_155 = arith.index_cast %add3A_154 : i32 to index
      %swap3A_156 = tpu.vector_load %arg10[%swap3A_155] {strides = array<i32>} : memref<4096xi32, #tpu.memory_space<vmem>>, vector<16xi32>,
      %swap3A_157 = vector.shape_cast %swap3A_156 : vector<16xi32> to vector<16xi32>
      %swap3A_158 = vector.shape_cast %add3A_152 : vector<16xi32> to vector<16xi32>
      tpu.vector_store %arg10[%swap3A_155], %swap3A_158 {strides = array<i32>} : memref<4096xi32, #tpu.memory_space<vmem>>, vector<16xi32>,
      %scan3A_159 = arith.constant 3 : i32
      %scan3A_160 = arith.addi %scan3A_96, %scan3A_159 : i32
      %mul3A_161 = arith.constant 16 : i32
      %mul3A_162 = arith.muli %scan3A_160, %mul3A_161 : i32
      %add3A_163 = arith.constant 14336 : i32
      %add3A_164 = arith.addi %add3A_163, %mul3A_162 : i32
      %get3A_165 = arith.index_cast %add3A_164 : i32 to index
      %get3A_166 = tpu.vector_load %arg6[%get3A_165] {strides = array<i32>} : memref<16384xi32, #tpu.memory_space<vmem>>, vector<16xi32>,
      %get3A_167 = vector.shape_cast %get3A_166 : vector<16xi32> to vector<16xi32>
      %swap3A_168 = arith.index_cast %mul3A_162 : i32 to index
      %swap3A_169 = tpu.vector_load %arg10[%swap3A_168] {strides = array<i32>} : memref<4096xi32, #tpu.memory_space<vmem>>, vector<16xi32>,
      %swap3A_170 = vector.shape_cast %swap3A_169 : vector<16xi32> to vector<16xi32>
      %swap3A_171 = vector.shape_cast %get3A_167 : vector<16xi32> to vector<16xi32>
      tpu.vector_store %arg10[%swap3A_168], %swap3A_171 {strides = array<i32>} : memref<4096xi32, #tpu.memory_space<vmem>>, vector<16xi32>,
      %add3A_172 = arith.constant 2048 : i32
      %add3A_173 = vector.broadcast %add3A_172 : i32 to vector<16xi32>
      %add3A_174 = arith.addi %get3A_167, %add3A_173 : vector<16xi32>
      %add3A_175 = arith.constant 2048 : i32
      %add3A_176 = arith.addi %add3A_175, %mul3A_162 : i32
      %swap3A_177 = arith.index_cast %add3A_176 : i32 to index
      %swap3A_178 = tpu.vector_load %arg10[%swap3A_177] {strides = array<i32>} : memref<4096xi32, #tpu.memory_space<vmem>>, vector<16xi32>,
      %swap3A_179 = vector.shape_cast %swap3A_178 : vector<16xi32> to vector<16xi32>
      %swap3A_180 = vector.shape_cast %add3A_174 : vector<16xi32> to vector<16xi32>
      tpu.vector_store %arg10[%swap3A_177], %swap3A_180 {strides = array<i32>} : memref<4096xi32, #tpu.memory_space<vmem>>, vector<16xi32>,
      %scan3A_181 = arith.constant 4 : i32
      %scan3A_182 = arith.addi %scan3A_96, %scan3A_181 : i32
      %mul3A_183 = arith.constant 16 : i32
      %mul3A_184 = arith.muli %scan3A_182, %mul3A_183 : i32
      %add3A_185 = arith.constant 14336 : i32
      %add3A_186 = arith.addi %add3A_185, %mul3A_184 : i32
      %get3A_187 = arith.index_cast %add3A_186 : i32 to index
      %get3A_188 = tpu.vector_load %arg6[%get3A_187] {strides = array<i32>} : memref<16384xi32, #tpu.memory_space<vmem>>, vector<16xi32>,
      %get3A_189 = vector.shape_cast %get3A_188 : vector<16xi32> to vector<16xi32>
      %swap3A_190 = arith.index_cast %mul3A_184 : i32 to index
      %swap3A_191 = tpu.vector_load %arg10[%swap3A_190] {strides = array<i32>} : memref<4096xi32, #tpu.memory_space<vmem>>, vector<16xi32>,
      %swap3A_192 = vector.shape_cast %swap3A_191 : vector<16xi32> to vector<16xi32>
      %swap3A_193 = vector.shape_cast %get3A_189 : vector<16xi32> to vector<16xi32>
      tpu.vector_store %arg10[%swap3A_190], %swap3A_193 {strides = array<i32>} : memref<4096xi32, #tpu.memory_space<vmem>>, vector<16xi32>,
      %add3A_194 = arith.constant 2048 : i32
      %add3A_195 = vector.broadcast %add3A_194 : i32 to vector<16xi32>
      %add3A_196 = arith.addi %get3A_189, %add3A_195 : vector<16xi32>
      %add3A_197 = arith.constant 2048 : i32
      %add3A_198 = arith.addi %add3A_197, %mul3A_184 : i32
      %swap3A_199 = arith.index_cast %add3A_198 : i32 to index
      %swap3A_200 = tpu.vector_load %arg10[%swap3A_199] {strides = array<i32>} : memref<4096xi32, #tpu.memory_space<vmem>>, vector<16xi32>,
      %swap3A_201 = vector.shape_cast %swap3A_200 : vector<16xi32> to vector<16xi32>
      %swap3A_202 = vector.shape_cast %add3A_196 : vector<16xi32> to vector<16xi32>
      tpu.vector_store %arg10[%swap3A_199], %swap3A_202 {strides = array<i32>} : memref<4096xi32, #tpu.memory_space<vmem>>, vector<16xi32>,
      %scan3A_203 = arith.constant 5 : i32
      %scan3A_204 = arith.addi %scan3A_96, %scan3A_203 : i32
      %mul3A_205 = arith.constant 16 : i32
      %mul3A_206 = arith.muli %scan3A_204, %mul3A_205 : i32
      %add3A_207 = arith.constant 14336 : i32
      %add3A_208 = arith.addi %add3A_207, %mul3A_206 : i32
      %get3A_209 = arith.index_cast %add3A_208 : i32 to index
      %get3A_210 = tpu.vector_load %arg6[%get3A_209] {strides = array<i32>} : memref<16384xi32, #tpu.memory_space<vmem>>, vector<16xi32>,
      %get3A_211 = vector.shape_cast %get3A_210 : vector<16xi32> to vector<16xi32>
      %swap3A_212 = arith.index_cast %mul3A_206 : i32 to index
      %swap3A_213 = tpu.vector_load %arg10[%swap3A_212] {strides = array<i32>} : memref<4096xi32, #tpu.memory_space<vmem>>, vector<16xi32>,
      %swap3A_214 = vector.shape_cast %swap3A_213 : vector<16xi32> to vector<16xi32>
      %swap3A_215 = vector.shape_cast %get3A_211 : vector<16xi32> to vector<16xi32>
      tpu.vector_store %arg10[%swap3A_212], %swap3A_215 {strides = array<i32>} : memref<4096xi32, #tpu.memory_space<vmem>>, vector<16xi32>,
      %add3A_216 = arith.constant 2048 : i32
      %add3A_217 = vector.broadcast %add3A_216 : i32 to vector<16xi32>
      %add3A_218 = arith.addi %get3A_211, %add3A_217 : vector<16xi32>
      %add3A_219 = arith.constant 2048 : i32
      %add3A_220 = arith.addi %add3A_219, %mul3A_206 : i32
      %swap3A_221 = arith.index_cast %add3A_220 : i32 to index
      %swap3A_222 = tpu.vector_load %arg10[%swap3A_221] {strides = array<i32>} : memref<4096xi32, #tpu.memory_space<vmem>>, vector<16xi32>,
      %swap3A_223 = vector.shape_cast %swap3A_222 : vector<16xi32> to vector<16xi32>
      %swap3A_224 = vector.shape_cast %add3A_218 : vector<16xi32> to vector<16xi32>
      tpu.vector_store %arg10[%swap3A_221], %swap3A_224 {strides = array<i32>} : memref<4096xi32, #tpu.memory_space<vmem>>, vector<16xi32>,
      %scan3A_225 = arith.constant 6 : i32
      %scan3A_226 = arith.addi %scan3A_96, %scan3A_225 : i32
      %mul3A_227 = arith.constant 16 : i32
      %mul3A_228 = arith.muli %scan3A_226, %mul3A_227 : i32
      %add3A_229 = arith.constant 14336 : i32
      %add3A_230 = arith.addi %add3A_229, %mul3A_228 : i32
      %get3A_231 = arith.index_cast %add3A_230 : i32 to index
      %get3A_232 = tpu.vector_load %arg6[%get3A_231] {strides = array<i32>} : memref<16384xi32, #tpu.memory_space<vmem>>, vector<16xi32>,
      %get3A_233 = vector.shape_cast %get3A_232 : vector<16xi32> to vector<16xi32>
      %swap3A_234 = arith.index_cast %mul3A_228 : i32 to index
      %swap3A_235 = tpu.vector_load %arg10[%swap3A_234] {strides = array<i32>} : memref<4096xi32, #tpu.memory_space<vmem>>, vector<16xi32>,
      %swap3A_236 = vector.shape_cast %swap3A_235 : vector<16xi32> to vector<16xi32>
      %swap3A_237 = vector.shape_cast %get3A_233 : vector<16xi32> to vector<16xi32>
      tpu.vector_store %arg10[%swap3A_234], %swap3A_237 {strides = array<i32>} : memref<4096xi32, #tpu.memory_space<vmem>>, vector<16xi32>,
      %add3A_238 = arith.constant 2048 : i32
      %add3A_239 = vector.broadcast %add3A_238 : i32 to vector<16xi32>
      %add3A_240 = arith.addi %get3A_233, %add3A_239 : vector<16xi32>
      %add3A_241 = arith.constant 2048 : i32
      %add3A_242 = arith.addi %add3A_241, %mul3A_228 : i32
      %swap3A_243 = arith.index_cast %add3A_242 : i32 to index
      %swap3A_244 = tpu.vector_load %arg10[%swap3A_243] {strides = array<i32>} : memref<4096xi32, #tpu.memory_space<vmem>>, vector<16xi32>,
      %swap3A_245 = vector.shape_cast %swap3A_244 : vector<16xi32> to vector<16xi32>
      %swap3A_246 = vector.shape_cast %add3A_240 : vector<16xi32> to vector<16xi32>
      tpu.vector_store %arg10[%swap3A_243], %swap3A_246 {strides = array<i32>} : memref<4096xi32, #tpu.memory_space<vmem>>, vector<16xi32>,
      %scan3A_247 = arith.constant 7 : i32
      %scan3A_248 = arith.addi %scan3A_96, %scan3A_247 : i32
      %mul3A_249 = arith.constant 16 : i32
      %mul3A_250 = arith.muli %scan3A_248, %mul3A_249 : i32
      %add3A_251 = arith.constant 14336 : i32
      %add3A_252 = arith.addi %add3A_251, %mul3A_250 : i32
      %get3A_253 = arith.index_cast %add3A_252 : i32 to index
      %get3A_254 = tpu.vector_load %arg6[%get3A_253] {strides = array<i32>} : memref<16384xi32, #tpu.memory_space<vmem>>, vector<16xi32>,
      %get3A_255 = vector.shape_cast %get3A_254 : vector<16xi32> to vector<16xi32>
      %swap3A_256 = arith.index_cast %mul3A_250 : i32 to index
      %swap3A_257 = tpu.vector_load %arg10[%swap3A_256] {strides = array<i32>} : memref<4096xi32, #tpu.memory_space<vmem>>, vector<16xi32>,
      %swap3A_258 = vector.shape_cast %swap3A_257 : vector<16xi32> to vector<16xi32>
      %swap3A_259 = vector.shape_cast %get3A_255 : vector<16xi32> to vector<16xi32>
      tpu.vector_store %arg10[%swap3A_256], %swap3A_259 {strides = array<i32>} : memref<4096xi32, #tpu.memory_space<vmem>>, vector<16xi32>,
      %add3A_260 = arith.constant 2048 : i32
      %add3A_261 = vector.broadcast %add3A_260 : i32 to vector<16xi32>
      %add3A_262 = arith.addi %get3A_255, %add3A_261 : vector<16xi32>
      %add3A_263 = arith.constant 2048 : i32
      %add3A_264 = arith.addi %add3A_263, %mul3A_250 : i32
      %swap3A_265 = arith.index_cast %add3A_264 : i32 to index
      %swap3A_266 = tpu.vector_load %arg10[%swap3A_265] {strides = array<i32>} : memref<4096xi32, #tpu.memory_space<vmem>>, vector<16xi32>,
      %swap3A_267 = vector.shape_cast %swap3A_266 : vector<16xi32> to vector<16xi32>
      %swap3A_268 = vector.shape_cast %add3A_262 : vector<16xi32> to vector<16xi32>
      tpu.vector_store %arg10[%swap3A_265], %swap3A_268 {strides = array<i32>} : memref<4096xi32, #tpu.memory_space<vmem>>, vector<16xi32>,
    }
    %scan3A_77 = arith.constant 128 : i32
    "tpu.trace_stop"() : () -> ()
    %dma_start3A_78 = arith.constant 0 : i32
    %dma_start3A_79 = tpu.memref_slice %arg3[%dma_start3A_78] : memref<4194304xi32, #tpu.memory_space<hbm>> -> memref<4194304xi32, #tpu.memory_space<hbm>>
    tpu.enqueue_indirect_dma source(%dma_start3A_79 : memref<4194304xi32, #tpu.memory_space<hbm>>) target(%arg14 : memref<4096xi32, #tpu.memory_space<vmem>>) offsets(%arg10 : memref<4096xi32, #tpu.memory_space<vmem>>) semaphore(%arg18 : memref<!tpu.dma_semaphore, #tpu.memory_space<semaphore_mem>>)
    "tpu.trace_start"() <{level = 10 : i32, message = "gather_wait"}> : () -> ()
    %dma_wait3A_80 = arith.constant 0 : i32
    %dma_wait3A_81 = tpu.memref_slice %arg3[%dma_wait3A_80] : memref<4194304xi32, #tpu.memory_space<hbm>> -> memref<4194304xi32, #tpu.memory_space<hbm>>
    tpu.wait_indirect_dma semaphore(%arg15 : memref<!tpu.dma_semaphore, #tpu.memory_space<semaphore_mem>>) src(%dma_wait3A_81 : memref<4194304xi32, #tpu.memory_space<hbm>>) dst(%arg11 : memref<4096xi32, #tpu.memory_space<vmem>>)
    "tpu.trace_stop"() : () -> ()
    "tpu.trace_start"() <{level = 10 : i32, message = "store_vals"}> : () -> ()
    %add3A_82 = arith.constant 8192 : i32
    %add3A_83 = arith.addi %mul3A_2, %add3A_82 : i32
    "tpu.region"() ({
      %run_scoped3A = tpu.sem_alloc : memref<!tpu.dma_semaphore, #tpu.memory_space<semaphore_mem>>
      %dma_start3A_96 = arith.constant 0 : i32
      %dma_start3A_97 = tpu.memref_slice %arg11[%dma_start3A_96] : memref<4096xi32, #tpu.memory_space<vmem>> -> memref<2048xi32, #tpu.memory_space<vmem>>
      %dma_start3A_98 = tpu.memref_slice %arg4[%add3A_83] : memref<524288xi32, #tpu.memory_space<hbm>> -> memref<2048xi32, #tpu.memory_space<hbm>>
      %dma_start3A_99 = tpu.memref_slice %arg4[%add3A_83] : memref<524288xi32, #tpu.memory_space<hbm>> -> memref<2048xi32, #tpu.memory_space<hbm>>
      %dma_start3A_100 = arith.constant 0 : i32
      %dma_start3A_101 = tpu.memref_slice %arg11[%dma_start3A_100] : memref<4096xi32, #tpu.memory_space<vmem>> -> memref<2048xi32, #tpu.memory_space<vmem>>
      tpu.enqueue_dma source(%dma_start3A_101 : memref<2048xi32, #tpu.memory_space<vmem>>) target(%dma_start3A_99 : memref<2048xi32, #tpu.memory_space<hbm>>) target_semaphore(%run_scoped3A : memref<!tpu.dma_semaphore, #tpu.memory_space<semaphore_mem>>)
      %dma_wait3A_102 = arith.constant 0 : i32
      %dma_wait3A_103 = tpu.memref_slice %arg11[%dma_wait3A_102] : memref<4096xi32, #tpu.memory_space<vmem>> -> memref<2048xi32, #tpu.memory_space<vmem>>
      %dma_wait3A_104 = tpu.memref_slice %arg4[%add3A_83] : memref<524288xi32, #tpu.memory_space<hbm>> -> memref<2048xi32, #tpu.memory_space<hbm>>
      %dma_wait3A_105 = tpu.memref_slice %arg4[%add3A_83] : memref<524288xi32, #tpu.memory_space<hbm>> -> memref<2048xi32, #tpu.memory_space<hbm>>
      %dma_wait3A_106 = arith.constant 0 : i32
      %dma_wait3A_107 = tpu.memref_slice %arg11[%dma_wait3A_106] : memref<4096xi32, #tpu.memory_space<vmem>> -> memref<2048xi32, #tpu.memory_space<vmem>>
      tpu.wait_dma2 semaphore(%run_scoped3A : memref<!tpu.dma_semaphore, #tpu.memory_space<semaphore_mem>>) src(%dma_wait3A_107 : memref<2048xi32, #tpu.memory_space<vmem>>) dst(%dma_wait3A_105 : memref<2048xi32, #tpu.memory_space<hbm>>)
      tpu.yield
    }) : () -> ()
    "tpu.region"() ({
      %run_scoped3A = tpu.sem_alloc : memref<!tpu.dma_semaphore, #tpu.memory_space<semaphore_mem>>
      %dma_start3A_96 = arith.constant 2048 : i32
      %dma_start3A_97 = tpu.memref_slice %arg11[%dma_start3A_96] : memref<4096xi32, #tpu.memory_space<vmem>> -> memref<2048xi32, #tpu.memory_space<vmem>>
      %dma_start3A_98 = tpu.memref_slice %arg5[%add3A_83] : memref<524288xi32, #tpu.memory_space<hbm>> -> memref<2048xi32, #tpu.memory_space<hbm>>
      %dma_start3A_99 = tpu.memref_slice %arg5[%add3A_83] : memref<524288xi32, #tpu.memory_space<hbm>> -> memref<2048xi32, #tpu.memory_space<hbm>>
      %dma_start3A_100 = arith.constant 2048 : i32
      %dma_start3A_101 = tpu.memref_slice %arg11[%dma_start3A_100] : memref<4096xi32, #tpu.memory_space<vmem>> -> memref<2048xi32, #tpu.memory_space<vmem>>
      tpu.enqueue_dma source(%dma_start3A_101 : memref<2048xi32, #tpu.memory_space<vmem>>) target(%dma_start3A_99 : memref<2048xi32, #tpu.memory_space<hbm>>) target_semaphore(%run_scoped3A : memref<!tpu.dma_semaphore, #tpu.memory_space<semaphore_mem>>)
      %dma_wait3A_102 = arith.constant 2048 : i32
      %dma_wait3A_103 = tpu.memref_slice %arg11[%dma_wait3A_102] : memref<4096xi32, #tpu.memory_space<vmem>> -> memref<2048xi32, #tpu.memory_space<vmem>>
      %dma_wait3A_104 = tpu.memref_slice %arg5[%add3A_83] : memref<524288xi32, #tpu.memory_space<hbm>> -> memref<2048xi32, #tpu.memory_space<hbm>>
      %dma_wait3A_105 = tpu.memref_slice %arg5[%add3A_83] : memref<524288xi32, #tpu.memory_space<hbm>> -> memref<2048xi32, #tpu.memory_space<hbm>>
      %dma_wait3A_106 = arith.constant 2048 : i32
      %dma_wait3A_107 = tpu.memref_slice %arg11[%dma_wait3A_106] : memref<4096xi32, #tpu.memory_space<vmem>> -> memref<2048xi32, #tpu.memory_space<vmem>>
      tpu.wait_dma2 semaphore(%run_scoped3A : memref<!tpu.dma_semaphore, #tpu.memory_space<semaphore_mem>>) src(%dma_wait3A_107 : memref<2048xi32, #tpu.memory_space<vmem>>) dst(%dma_wait3A_105 : memref<2048xi32, #tpu.memory_space<hbm>>)
      tpu.yield
    }) : () -> ()
    "tpu.trace_stop"() : () -> ()
    "tpu.trace_start"() <{level = 10 : i32, message = "gather_wait"}> : () -> ()
    %dma_wait3A_84 = arith.constant 0 : i32
    %dma_wait3A_85 = tpu.memref_slice %arg3[%dma_wait3A_84] : memref<4194304xi32, #tpu.memory_space<hbm>> -> memref<4194304xi32, #tpu.memory_space<hbm>>
    tpu.wait_indirect_dma semaphore(%arg16 : memref<!tpu.dma_semaphore, #tpu.memory_space<semaphore_mem>>) src(%dma_wait3A_85 : memref<4194304xi32, #tpu.memory_space<hbm>>) dst(%arg12 : memref<4096xi32, #tpu.memory_space<vmem>>)
    "tpu.trace_stop"() : () -> ()
    "tpu.trace_start"() <{level = 10 : i32, message = "store_vals"}> : () -> ()
    %add3A_86 = arith.constant 10240 : i32
    %add3A_87 = arith.addi %mul3A_2, %add3A_86 : i32
    "tpu.region"() ({
      %run_scoped3A = tpu.sem_alloc : memref<!tpu.dma_semaphore, #tpu.memory_space<semaphore_mem>>
      %dma_start3A_96 = arith.constant 0 : i32
      %dma_start3A_97 = tpu.memref_slice %arg12[%dma_start3A_96] : memref<4096xi32, #tpu.memory_space<vmem>> -> memref<2048xi32, #tpu.memory_space<vmem>>
      %dma_start3A_98 = tpu.memref_slice %arg4[%add3A_87] : memref<524288xi32, #tpu.memory_space<hbm>> -> memref<2048xi32, #tpu.memory_space<hbm>>
      %dma_start3A_99 = tpu.memref_slice %arg4[%add3A_87] : memref<524288xi32, #tpu.memory_space<hbm>> -> memref<2048xi32, #tpu.memory_space<hbm>>
      %dma_start3A_100 = arith.constant 0 : i32
      %dma_start3A_101 = tpu.memref_slice %arg12[%dma_start3A_100] : memref<4096xi32, #tpu.memory_space<vmem>> -> memref<2048xi32, #tpu.memory_space<vmem>>
      tpu.enqueue_dma source(%dma_start3A_101 : memref<2048xi32, #tpu.memory_space<vmem>>) target(%dma_start3A_99 : memref<2048xi32, #tpu.memory_space<hbm>>) target_semaphore(%run_scoped3A : memref<!tpu.dma_semaphore, #tpu.memory_space<semaphore_mem>>)
      %dma_wait3A_102 = arith.constant 0 : i32
      %dma_wait3A_103 = tpu.memref_slice %arg12[%dma_wait3A_102] : memref<4096xi32, #tpu.memory_space<vmem>> -> memref<2048xi32, #tpu.memory_space<vmem>>
      %dma_wait3A_104 = tpu.memref_slice %arg4[%add3A_87] : memref<524288xi32, #tpu.memory_space<hbm>> -> memref<2048xi32, #tpu.memory_space<hbm>>
      %dma_wait3A_105 = tpu.memref_slice %arg4[%add3A_87] : memref<524288xi32, #tpu.memory_space<hbm>> -> memref<2048xi32, #tpu.memory_space<hbm>>
      %dma_wait3A_106 = arith.constant 0 : i32
      %dma_wait3A_107 = tpu.memref_slice %arg12[%dma_wait3A_106] : memref<4096xi32, #tpu.memory_space<vmem>> -> memref<2048xi32, #tpu.memory_space<vmem>>
      tpu.wait_dma2 semaphore(%run_scoped3A : memref<!tpu.dma_semaphore, #tpu.memory_space<semaphore_mem>>) src(%dma_wait3A_107 : memref<2048xi32, #tpu.memory_space<vmem>>) dst(%dma_wait3A_105 : memref<2048xi32, #tpu.memory_space<hbm>>)
      tpu.yield
    }) : () -> ()
    "tpu.region"() ({
      %run_scoped3A = tpu.sem_alloc : memref<!tpu.dma_semaphore, #tpu.memory_space<semaphore_mem>>
      %dma_start3A_96 = arith.constant 2048 : i32
      %dma_start3A_97 = tpu.memref_slice %arg12[%dma_start3A_96] : memref<4096xi32, #tpu.memory_space<vmem>> -> memref<2048xi32, #tpu.memory_space<vmem>>
      %dma_start3A_98 = tpu.memref_slice %arg5[%add3A_87] : memref<524288xi32, #tpu.memory_space<hbm>> -> memref<2048xi32, #tpu.memory_space<hbm>>
      %dma_start3A_99 = tpu.memref_slice %arg5[%add3A_87] : memref<524288xi32, #tpu.memory_space<hbm>> -> memref<2048xi32, #tpu.memory_space<hbm>>
      %dma_start3A_100 = arith.constant 2048 : i32
      %dma_start3A_101 = tpu.memref_slice %arg12[%dma_start3A_100] : memref<4096xi32, #tpu.memory_space<vmem>> -> memref<2048xi32, #tpu.memory_space<vmem>>
      tpu.enqueue_dma source(%dma_start3A_101 : memref<2048xi32, #tpu.memory_space<vmem>>) target(%dma_start3A_99 : memref<2048xi32, #tpu.memory_space<hbm>>) target_semaphore(%run_scoped3A : memref<!tpu.dma_semaphore, #tpu.memory_space<semaphore_mem>>)
      %dma_wait3A_102 = arith.constant 2048 : i32
      %dma_wait3A_103 = tpu.memref_slice %arg12[%dma_wait3A_102] : memref<4096xi32, #tpu.memory_space<vmem>> -> memref<2048xi32, #tpu.memory_space<vmem>>
      %dma_wait3A_104 = tpu.memref_slice %arg5[%add3A_87] : memref<524288xi32, #tpu.memory_space<hbm>> -> memref<2048xi32, #tpu.memory_space<hbm>>
      %dma_wait3A_105 = tpu.memref_slice %arg5[%add3A_87] : memref<524288xi32, #tpu.memory_space<hbm>> -> memref<2048xi32, #tpu.memory_space<hbm>>
      %dma_wait3A_106 = arith.constant 2048 : i32
      %dma_wait3A_107 = tpu.memref_slice %arg12[%dma_wait3A_106] : memref<4096xi32, #tpu.memory_space<vmem>> -> memref<2048xi32, #tpu.memory_space<vmem>>
      tpu.wait_dma2 semaphore(%run_scoped3A : memref<!tpu.dma_semaphore, #tpu.memory_space<semaphore_mem>>) src(%dma_wait3A_107 : memref<2048xi32, #tpu.memory_space<vmem>>) dst(%dma_wait3A_105 : memref<2048xi32, #tpu.memory_space<hbm>>)
      tpu.yield
    }) : () -> ()
    "tpu.trace_stop"() : () -> ()
    "tpu.trace_start"() <{level = 10 : i32, message = "gather_wait"}> : () -> ()
    %dma_wait3A_88 = arith.constant 0 : i32
    %dma_wait3A_89 = tpu.memref_slice %arg3[%dma_wait3A_88] : memref<4194304xi32, #tpu.memory_space<hbm>> -> memref<4194304xi32, #tpu.memory_space<hbm>>
    tpu.wait_indirect_dma semaphore(%arg17 : memref<!tpu.dma_semaphore, #tpu.memory_space<semaphore_mem>>) src(%dma_wait3A_89 : memref<4194304xi32, #tpu.memory_space<hbm>>) dst(%arg13 : memref<4096xi32, #tpu.memory_space<vmem>>)
    "tpu.trace_stop"() : () -> ()
    "tpu.trace_start"() <{level = 10 : i32, message = "store_vals"}> : () -> ()
    %add3A_90 = arith.constant 12288 : i32
    %add3A_91 = arith.addi %mul3A_2, %add3A_90 : i32
    "tpu.region"() ({
      %run_scoped3A = tpu.sem_alloc : memref<!tpu.dma_semaphore, #tpu.memory_space<semaphore_mem>>
      %dma_start3A_96 = arith.constant 0 : i32
      %dma_start3A_97 = tpu.memref_slice %arg13[%dma_start3A_96] : memref<4096xi32, #tpu.memory_space<vmem>> -> memref<2048xi32, #tpu.memory_space<vmem>>
      %dma_start3A_98 = tpu.memref_slice %arg4[%add3A_91] : memref<524288xi32, #tpu.memory_space<hbm>> -> memref<2048xi32, #tpu.memory_space<hbm>>
      %dma_start3A_99 = tpu.memref_slice %arg4[%add3A_91] : memref<524288xi32, #tpu.memory_space<hbm>> -> memref<2048xi32, #tpu.memory_space<hbm>>
      %dma_start3A_100 = arith.constant 0 : i32
      %dma_start3A_101 = tpu.memref_slice %arg13[%dma_start3A_100] : memref<4096xi32, #tpu.memory_space<vmem>> -> memref<2048xi32, #tpu.memory_space<vmem>>
      tpu.enqueue_dma source(%dma_start3A_101 : memref<2048xi32, #tpu.memory_space<vmem>>) target(%dma_start3A_99 : memref<2048xi32, #tpu.memory_space<hbm>>) target_semaphore(%run_scoped3A : memref<!tpu.dma_semaphore, #tpu.memory_space<semaphore_mem>>)
      %dma_wait3A_102 = arith.constant 0 : i32
      %dma_wait3A_103 = tpu.memref_slice %arg13[%dma_wait3A_102] : memref<4096xi32, #tpu.memory_space<vmem>> -> memref<2048xi32, #tpu.memory_space<vmem>>
      %dma_wait3A_104 = tpu.memref_slice %arg4[%add3A_91] : memref<524288xi32, #tpu.memory_space<hbm>> -> memref<2048xi32, #tpu.memory_space<hbm>>
      %dma_wait3A_105 = tpu.memref_slice %arg4[%add3A_91] : memref<524288xi32, #tpu.memory_space<hbm>> -> memref<2048xi32, #tpu.memory_space<hbm>>
      %dma_wait3A_106 = arith.constant 0 : i32
      %dma_wait3A_107 = tpu.memref_slice %arg13[%dma_wait3A_106] : memref<4096xi32, #tpu.memory_space<vmem>> -> memref<2048xi32, #tpu.memory_space<vmem>>
      tpu.wait_dma2 semaphore(%run_scoped3A : memref<!tpu.dma_semaphore, #tpu.memory_space<semaphore_mem>>) src(%dma_wait3A_107 : memref<2048xi32, #tpu.memory_space<vmem>>) dst(%dma_wait3A_105 : memref<2048xi32, #tpu.memory_space<hbm>>)
      tpu.yield
    }) : () -> ()
    "tpu.region"() ({
      %run_scoped3A = tpu.sem_alloc : memref<!tpu.dma_semaphore, #tpu.memory_space<semaphore_mem>>
      %dma_start3A_96 = arith.constant 2048 : i32
      %dma_start3A_97 = tpu.memref_slice %arg13[%dma_start3A_96] : memref<4096xi32, #tpu.memory_space<vmem>> -> memref<2048xi32, #tpu.memory_space<vmem>>
      %dma_start3A_98 = tpu.memref_slice %arg5[%add3A_91] : memref<524288xi32, #tpu.memory_space<hbm>> -> memref<2048xi32, #tpu.memory_space<hbm>>
      %dma_start3A_99 = tpu.memref_slice %arg5[%add3A_91] : memref<524288xi32, #tpu.memory_space<hbm>> -> memref<2048xi32, #tpu.memory_space<hbm>>
      %dma_start3A_100 = arith.constant 2048 : i32
      %dma_start3A_101 = tpu.memref_slice %arg13[%dma_start3A_100] : memref<4096xi32, #tpu.memory_space<vmem>> -> memref<2048xi32, #tpu.memory_space<vmem>>
      tpu.enqueue_dma source(%dma_start3A_101 : memref<2048xi32, #tpu.memory_space<vmem>>) target(%dma_start3A_99 : memref<2048xi32, #tpu.memory_space<hbm>>) target_semaphore(%run_scoped3A : memref<!tpu.dma_semaphore, #tpu.memory_space<semaphore_mem>>)
      %dma_wait3A_102 = arith.constant 2048 : i32
      %dma_wait3A_103 = tpu.memref_slice %arg13[%dma_wait3A_102] : memref<4096xi32, #tpu.memory_space<vmem>> -> memref<2048xi32, #tpu.memory_space<vmem>>
      %dma_wait3A_104 = tpu.memref_slice %arg5[%add3A_91] : memref<524288xi32, #tpu.memory_space<hbm>> -> memref<2048xi32, #tpu.memory_space<hbm>>
      %dma_wait3A_105 = tpu.memref_slice %arg5[%add3A_91] : memref<524288xi32, #tpu.memory_space<hbm>> -> memref<2048xi32, #tpu.memory_space<hbm>>
      %dma_wait3A_106 = arith.constant 2048 : i32
      %dma_wait3A_107 = tpu.memref_slice %arg13[%dma_wait3A_106] : memref<4096xi32, #tpu.memory_space<vmem>> -> memref<2048xi32, #tpu.memory_space<vmem>>
      tpu.wait_dma2 semaphore(%run_scoped3A : memref<!tpu.dma_semaphore, #tpu.memory_space<semaphore_mem>>) src(%dma_wait3A_107 : memref<2048xi32, #tpu.memory_space<vmem>>) dst(%dma_wait3A_105 : memref<2048xi32, #tpu.memory_space<hbm>>)
      tpu.yield
    }) : () -> ()
    "tpu.trace_stop"() : () -> ()
    "tpu.trace_start"() <{level = 10 : i32, message = "gather_wait"}> : () -> ()
    %dma_wait3A_92 = arith.constant 0 : i32
    %dma_wait3A_93 = tpu.memref_slice %arg3[%dma_wait3A_92] : memref<4194304xi32, #tpu.memory_space<hbm>> -> memref<4194304xi32, #tpu.memory_space<hbm>>
    tpu.wait_indirect_dma semaphore(%arg18 : memref<!tpu.dma_semaphore, #tpu.memory_space<semaphore_mem>>) src(%dma_wait3A_93 : memref<4194304xi32, #tpu.memory_space<hbm>>) dst(%arg14 : memref<4096xi32, #tpu.memory_space<vmem>>)
    "tpu.trace_stop"() : () -> ()
    "tpu.trace_start"() <{level = 10 : i32, message = "store_vals"}> : () -> ()
    %add3A_94 = arith.constant 14336 : i32
    %add3A_95 = arith.addi %mul3A_2, %add3A_94 : i32
    "tpu.region"() ({
      %run_scoped3A = tpu.sem_alloc : memref<!tpu.dma_semaphore, #tpu.memory_space<semaphore_mem>>
      %dma_start3A_96 = arith.constant 0 : i32
      %dma_start3A_97 = tpu.memref_slice %arg14[%dma_start3A_96] : memref<4096xi32, #tpu.memory_space<vmem>> -> memref<2048xi32, #tpu.memory_space<vmem>>
      %dma_start3A_98 = tpu.memref_slice %arg4[%add3A_95] : memref<524288xi32, #tpu.memory_space<hbm>> -> memref<2048xi32, #tpu.memory_space<hbm>>
      %dma_start3A_99 = tpu.memref_slice %arg4[%add3A_95] : memref<524288xi32, #tpu.memory_space<hbm>> -> memref<2048xi32, #tpu.memory_space<hbm>>
      %dma_start3A_100 = arith.constant 0 : i32
      %dma_start3A_101 = tpu.memref_slice %arg14[%dma_start3A_100] : memref<4096xi32, #tpu.memory_space<vmem>> -> memref<2048xi32, #tpu.memory_space<vmem>>
      tpu.enqueue_dma source(%dma_start3A_101 : memref<2048xi32, #tpu.memory_space<vmem>>) target(%dma_start3A_99 : memref<2048xi32, #tpu.memory_space<hbm>>) target_semaphore(%run_scoped3A : memref<!tpu.dma_semaphore, #tpu.memory_space<semaphore_mem>>)
      %dma_wait3A_102 = arith.constant 0 : i32
      %dma_wait3A_103 = tpu.memref_slice %arg14[%dma_wait3A_102] : memref<4096xi32, #tpu.memory_space<vmem>> -> memref<2048xi32, #tpu.memory_space<vmem>>
      %dma_wait3A_104 = tpu.memref_slice %arg4[%add3A_95] : memref<524288xi32, #tpu.memory_space<hbm>> -> memref<2048xi32, #tpu.memory_space<hbm>>
      %dma_wait3A_105 = tpu.memref_slice %arg4[%add3A_95] : memref<524288xi32, #tpu.memory_space<hbm>> -> memref<2048xi32, #tpu.memory_space<hbm>>
      %dma_wait3A_106 = arith.constant 0 : i32
      %dma_wait3A_107 = tpu.memref_slice %arg14[%dma_wait3A_106] : memref<4096xi32, #tpu.memory_space<vmem>> -> memref<2048xi32, #tpu.memory_space<vmem>>
      tpu.wait_dma2 semaphore(%run_scoped3A : memref<!tpu.dma_semaphore, #tpu.memory_space<semaphore_mem>>) src(%dma_wait3A_107 : memref<2048xi32, #tpu.memory_space<vmem>>) dst(%dma_wait3A_105 : memref<2048xi32, #tpu.memory_space<hbm>>)
      tpu.yield
    }) : () -> ()
    "tpu.region"() ({
      %run_scoped3A = tpu.sem_alloc : memref<!tpu.dma_semaphore, #tpu.memory_space<semaphore_mem>>
      %dma_start3A_96 = arith.constant 2048 : i32
      %dma_start3A_97 = tpu.memref_slice %arg14[%dma_start3A_96] : memref<4096xi32, #tpu.memory_space<vmem>> -> memref<2048xi32, #tpu.memory_space<vmem>>
      %dma_start3A_98 = tpu.memref_slice %arg5[%add3A_95] : memref<524288xi32, #tpu.memory_space<hbm>> -> memref<2048xi32, #tpu.memory_space<hbm>>
      %dma_start3A_99 = tpu.memref_slice %arg5[%add3A_95] : memref<524288xi32, #tpu.memory_space<hbm>> -> memref<2048xi32, #tpu.memory_space<hbm>>
      %dma_start3A_100 = arith.constant 2048 : i32
      %dma_start3A_101 = tpu.memref_slice %arg14[%dma_start3A_100] : memref<4096xi32, #tpu.memory_space<vmem>> -> memref<2048xi32, #tpu.memory_space<vmem>>
      tpu.enqueue_dma source(%dma_start3A_101 : memref<2048xi32, #tpu.memory_space<vmem>>) target(%dma_start3A_99 : memref<2048xi32, #tpu.memory_space<hbm>>) target_semaphore(%run_scoped3A : memref<!tpu.dma_semaphore, #tpu.memory_space<semaphore_mem>>)
      %dma_wait3A_102 = arith.constant 2048 : i32
      %dma_wait3A_103 = tpu.memref_slice %arg14[%dma_wait3A_102] : memref<4096xi32, #tpu.memory_space<vmem>> -> memref<2048xi32, #tpu.memory_space<vmem>>
      %dma_wait3A_104 = tpu.memref_slice %arg5[%add3A_95] : memref<524288xi32, #tpu.memory_space<hbm>> -> memref<2048xi32, #tpu.memory_space<hbm>>
      %dma_wait3A_105 = tpu.memref_slice %arg5[%add3A_95] : memref<524288xi32, #tpu.memory_space<hbm>> -> memref<2048xi32, #tpu.memory_space<hbm>>
      %dma_wait3A_106 = arith.constant 2048 : i32
      %dma_wait3A_107 = tpu.memref_slice %arg14[%dma_wait3A_106] : memref<4096xi32, #tpu.memory_space<vmem>> -> memref<2048xi32, #tpu.memory_space<vmem>>
      tpu.wait_dma2 semaphore(%run_scoped3A : memref<!tpu.dma_semaphore, #tpu.memory_space<semaphore_mem>>) src(%dma_wait3A_107 : memref<2048xi32, #tpu.memory_space<vmem>>) dst(%dma_wait3A_105 : memref<2048xi32, #tpu.memory_space<hbm>>)
      tpu.yield
    }) : () -> ()
    "tpu.trace_stop"() : () -> ()
    return
  }
}

module attributes {stable_mosaic.version = 14 : i64} {
  func.func @_prep_kernel(%arg0: i32, %arg1: memref<4xf32, #tpu.memory_space<smem>>, %arg2: memref<4096x128xf32, #tpu.memory_space<vmem>>, %arg3: memref<512x128xf32, #tpu.memory_space<vmem>>, %arg4: memref<512x128xf32, #tpu.memory_space<vmem>>, %arg5: memref<4096x128xi32, #tpu.memory_space<vmem>>, %arg6: memref<512x128xi32, #tpu.memory_space<vmem>>) attributes {dimension_semantics = [#tpu.dimension_semantics<arbitrary>], iteration_bounds = array<i64: 8>, scalar_prefetch = 0 : i64, scratch_operands = 0 : i64, tpu.core_type = #tpu.core_type<tc>, window_params = [{transform_indices = @transform_0, window_bounds = array<i64: 4>}, {transform_indices = @transform_1, window_bounds = array<i64: 4096, 128>}, {transform_indices = @transform_2, window_bounds = array<i64: 512, 128>}, {transform_indices = @transform_3, window_bounds = array<i64: 512, 128>}, {transform_indices = @transform_4, window_bounds = array<i64: 4096, 128>}, {transform_indices = @transform_5, window_bounds = array<i64: 512, 128>}]} {
    %get3A = arith.constant 0 : index
    %get3A_0 = arith.constant 0 : index
    %get3A_1 = vector.load %arg2[%get3A, %get3A_0] : memref<4096x128xf32, #tpu.memory_space<vmem>>, vector<4096x128xf32>
    %convert_element_type3A = arith.truncf %get3A_1 : vector<4096x128xf32> to vector<4096x128xbf16>
    %bitcast_convert_type3A = tpu.bitcast %convert_element_type3A : vector<4096x128xbf16> -> vector<4096x128xi16>
    %slice3A = vector.extract_strided_slice %bitcast_convert_type3A {offsets = [1, 0], sizes = [4095, 1], strides = [1, 1]} : vector<4096x128xi16> to vector<4095x1xi16>
    %slice3A_2 = vector.extract_strided_slice %bitcast_convert_type3A {offsets = [0, 0], sizes = [1, 1], strides = [1, 1]} : vector<4096x128xi16> to vector<1x1xi16>
    %concatenate3A = tpu.concatenate %slice3A, %slice3A_2 in 0 : vector<4095x1xi16>, vector<1x1xi16> -> vector<4096x1xi16>
    %slice3A_3 = vector.extract_strided_slice %bitcast_convert_type3A {offsets = [0, 1], sizes = [4096, 127], strides = [1, 1]} : vector<4096x128xi16> to vector<4096x127xi16>
    %concatenate3A_4 = tpu.concatenate %slice3A_3, %concatenate3A in 1 : vector<4096x127xi16>, vector<4096x1xi16> -> vector<4096x128xi16>
    %convert_element_type3A_5 = arith.extui %bitcast_convert_type3A : vector<4096x128xi16> to vector<4096x128xi32>
    %convert_element_type3A_6 = arith.extui %concatenate3A_4 : vector<4096x128xi16> to vector<4096x128xi32>
    %shift_left3A = arith.constant 16 : i32
    %shift_left3A_7 = vector.broadcast %shift_left3A : i32 to vector<4096x128xi32>
    %shift_left3A_8 = arith.shli %convert_element_type3A_6, %shift_left3A_7 : vector<4096x128xi32>
    %or3A = arith.ori %convert_element_type3A_5, %shift_left3A_8 : vector<4096x128xi32>
    %bitcast_convert_type3A_9 = tpu.bitcast %or3A : vector<4096x128xi32> -> vector<4096x128xi32>
    %swap3A = arith.constant 0 : index
    %swap3A_10 = arith.constant 0 : index
    %swap3A_11 = vector.load %arg5[%swap3A, %swap3A_10] : memref<4096x128xi32, #tpu.memory_space<vmem>>, vector<4096x128xi32>
    tpu.vector_store %arg5[%swap3A, %swap3A_10], %bitcast_convert_type3A_9 {strides = array<i32>} : memref<4096x128xi32, #tpu.memory_space<vmem>>, vector<4096x128xi32>,
    %get3A_12 = arith.constant 0 : index
    %get3A_13 = memref.load %arg1[%get3A_12] : memref<4xf32, #tpu.memory_space<smem>>
    %get3A_14 = arith.constant 1 : index
    %get3A_15 = memref.load %arg1[%get3A_14] : memref<4xf32, #tpu.memory_space<smem>>
    %get3A_16 = arith.constant 2 : index
    %get3A_17 = memref.load %arg1[%get3A_16] : memref<4xf32, #tpu.memory_space<smem>>
    %get3A_18 = arith.constant 3 : index
    %get3A_19 = memref.load %arg1[%get3A_18] : memref<4xf32, #tpu.memory_space<smem>>
    %get3A_20 = arith.constant 0 : index
    %get3A_21 = arith.constant 0 : index
    %get3A_22 = vector.load %arg3[%get3A_20, %get3A_21] : memref<512x128xf32, #tpu.memory_space<vmem>>, vector<512x128xf32>
    %mul3A = vector.broadcast %get3A_13 : f32 to vector<512x128xf32>
    %mul3A_23 = arith.mulf %get3A_22, %mul3A : vector<512x128xf32>
    %add3A = vector.broadcast %get3A_17 : f32 to vector<512x128xf32>
    %add3A_24 = arith.addf %mul3A_23, %add3A : vector<512x128xf32>
    %max3A = arith.constant 0.000000e+00 : f32
    %max3A_25 = vector.broadcast %max3A : f32 to vector<512x128xf32>
    %max3A_26 = arith.maximumf %add3A_24, %max3A_25 : vector<512x128xf32>
    %get3A_27 = arith.constant 0 : index
    %get3A_28 = arith.constant 0 : index
    %get3A_29 = vector.load %arg4[%get3A_27, %get3A_28] : memref<512x128xf32, #tpu.memory_space<vmem>>, vector<512x128xf32>
    %mul3A_30 = vector.broadcast %get3A_15 : f32 to vector<512x128xf32>
    %mul3A_31 = arith.mulf %get3A_29, %mul3A_30 : vector<512x128xf32>
    %add3A_32 = vector.broadcast %get3A_19 : f32 to vector<512x128xf32>
    %add3A_33 = arith.addf %mul3A_31, %add3A_32 : vector<512x128xf32>
    %max3A_34 = arith.constant 0.000000e+00 : f32
    %max3A_35 = vector.broadcast %max3A_34 : f32 to vector<512x128xf32>
    %max3A_36 = arith.maximumf %add3A_33, %max3A_35 : vector<512x128xf32>
    %convert_element_type3A_37 = arith.fptosi %max3A_26 : vector<512x128xf32> to vector<512x128xi32>
    %min3A = arith.constant 2046 : i32
    %min3A_38 = vector.broadcast %min3A : i32 to vector<512x128xi32>
    %min3A_39 = arith.minsi %convert_element_type3A_37, %min3A_38 : vector<512x128xi32>
    %convert_element_type3A_40 = arith.fptosi %max3A_36 : vector<512x128xf32> to vector<512x128xi32>
    %min3A_41 = arith.constant 2046 : i32
    %min3A_42 = vector.broadcast %min3A_41 : i32 to vector<512x128xi32>
    %min3A_43 = arith.minsi %convert_element_type3A_40, %min3A_42 : vector<512x128xi32>
    %mul3A_44 = arith.constant 2048 : i32
    %mul3A_45 = vector.broadcast %mul3A_44 : i32 to vector<512x128xi32>
    %mul3A_46 = arith.muli %min3A_39, %mul3A_45 : vector<512x128xi32>
    %add3A_47 = arith.addi %mul3A_46, %min3A_43 : vector<512x128xi32>
    %swap3A_48 = arith.constant 0 : index
    %swap3A_49 = arith.constant 0 : index
    %swap3A_50 = vector.load %arg6[%swap3A_48, %swap3A_49] : memref<512x128xi32, #tpu.memory_space<vmem>>, vector<512x128xi32>
    tpu.vector_store %arg6[%swap3A_48, %swap3A_49], %add3A_47 {strides = array<i32>} : memref<512x128xi32, #tpu.memory_space<vmem>>, vector<512x128xi32>,
    return
  }
  func.func @transform_0(%arg0: i32) -> i32 {
    %c0_i32 = arith.constant 0 : i32
    %c0_i32_0 = arith.constant 0 : i32
    return %c0_i32 : i32
  }
  func.func @transform_1(%arg0: i32) -> (i32, i32) {
    %c0_i32 = arith.constant 0 : i32
    %c0_i32_0 = arith.constant 0 : i32
    return %arg0, %c0_i32 : i32, i32
  }
  func.func @transform_2(%arg0: i32) -> (i32, i32) {
    %c0_i32 = arith.constant 0 : i32
    %c0_i32_0 = arith.constant 0 : i32
    return %arg0, %c0_i32 : i32, i32
  }
  func.func @transform_3(%arg0: i32) -> (i32, i32) {
    %c0_i32 = arith.constant 0 : i32
    %c0_i32_0 = arith.constant 0 : i32
    return %arg0, %c0_i32 : i32, i32
  }
  func.func @transform_4(%arg0: i32) -> (i32, i32) {
    %c0_i32 = arith.constant 0 : i32
    %c0_i32_0 = arith.constant 0 : i32
    return %arg0, %c0_i32 : i32, i32
  }
  func.func @transform_5(%arg0: i32) -> (i32, i32) {
    %c0_i32 = arith.constant 0 : i32
    %c0_i32_0 = arith.constant 0 : i32
    return %arg0, %c0_i32 : i32, i32
  }
}

module attributes {stable_mosaic.version = 14 : i64} {
  func.func @_combine_kernel(%arg0: i32, %arg1: memref<4xf32, #tpu.memory_space<smem>>, %arg2: memref<1024x128xf32, #tpu.memory_space<vmem>>, %arg3: memref<1024x128xf32, #tpu.memory_space<vmem>>, %arg4: memref<1024x128xi32, #tpu.memory_space<vmem>>, %arg5: memref<1024x128xi32, #tpu.memory_space<vmem>>, %arg6: memref<1024x128xf32, #tpu.memory_space<vmem>>) attributes {dimension_semantics = [#tpu.dimension_semantics<arbitrary>], iteration_bounds = array<i64: 4>, scalar_prefetch = 0 : i64, scratch_operands = 0 : i64, tpu.core_type = #tpu.core_type<tc>, window_params = [{transform_indices = @transform_0, window_bounds = array<i64: 4>}, {transform_indices = @transform_1, window_bounds = array<i64: 1024, 128>}, {transform_indices = @transform_2, window_bounds = array<i64: 1024, 128>}, {transform_indices = @transform_3, window_bounds = array<i64: 1024, 128>}, {transform_indices = @transform_4, window_bounds = array<i64: 1024, 128>}, {transform_indices = @transform_5, window_bounds = array<i64: 1024, 128>}]} {
    %get3A = arith.constant 0 : index
    %get3A_0 = memref.load %arg1[%get3A] : memref<4xf32, #tpu.memory_space<smem>>
    %get3A_1 = arith.constant 1 : index
    %get3A_2 = memref.load %arg1[%get3A_1] : memref<4xf32, #tpu.memory_space<smem>>
    %get3A_3 = arith.constant 2 : index
    %get3A_4 = memref.load %arg1[%get3A_3] : memref<4xf32, #tpu.memory_space<smem>>
    %get3A_5 = arith.constant 3 : index
    %get3A_6 = memref.load %arg1[%get3A_5] : memref<4xf32, #tpu.memory_space<smem>>
    %get3A_7 = arith.constant 0 : index
    %get3A_8 = arith.constant 0 : index
    %get3A_9 = vector.load %arg2[%get3A_7, %get3A_8] : memref<1024x128xf32, #tpu.memory_space<vmem>>, vector<1024x128xf32>
    %mul3A = vector.broadcast %get3A_0 : f32 to vector<1024x128xf32>
    %mul3A_10 = arith.mulf %get3A_9, %mul3A : vector<1024x128xf32>
    %add3A = vector.broadcast %get3A_4 : f32 to vector<1024x128xf32>
    %add3A_11 = arith.addf %mul3A_10, %add3A : vector<1024x128xf32>
    %max3A = arith.constant 0.000000e+00 : f32
    %max3A_12 = vector.broadcast %max3A : f32 to vector<1024x128xf32>
    %max3A_13 = arith.maximumf %add3A_11, %max3A_12 : vector<1024x128xf32>
    %get3A_14 = arith.constant 0 : index
    %get3A_15 = arith.constant 0 : index
    %get3A_16 = vector.load %arg3[%get3A_14, %get3A_15] : memref<1024x128xf32, #tpu.memory_space<vmem>>, vector<1024x128xf32>
    %mul3A_17 = vector.broadcast %get3A_2 : f32 to vector<1024x128xf32>
    %mul3A_18 = arith.mulf %get3A_16, %mul3A_17 : vector<1024x128xf32>
    %add3A_19 = vector.broadcast %get3A_6 : f32 to vector<1024x128xf32>
    %add3A_20 = arith.addf %mul3A_18, %add3A_19 : vector<1024x128xf32>
    %max3A_21 = arith.constant 0.000000e+00 : f32
    %max3A_22 = vector.broadcast %max3A_21 : f32 to vector<1024x128xf32>
    %max3A_23 = arith.maximumf %add3A_20, %max3A_22 : vector<1024x128xf32>
    %floor3A = math.floor %max3A_13 : vector<1024x128xf32>
    %min3A = arith.constant 2.046000e+03 : f32
    %min3A_24 = vector.broadcast %min3A : f32 to vector<1024x128xf32>
    %min3A_25 = arith.minimumf %floor3A, %min3A_24 : vector<1024x128xf32>
    %floor3A_26 = math.floor %max3A_23 : vector<1024x128xf32>
    %min3A_27 = arith.constant 2.046000e+03 : f32
    %min3A_28 = vector.broadcast %min3A_27 : f32 to vector<1024x128xf32>
    %min3A_29 = arith.minimumf %floor3A_26, %min3A_28 : vector<1024x128xf32>
    %sub3A = arith.subf %max3A_13, %min3A_25 : vector<1024x128xf32>
    %min3A_30 = arith.constant 1.000000e+00 : f32
    %min3A_31 = vector.broadcast %min3A_30 : f32 to vector<1024x128xf32>
    %min3A_32 = arith.minimumf %sub3A, %min3A_31 : vector<1024x128xf32>
    %sub3A_33 = arith.subf %max3A_23, %min3A_29 : vector<1024x128xf32>
    %min3A_34 = arith.constant 1.000000e+00 : f32
    %min3A_35 = vector.broadcast %min3A_34 : f32 to vector<1024x128xf32>
    %min3A_36 = arith.minimumf %sub3A_33, %min3A_35 : vector<1024x128xf32>
    %get3A_37 = arith.constant 0 : index
    %get3A_38 = arith.constant 0 : index
    %get3A_39 = vector.load %arg4[%get3A_37, %get3A_38] : memref<1024x128xi32, #tpu.memory_space<vmem>>, vector<1024x128xi32>
    %get3A_40 = arith.constant 0 : index
    %get3A_41 = arith.constant 0 : index
    %get3A_42 = vector.load %arg5[%get3A_40, %get3A_41] : memref<1024x128xi32, #tpu.memory_space<vmem>>, vector<1024x128xi32>
    %shift_left3A = arith.constant 16 : i32
    %shift_left3A_43 = vector.broadcast %shift_left3A : i32 to vector<1024x128xi32>
    %shift_left3A_44 = arith.shli %get3A_39, %shift_left3A_43 : vector<1024x128xi32>
    %bitcast_convert_type3A = tpu.bitcast %shift_left3A_44 : vector<1024x128xi32> -> vector<1024x128xf32>
    %and3A = arith.constant -65536 : i32
    %and3A_45 = vector.broadcast %and3A : i32 to vector<1024x128xi32>
    %and3A_46 = arith.andi %get3A_39, %and3A_45 : vector<1024x128xi32>
    %bitcast_convert_type3A_47 = tpu.bitcast %and3A_46 : vector<1024x128xi32> -> vector<1024x128xf32>
    %shift_left3A_48 = arith.constant 16 : i32
    %shift_left3A_49 = vector.broadcast %shift_left3A_48 : i32 to vector<1024x128xi32>
    %shift_left3A_50 = arith.shli %get3A_42, %shift_left3A_49 : vector<1024x128xi32>
    %bitcast_convert_type3A_51 = tpu.bitcast %shift_left3A_50 : vector<1024x128xi32> -> vector<1024x128xf32>
    %and3A_52 = arith.constant -65536 : i32
    %and3A_53 = vector.broadcast %and3A_52 : i32 to vector<1024x128xi32>
    %and3A_54 = arith.andi %get3A_42, %and3A_53 : vector<1024x128xi32>
    %bitcast_convert_type3A_55 = tpu.bitcast %and3A_54 : vector<1024x128xi32> -> vector<1024x128xf32>
    %sub3A_56 = arith.subf %bitcast_convert_type3A_47, %bitcast_convert_type3A : vector<1024x128xf32>
    %mul3A_57 = arith.mulf %min3A_36, %sub3A_56 : vector<1024x128xf32>
    %add3A_58 = arith.addf %mul3A_57, %bitcast_convert_type3A : vector<1024x128xf32>
    %sub3A_59 = arith.subf %bitcast_convert_type3A_55, %bitcast_convert_type3A_51 : vector<1024x128xf32>
    %mul3A_60 = arith.mulf %min3A_36, %sub3A_59 : vector<1024x128xf32>
    %add3A_61 = arith.addf %mul3A_60, %bitcast_convert_type3A_51 : vector<1024x128xf32>
    %sub3A_62 = arith.subf %add3A_61, %add3A_58 : vector<1024x128xf32>
    %mul3A_63 = arith.mulf %min3A_32, %sub3A_62 : vector<1024x128xf32>
    %add3A_64 = arith.addf %mul3A_63, %add3A_58 : vector<1024x128xf32>
    %swap3A = arith.constant 0 : index
    %swap3A_65 = arith.constant 0 : index
    %swap3A_66 = vector.load %arg6[%swap3A, %swap3A_65] : memref<1024x128xf32, #tpu.memory_space<vmem>>, vector<1024x128xf32>
    tpu.vector_store %arg6[%swap3A, %swap3A_65], %add3A_64 {strides = array<i32>} : memref<1024x128xf32, #tpu.memory_space<vmem>>, vector<1024x128xf32>,
    return
  }
  func.func @transform_0(%arg0: i32) -> i32 {
    %c0_i32 = arith.constant 0 : i32
    %c0_i32_0 = arith.constant 0 : i32
    return %c0_i32 : i32
  }
  func.func @transform_1(%arg0: i32) -> (i32, i32) {
    %c0_i32 = arith.constant 0 : i32
    %c0_i32_0 = arith.constant 0 : i32
    return %arg0, %c0_i32 : i32, i32
  }
  func.func @transform_2(%arg0: i32) -> (i32, i32) {
    %c0_i32 = arith.constant 0 : i32
    %c0_i32_0 = arith.constant 0 : i32
    return %arg0, %c0_i32 : i32, i32
  }
  func.func @transform_3(%arg0: i32) -> (i32, i32) {
    %c0_i32 = arith.constant 0 : i32
    %c0_i32_0 = arith.constant 0 : i32
    return %arg0, %c0_i32 : i32, i32
  }
  func.func @transform_4(%arg0: i32) -> (i32, i32) {
    %c0_i32 = arith.constant 0 : i32
    %c0_i32_0 = arith.constant 0 : i32
    return %arg0, %c0_i32 : i32, i32
  }
  func.func @transform_5(%arg0: i32) -> (i32, i32) {
    %c0_i32 = arith.constant 0 : i32
    %c0_i32_0 = arith.constant 0 : i32
    return %arg0, %c0_i32 : i32, i32
  }
}

</mosaic_0001>

<sc_bundles>
// kernel: kernel.5.cloned.1.call-start
scs
__scs_entry_jumppad:
0x0: {  	(pc) =	sbr.rel $0x88, $3  }
0x1: {  	(tag) =	ssettag $0x0;
	lr =	simm.s32 $0x1  }
0x2: {  	[smem:$0x3F9E] =	sst lr;
	_ =	strace $0xD0000000  }
0x3: {  	_ = 	snop  }
0x4: {  	_ = 	snop  }
0x5: {  	_ = 	snop  }
0x6: {  	_ = 	snop  }
0x7: {  	_ = 	snop  }
__scs_overlays_trampoline_lowered:
0x8: {  	[smem:$0x3FAD] =	sst s0  }
0x9: {  	[smem:$0x3FAE] =	sst s1  }
0xa: {  	[smem:$0x3FAF] =	sst s2  }
0xb: {  	[smem:$0x3FB0] =	sst s3  }
0xc: {  	[smem:$0x3FB1] =	sst s4  }
0xd: {  	[smem:$0x3FB2] =	sst s5  }
0xe: {  	[smem:$0x3FB3] =	sst s6  }
0xf: {  	[smem:$0x3FB4] =	sst s7  }
0x10: {  	[smem:$0x3FB5] =	sst s8  }
0x11: {  	[smem:$0x3FB6] =	sst s9;
	s0 =	simm.s32 @!p0 $0x0  }
0x12: {  	s1 =	sld [smem:$0x3F9C];
	s0 =	simm.s32 @p0 $0x1  }
0x13: {  	[smem:$0x3FB7] =	sst s0;
	s0 =	simm.s32 @!p1 $0x0  }
0x14: {  	s2 =	sld [smem:$0x3F9B];
	s0 =	simm.s32 @p1 $0x1  }
0x15: {  	[smem:$0x3FB8] =	sst s0;
	s0 =	simm.s32 @!p2 $0x0  }
0x16: {  	s3 =	sld [smem:$0x3FDB];
	s0 =	simm.s32 @p2 $0x1  }
0x17: {  	s4 =	simm.s32 $0x1BF5;
	[smem:$0x3FBA] =	sst s0  }
0x18: {  	s0 =	sld [smem:$0x3F9D];
	_ =	swait.ge [sflag:s4], $0x0  }
0x19: {  	s7 =	sld [smem:$0x3F9E]  }
0x1a: {  	s8 =	sadd.s32 $0xFFFFE003, lr  }
0x1b: {  	s9 =	sadd.s32 $0xFFFFFEF7, lr;
	s5 =	simm.s32 $0xFFFFFFFF;
	p2 =	slt.u32 s8, $0xFFFFF086  }
0x1c: {  	p1 =	slt.u32 s9, $0xF7A;
	s5 =	simm.s32 @!p2 $0x0  }
0x1d: {  	s5 =	simm.s32 @p1 $0x1;
	p0 =	seq.s32 s7, s2  }
0x1e: {  	s7 =	smul.u32 @!p0 $0xF7A, s2;
	p2 =	seq.s32 @!p0 s5, $0x0  }
0x1f: {  	s9 =	smul.u32 $0xF7A, s1;
	s8 =	simm.s32 @!p0 $0x1BF5;
	p2 =	por !p2, p0  }
0x20: {  	[sflag:s8] =	ssyncset.s32 @!p0 $0xFFFFF086;
	s6 =	sadd.s32 @!p0 s3, s7;
	s7 =	simm.s32 @!p0 $0x108  }
0x21: {  	s3 =	sadd.s32 s3, s9;
	s6 =	sadd.s32 @!p0 $0x88, s6;
	s7 =	simm.s32 @p2 $0x1082  }
0x22: {  	[simem:s7], [sflag:s8] =	dma.local @!p0 [hbm:s6], $0xF7A  }
0x23: {  	s9 =	sor.u32 $0xD0000000, s2;
	s6 =	simm.s32 $0x108;
	_ =	swait.ge @!p0 [sflag:s8], $0x0  }
0x24: {  	s3 =	sadd.s32 $0x88, s3;
	s6 =	simm.s32 @!p1 $0x1082;
	[sflag:s4] =	ssyncset.s32 $0xFFFFF086  }
0x25: {  	[simem:s6], [sflag:s4] =	dma.local [hbm:s3], $0xF7A  }
0x26: {  	[smem:$0x3F9E] =	sst s1;
	(tag) =	ssettag s2;
	_ =	strace s9  }
0x27: {  	s1 =	sld [smem:$0x3FAE]  }
0x28: {  	s2 =	sld [smem:$0x3FAF]  }
0x29: {  	s4 =	sld [smem:$0x3FB1]  }
0x2a: {  	p0 =	seq.s32 s5, $0x0;
	s5 =	sld [smem:$0x3FB2]  }
0x2b: {  	s6 =	sld [smem:$0x3FB3]  }
0x2c: {  	s7 =	sld [smem:$0x3FB4]  }
0x2d: {  	s3 =	simm.s32 $0x108;
	s8 =	sld [smem:$0x3FB5]  }
0x2e: {  	s3 =	simm.s32 @!p0 $0x1082;
	s9 =	sld [smem:$0x3FB6]  }
0x2f: {  	lr =	sadd.s32 s0, s3;
	s0 =	sld [smem:$0x3FAD]  }
0x30: {  	s3 =	sld [smem:$0x3FB0]  }
0x31: {  	[smem:$0x3FB9] =	sst s10  }
0x32: {  	s10 =	sld [smem:$0x3FB7];
	_ =	sdelay $0x3  }
0x33: {  	p0 =	seq.s32 s10, $0x1;
	s10 =	sld [smem:$0x3FB9];
	_ =	sdelay $0x3  }
0x34: {  	[smem:$0x3FB9] =	sst s10  }
0x35: {  	s10 =	sld [smem:$0x3FB8];
	_ =	sdelay $0x3  }
0x36: {  	p1 =	seq.s32 s10, $0x1;
	s10 =	sld [smem:$0x3FB9];
	_ =	sdelay $0x3  }
0x37: {  	[smem:$0x3FB9] =	sst s10  }
0x38: {  	s10 =	sld [smem:$0x3FBA]  }
0x39: {  	_ = 	snop;
	(pc) =	sbr.ind lr, $3  }
0x3a: {  	_ = 	snop  }
0x3b: {  	_ = 	snop  }
0x3c: {  	p2 =	seq.s32 s10, $0x1;
	s10 =	sld [smem:$0x3FB9]  }
0x3d: {  	_ =	shalt  }
0x3e: {  	_ =	shalt  }
0x3f: {  	_ =	shalt  }
0x40: {  	_ =	shalt  }
0x41: {  	_ =	shalt  }
0x42: {  	_ =	shalt  }
0x43: {  	_ =	shalt  }
0x44: {  	_ =	shalt  }
0x45: {  	_ =	shalt  }
0x46: {  	_ =	shalt  }
0x47: {  	_ =	shalt  }
0x48: {  	_ =	shalt  }
0x49: {  	_ =	shalt  }
0x4a: {  	_ =	shalt  }
0x4b: {  	_ =	shalt  }
0x4c: {  	_ =	shalt  }
0x4d: {  	_ =	shalt  }
0x4e: {  	_ =	shalt  }
0x4f: {  	_ =	shalt  }
0x50: {  	_ =	shalt  }
0x51: {  	_ =	shalt  }
0x52: {  	_ =	shalt  }
0x53: {  	_ =	shalt  }
0x54: {  	_ =	shalt  }
0x55: {  	_ =	shalt  }
0x56: {  	_ =	shalt  }
0x57: {  	_ =	shalt  }
0x58: {  	_ =	shalt  }
0x59: {  	_ =	shalt  }
0x5a: {  	_ =	shalt  }
0x5b: {  	_ =	shalt  }
0x5c: {  	_ =	shalt  }
0x5d: {  	_ =	shalt  }
0x5e: {  	_ =	shalt  }
0x5f: {  	_ =	shalt  }
0x60: {  	_ =	shalt  }
0x61: {  	_ =	shalt  }
0x62: {  	_ =	shalt  }
0x63: {  	_ =	shalt  }
0x64: {  	_ =	shalt  }
0x65: {  	_ =	shalt  }
0x66: {  	_ =	shalt  }
0x67: {  	_ =	shalt  }
0x68: {  	_ =	shalt  }
0x69: {  	_ =	shalt  }
0x6a: {  	_ =	shalt  }
0x6b: {  	_ =	shalt  }
0x6c: {  	_ =	shalt  }
0x6d: {  	_ =	shalt  }
0x6e: {  	_ =	shalt  }
0x6f: {  	_ =	shalt  }
0x70: {  	_ =	shalt  }
0x71: {  	_ =	shalt  }
0x72: {  	_ =	shalt  }
0x73: {  	_ =	shalt  }
0x74: {  	_ =	shalt  }
0x75: {  	_ =	shalt  }
0x76: {  	_ =	shalt  }
0x77: {  	_ =	shalt  }
0x78: {  	_ =	shalt  }
0x79: {  	_ =	shalt  }
0x7a: {  	_ =	shalt  }
0x7b: {  	_ =	shalt  }
0x7c: {  	_ =	shalt  }
0x7d: {  	_ =	shalt  }
0x7e: {  	_ =	shalt  }
0x7f: {  	_ =	shalt  }
0x80: {  	_ =	shalt  }
0x81: {  	_ =	shalt  }
0x82: {  	_ =	shalt  }
0x83: {  	_ =	shalt  }
0x84: {  	_ =	shalt  }
0x85: {  	_ =	shalt  }
0x86: {  	_ =	shalt  }
0x87: {  	_ =	shalt  }
.Lfunc_end0:
.L_simem_size_0:
called_computation_lowered:
.L_overlay_start_0:
0x88: {  	s2 =	sld [smem:$0x3FD9]  }
0x89: {  	s3 =	sld [smem:$0x3FFE];
	_ =	sdelay $0x1  }
0x8a: {  	s1 =	srdreg.scid  }
0x8b: {  	s0 =	sand.u32 $0x1, s1  }
0x8c: {  	s17 =	sshll.u32 s0, $0xA;
	s2 =	sadd.s32 s3, s2  }
0x8d: {  	s2 =	sadd.s32 s2, s17  }
0x8e: {  	[smem:$0x3FC5] =	sst s2  }
0x8f: {  	_ = 	snop  }
0x90: {  	s2 =	sld [smem:$0x3FD0];
	(tm) =	ssettm $0x1  }
0x91: {  	s18 =	sld [smem:$0x3FFB];
	_ =	sdelay $0x3  }
0x92: {  	_ =	strace s18  }
0x93: {  	s3 =	sld [smem:$0x3FFC];
	_ =	sdelay $0x3  }
0x94: {  	_ =	strace s3  }
0x95: {  	s3 =	sld [smem:$0x3FFD];
	_ =	sdelay $0x3  }
0x96: {  	_ =	strace s3  }
0x97: {  	_ =	strace $0x8FFFFFFF  }
0x98: {  	s19 =	sld [smem:$0x3FDB];
	_ =	sdelay $0x1  }
0x99: {  	s4 =	simm.s32 $_scs_section_size  }
0x9a: {  	s5 =	simm.s32 $_size__tile_overlayer_lowered;
	s6 =	simm.s32 $_tile_overlayer_lowered  }
0x9b: {  	s22 =	simm.s32 $0x1BFF;
	s21 =	sshll.u32 s6, $0x1;
	s3 =	sadd.s32 s4, s19  }
0x9c: {  	s7 =	simm.s32 $0x0;
	s20 =	sshll.u32 s5, $0x1;
	s5 =	sadd.s32 s21, s3  }
0x9d: {  	[timem:s7], [sflag:s22] =	dma.local [hbm:s5], s20  }
0x9e: {  	_ =	swait.ge [sflag:s22], s20  }
0x9f: {  	s4 =	ssub.s32 $0x0, s20;
	[sflag:s22] =	ssyncset.done $0x0  }
0xa0: {  	[sflag:s22] =	ssyncadd.s32 s4;
	_ =	sdelay $0x1  }
0xa1: {  	s23 =	simm.s32 $0x1B8B  }
0xa2: {  	_ =	swait.ge [sflag:s23], $0x1  }
0xa3: {  	[sflag:s23] =	ssyncset.done $0x0  }
0xa4: {  	s25 =	simm.s32 $0x1B8E;
	s24 =	sld [smem:$0x3FFE];
	[sflag:s23] =	ssyncadd.s32 $0xFFFFFFFF  }
0xa5: {  	s26 =	simm.s32 $execute0_lowered;
	[smem:$0x3FD2] =	sst s25  }
0xa6: {  	s5 =	sshll.u32 s26, $0x1;
	_ =	strace $0x80000046;
	[dreg:$0x1] =	wrdreg $0xFFFFFFFF  }
0xa7: {  	s28 =	simm.s32 $_size_execute0_lowered;
	s3 =	sadd.s32 s3, s5;
	[dreg:$0x0] =	wrdreg $0x0  }
0xa8: {  	s5 =	sshll.u32 s28, $0x1;
	[dreg:$0x2] =	wrdreg s3  }
0xa9: {  	[dreg:$0x3] =	wrdreg s5  }
0xaa: {  	[dreg:$0x4] =	wrdreg $0xC0  }
0xab: {  	_ =	task [dreg:s7], $0x5FFFF  }
0xac: {  	[dreg:$0x1] =	wrdreg $0xFFFFFFFF  }
0xad: {  	[dreg:$0x0] =	wrdreg $0x60  }
0xae: {  	[dreg:$0x2] =	wrdreg s2  }
0xaf: {  	[dreg:$0x3] =	wrdreg s24  }
0xb0: {  	[dreg:$0x4] =	wrdreg $0x9  }
0xb1: {  	_ =	task.clear_ibuf [dreg:s7], $0x5FFFF;
	_ =	strace $0x90000046  }
0xb2: {  	s29 =	simm.s32 $0x9;
	_ =	strace $0x80000061  }
0xb3: {  	_ =	swait.ge [sflag:s29], $0x1  }
0xb4: {  	[sflag:s29] =	ssyncadd.s32 $0xFFFFFFFF  }
0xb5: {  	_ =	strace $0x90000061  }
0xb6: {  	_ =	sfence  }
0xb7: {  	s30 =	sld [smem:$0x0];
	_ =	sdelay $0x2  }
0xb8: {  	s31 =	sshll.u32 s1, $0xD;
	s1 =	sshrl.u32 s1, $0x2  }
0xb9: {  	s3 =	sand.u32 $0x4000, s31;
	s1 =	sadd.s32 s1, s30  }
0xba: {  	s0 =	sor.u32 s3, s0;
	s1 =	sshll.u32 s1, $0x11  }
0xbb: {  	s0 =	sor.u32 s1, s0  }
0xbc: {  	s0 =	sadd.s32 $0x8F2B, s0  }
0xbd: {  	[sflag:s0] =	ssyncadd.remote.s32 $0x1  }
0xbe: {  	_ =	sfence.sel $0xFFFF  }
0xbf: {  	[dreg:$0x0] =	wrdreg $0xFFFFFFFF;
	(pc) =	sbr.abs _section_cstart, $3  }
0xc0: {  	[dreg:$0x1] =	wrdreg $0xFFFFFFFF  }
0xc1: {  	_ =	task.clear_ibuf [dreg:s7], $0x2FFFF;
	_ =	strace $0x9FFFFFFF  }
0xc2: {  	(tm) =	ssettm $0x7FFFFFFF  }
0xc3: {  	_ =	shalt  }
tec
execute0_lowered:
.L_overlay_start_1:
0x0: {  	(tag) =	ssettag $0x1  }
0x1: {  	s0 =	rddreg [dreg:$0x0]  }
0x2: {  	s2 =	rddreg [dreg:$0x1]  }
0x3: {  	s1 =	simm.s32 $0x0;
	s4 =	srdreg.scid;
	s7 =	stileid.u32  }
0x4: {  	s28 =	simm.s32 $0x9000;
	s29 =	simm.s32 $0x6000;
	s30 =	simm.s32 $0xA000  }
0x5: {  	s31 =	simm.s32 $0x7000;
	s9 =	simm.s32 $0xB800;
	s10 =	simm.s32 $0x0  }
0x6: {  	[smem:$0x7FF] =	sst s1;
	s3 =	sadd.s32 $0x1400, s2;
	s4 =	sand.u32 $0x1, s4  }
0x7: {  	s5 =	sadd.s32 $0x81400, s2;
	s7 =	sshll.u32 s7, $0xC;
	s6 =	ssub.s32 $0x2, s4  }
0x8: {  	s2 =	sadd.s32 $0x91400, s2;
	s4 =	sshll.u32 s4, $0xB;
	s8 =	sshrl.u32 s6, $0x1  }
0x9: {  	_ =	strace $0x80000047;
	s4 =	sor.u32 s4, s7;
	s6 =	ssub.s32 s6, s8  }
0xa: {  	s0 =	sadd.s32 s0, s4;
	s16 =	sor.u32 $0x100, s4;
	s7 =	sadd.s32 s5, s4  }
0xb: {  	s17 =	sadd.s32 s2, s4;
	s19 =	sor.u32 $0x200, s4;
	s20 =	sor.u32 $0x300, s4  }
0xc: {  	s24 =	sor.u32 $0x400, s4;
	s25 =	sor.u32 $0x500, s4;
	[dreg:$0x3] =	wrdreg s0  }
0xd: {  	s26 =	sor.u32 $0x600, s4;
	s4 =	sor.u32 $0x700, s4;
	[dreg:$0x4] =	wrdreg s7  }
0xe: {  	s8 =	simm.s32 $0xA800;
	[dreg:$0x5] =	wrdreg s17;
	s18 =	sadd.s32 s5, s16  }
0xf: {  	s0 =	sadd.s32 s2, s16;
	s21 =	sadd.s32 s5, s19;
	s22 =	sadd.s32 s5, s20  }
0x10: {  	s23 =	sadd.s32 s2, s20;
	s13 =	sadd.s32 s5, s24;
	s14 =	sadd.s32 s2, s24  }
0x11: {  	s15 =	sadd.s32 s5, s25;
	s16 =	sadd.s32 s2, s25;
	[dreg:$0x6] =	wrdreg s18  }
0x12: {  	s17 =	sadd.s32 s5, s26;
	s20 =	sadd.s32 s2, s4;
	[dreg:$0x7] =	wrdreg s0  }
0x13: {  	s25 =	simm.s32 $0x8000;
	s7 =	simm.s32 $0x3;
	[dreg:$0x8] =	wrdreg s21  }
0x14: {  	s24 =	simm.s32 $0x4;
	s0 =	sadd.s32 s2, s19;
	[dreg:$0xa] =	wrdreg s22  }
0x15: {  	[dreg:$0xb] =	wrdreg s23;
	s18 =	sadd.s32 s2, s26;
	s19 =	sadd.s32 s5, s4  }
0x16: {  	s21 =	smax.u32 s6, $0x1;
	s22 =	simm.s32 $0x5;
	s23 =	simm.s32 $0x1000  }
0x17: {  	s2 =	simm.s32 $0x1;
	s4 =	simm.s32 $0x8800;
	s5 =	simm.s32 $0x2  }
0x18: {  	s6 =	simm.s32 $0x9800;
	[dreg:$0x9] =	wrdreg s0;
	s0 =	simm.s32 $0xB000  }
.LBB2_1:
0x19: {  	_ =	strace $0x80000048  }
0x1a: {  	s11 =	rddreg [dreg:$0x3]  }
0x1b: {  	[tilespmem:s1], [sflag:$0x5] =	stream.linear.gather [hbm4b:s11+s1], $0x4000, $0x200038;
	[tilespmem:$0xC000] =	vst v63  }
0x1c: {  	_ =	swait.ge [sflag:s22], $0x4000  }
0x1d: {  	[sflag:s22] =	ssyncset.done $0x0  }
0x1e: {  	[sflag:s22] =	ssyncadd.s32 $0xFFFFC000  }
0x1f: {  	_ =	strace $0x90000048  }
0x20: {  	s12 =	simm.s32 $0x40;
	_ =	strace $0x80000049  }
0x21: {  	v0 =	vld [tilespmem:s12+$0xFFFFFFC0];
	_ =	sdelay $0x3  }
0x22: {  	s26 =	simm.s32 $0x4800  }
0x23: {  	[tilespmem:s26+$0xFFFFF800] =	vst v0;
	v0 =	vadd.s32 $0x800, v0  }
0x24: {  	[tilespmem:s26+$0x0] =	vst v0  }
0x25: {  	v0 =	vld [tilespmem:s12+$0xFFFFFFD0];
	_ =	sdelay $0x4  }
0x26: {  	[tilespmem:s26+$0xFFFFF810] =	vst v0;
	v0 =	vadd.s32 $0x800, v0  }
0x27: {  	[tilespmem:s26+$0x10] =	vst v0  }
0x28: {  	v0 =	vld [tilespmem:s12+$0xFFFFFFE0];
	_ =	sdelay $0x4  }
0x29: {  	[tilespmem:s26+$0xFFFFF820] =	vst v0;
	v0 =	vadd.s32 $0x800, v0  }
0x2a: {  	[tilespmem:s26+$0x20] =	vst v0  }
0x2b: {  	v0 =	vld [tilespmem:s12+$0xFFFFFFF0];
	_ =	sdelay $0x4  }
0x2c: {  	[tilespmem:s26+$0xFFFFF830] =	vst v0;
	v0 =	vadd.s32 $0x800, v0  }
0x2d: {  	[tilespmem:s26+$0x30] =	vst v0  }
0x2e: {  	v0 =	vld [tilespmem:s12+$0x0];
	_ =	sdelay $0x4  }
0x2f: {  	[tilespmem:s26+$0xFFFFF840] =	vst v0;
	v0 =	vadd.s32 $0x800, v0  }
0x30: {  	[tilespmem:s26+$0x40] =	vst v0  }
0x31: {  	v0 =	vld [tilespmem:s12+$0x10];
	_ =	sdelay $0x4  }
0x32: {  	[tilespmem:s26+$0xFFFFF850] =	vst v0;
	v0 =	vadd.s32 $0x800, v0  }
0x33: {  	[tilespmem:s26+$0x50] =	vst v0  }
0x34: {  	v0 =	vld [tilespmem:s12+$0x20];
	_ =	sdelay $0x4  }
0x35: {  	[tilespmem:s26+$0xFFFFF860] =	vst v0;
	v0 =	vadd.s32 $0x800, v0  }
0x36: {  	[tilespmem:s26+$0x60] =	vst v0  }
0x37: {  	v0 =	vld [tilespmem:s12+$0x30];
	_ =	sdelay $0x4  }
0x38: {  	[tilespmem:s26+$0xFFFFF870] =	vst v0;
	v0 =	vadd.s32 $0x800, v0  }
0x39: {  	s11 =	simm.s32 $0x0;
	s12 =	simm.s32 $0xC0;
	[tilespmem:s26+$0x70] =	vst v0  }
.LBB2_2:
0x3a: {  	v0 =	vld [tilespmem:s12+$0xFFFFFFC0];
	s11 =	sadd.s32 $0x8, s11  }
0x3b: {  	p0 =	slt.u32 s11, $0x78;
	_ =	sdelay $0x2  }
0x3c: {  	s26 =	sadd.s32 $0x80, s26  }
0x3d: {  	[tilespmem:s26+$0xFFFFF800] =	vst v0;
	v0 =	vadd.s32 $0x800, v0  }
0x3e: {  	[tilespmem:s26+$0x0] =	vst v0  }
0x3f: {  	v0 =	vld [tilespmem:s12+$0xFFFFFFD0];
	_ =	sdelay $0x4  }
0x40: {  	[tilespmem:s26+$0xFFFFF810] =	vst v0;
	v0 =	vadd.s32 $0x800, v0  }
0x41: {  	[tilespmem:s26+$0x10] =	vst v0  }
0x42: {  	v0 =	vld [tilespmem:s12+$0xFFFFFFE0];
	_ =	sdelay $0x4  }
0x43: {  	[tilespmem:s26+$0xFFFFF820] =	vst v0;
	v0 =	vadd.s32 $0x800, v0  }
0x44: {  	[tilespmem:s26+$0x20] =	vst v0  }
0x45: {  	v0 =	vld [tilespmem:s12+$0xFFFFFFF0];
	_ =	sdelay $0x4  }
0x46: {  	[tilespmem:s26+$0xFFFFF830] =	vst v0;
	v0 =	vadd.s32 $0x800, v0  }
0x47: {  	[tilespmem:s26+$0x30] =	vst v0  }
0x48: {  	v0 =	vld [tilespmem:s12+$0x0];
	_ =	sdelay $0x4  }
0x49: {  	[tilespmem:s26+$0xFFFFF840] =	vst v0;
	v0 =	vadd.s32 $0x800, v0  }
0x4a: {  	[tilespmem:s26+$0x40] =	vst v0  }
0x4b: {  	v0 =	vld [tilespmem:s12+$0x10];
	_ =	sdelay $0x4  }
0x4c: {  	[tilespmem:s26+$0xFFFFF850] =	vst v0;
	v0 =	vadd.s32 $0x800, v0  }
0x4d: {  	[tilespmem:s26+$0x50] =	vst v0  }
0x4e: {  	v0 =	vld [tilespmem:s12+$0x20];
	_ =	sdelay $0x4  }
0x4f: {  	[tilespmem:s26+$0xFFFFF860] =	vst v0;
	v0 =	vadd.s32 $0x800, v0  }
0x50: {  	[tilespmem:s26+$0x60] =	vst v0  }
0x51: {  	v0 =	vld [tilespmem:s12+$0x30];
	_ =	sdelay $0x1  }
.Ltmp0:
0x52: {  	(pc) =	sbr.rel @p0 .LBB2_2-.Ltmp0, $3  }
0x53: {  	_ =	sdelay $0x1  }
0x54: {  	[tilespmem:s26+$0xFFFFF870] =	vst v0;
	v0 =	vadd.s32 $0x800, v0  }
0x55: {  	s12 =	sadd.s32 $0x80, s12;
	[tilespmem:s26+$0x70] =	vst v0  }
0x56: {  	_ =	strace $0x90000049;
	s11 =	simm.s32 $0x4000  }
0x57: {  	[tilespmem:s25], [sflag:$0x1] =	stream.indirect.gather [hbm4b:s3+s23], $0x1, s11, s23, $0xb8;
	[tilespmem:$0xC000] =	vst v63  }
0x58: {  	s12 =	simm.s32 $0x870;
	_ =	strace $0x8000004A  }
0x59: {  	v0 =	vld [tilespmem:s12+$0xFFFFFF90];
	_ =	sdelay $0x3  }
0x5a: {  	s26 =	simm.s32 $0x5800  }
0x5b: {  	[tilespmem:s26+$0xFFFFF800] =	vst v0;
	v0 =	vadd.s32 $0x800, v0  }
0x5c: {  	[tilespmem:s26+$0x0] =	vst v0  }
0x5d: {  	v0 =	vld [tilespmem:s12+$0xFFFFFFA0];
	_ =	sdelay $0x4  }
0x5e: {  	[tilespmem:s26+$0xFFFFF810] =	vst v0;
	v0 =	vadd.s32 $0x800, v0  }
0x5f: {  	[tilespmem:s26+$0x10] =	vst v0  }
0x60: {  	v0 =	vld [tilespmem:s12+$0xFFFFFFB0];
	_ =	sdelay $0x4  }
0x61: {  	[tilespmem:s26+$0xFFFFF820] =	vst v0;
	v0 =	vadd.s32 $0x800, v0  }
0x62: {  	[tilespmem:s26+$0x20] =	vst v0  }
0x63: {  	v0 =	vld [tilespmem:s12+$0xFFFFFFC0];
	_ =	sdelay $0x4  }
0x64: {  	[tilespmem:s26+$0xFFFFF830] =	vst v0;
	v0 =	vadd.s32 $0x800, v0  }
0x65: {  	[tilespmem:s26+$0x30] =	vst v0  }
0x66: {  	v0 =	vld [tilespmem:s12+$0xFFFFFFD0];
	_ =	sdelay $0x4  }
0x67: {  	[tilespmem:s26+$0xFFFFF840] =	vst v0;
	v0 =	vadd.s32 $0x800, v0  }
0x68: {  	[tilespmem:s26+$0x40] =	vst v0  }
0x69: {  	v0 =	vld [tilespmem:s12+$0xFFFFFFE0];
	_ =	sdelay $0x4  }
0x6a: {  	[tilespmem:s26+$0xFFFFF850] =	vst v0;
	v0 =	vadd.s32 $0x800, v0  }
0x6b: {  	[tilespmem:s26+$0x50] =	vst v0  }
0x6c: {  	v0 =	vld [tilespmem:s12+$0xFFFFFFF0];
	_ =	sdelay $0x4  }
0x6d: {  	[tilespmem:s26+$0xFFFFF860] =	vst v0;
	v0 =	vadd.s32 $0x800, v0  }
0x6e: {  	[tilespmem:s26+$0x60] =	vst v0  }
0x6f: {  	v0 =	vld [tilespmem:s12+$0x0];
	_ =	sdelay $0x4  }
0x70: {  	[tilespmem:s26+$0xFFFFF870] =	vst v0;
	v0 =	vadd.s32 $0x800, v0  }
0x71: {  	s11 =	simm.s32 $0x0;
	s12 =	simm.s32 $0x8F0;
	[tilespmem:s26+$0x70] =	vst v0  }
.LBB2_4:
0x72: {  	v0 =	vld [tilespmem:s12+$0xFFFFFF90];
	s11 =	sadd.s32 $0x8, s11  }
0x73: {  	p0 =	slt.u32 s11, $0x78;
	_ =	sdelay $0x2  }
0x74: {  	s26 =	sadd.s32 $0x80, s26  }
0x75: {  	[tilespmem:s26+$0xFFFFF800] =	vst v0;
	v0 =	vadd.s32 $0x800, v0  }
0x76: {  	[tilespmem:s26+$0x0] =	vst v0  }
0x77: {  	v0 =	vld [tilespmem:s12+$0xFFFFFFA0];
	_ =	sdelay $0x4  }
0x78: {  	[tilespmem:s26+$0xFFFFF810] =	vst v0;
	v0 =	vadd.s32 $0x800, v0  }
0x79: {  	[tilespmem:s26+$0x10] =	vst v0  }
0x7a: {  	v0 =	vld [tilespmem:s12+$0xFFFFFFB0];
	_ =	sdelay $0x4  }
0x7b: {  	[tilespmem:s26+$0xFFFFF820] =	vst v0;
	v0 =	vadd.s32 $0x800, v0  }
0x7c: {  	[tilespmem:s26+$0x20] =	vst v0  }
0x7d: {  	v0 =	vld [tilespmem:s12+$0xFFFFFFC0];
	_ =	sdelay $0x4  }
0x7e: {  	[tilespmem:s26+$0xFFFFF830] =	vst v0;
	v0 =	vadd.s32 $0x800, v0  }
0x7f: {  	[tilespmem:s26+$0x30] =	vst v0  }
0x80: {  	v0 =	vld [tilespmem:s12+$0xFFFFFFD0];
	_ =	sdelay $0x4  }
0x81: {  	[tilespmem:s26+$0xFFFFF840] =	vst v0;
	v0 =	vadd.s32 $0x800, v0  }
0x82: {  	[tilespmem:s26+$0x40] =	vst v0  }
0x83: {  	v0 =	vld [tilespmem:s12+$0xFFFFFFE0];
	_ =	sdelay $0x4  }
0x84: {  	[tilespmem:s26+$0xFFFFF850] =	vst v0;
	v0 =	vadd.s32 $0x800, v0  }
0x85: {  	[tilespmem:s26+$0x50] =	vst v0  }
0x86: {  	v0 =	vld [tilespmem:s12+$0xFFFFFFF0];
	_ =	sdelay $0x4  }
0x87: {  	[tilespmem:s26+$0xFFFFF860] =	vst v0;
	v0 =	vadd.s32 $0x800, v0  }
0x88: {  	[tilespmem:s26+$0x60] =	vst v0  }
0x89: {  	v0 =	vld [tilespmem:s12+$0x0];
	_ =	sdelay $0x1  }
.Ltmp1:
0x8a: {  	(pc) =	sbr.rel @p0 .LBB2_4-.Ltmp1, $3  }
0x8b: {  	_ =	sdelay $0x1  }
0x8c: {  	[tilespmem:s26+$0xFFFFF870] =	vst v0;
	v0 =	vadd.s32 $0x800, v0  }
0x8d: {  	s12 =	sadd.s32 $0x80, s12;
	[tilespmem:s26+$0x70] =	vst v0  }
0x8e: {  	_ =	strace $0x9000004A;
	s11 =	simm.s32 $0x5000  }
0x8f: {  	[tilespmem:s28], [sflag:$0x2] =	stream.indirect.gather [hbm4b:s3+s23], $0x1, s11, s23, $0xb8;
	[tilespmem:$0xC000] =	vst v63  }
0x90: {  	s12 =	simm.s32 $0x1070;
	_ =	strace $0x8000004B  }
0x91: {  	v0 =	vld [tilespmem:s12+$0xFFFFFF90];
	_ =	sdelay $0x3  }
0x92: {  	s26 =	simm.s32 $0x6800  }
0x93: {  	[tilespmem:s26+$0xFFFFF800] =	vst v0;
	v0 =	vadd.s32 $0x800, v0  }
0x94: {  	[tilespmem:s26+$0x0] =	vst v0  }
0x95: {  	v0 =	vld [tilespmem:s12+$0xFFFFFFA0];
	_ =	sdelay $0x4  }
0x96: {  	[tilespmem:s26+$0xFFFFF810] =	vst v0;
	v0 =	vadd.s32 $0x800, v0  }
0x97: {  	[tilespmem:s26+$0x10] =	vst v0  }
0x98: {  	v0 =	vld [tilespmem:s12+$0xFFFFFFB0];
	_ =	sdelay $0x4  }
0x99: {  	[tilespmem:s26+$0xFFFFF820] =	vst v0;
	v0 =	vadd.s32 $0x800, v0  }
0x9a: {  	[tilespmem:s26+$0x20] =	vst v0  }
0x9b: {  	v0 =	vld [tilespmem:s12+$0xFFFFFFC0];
	_ =	sdelay $0x4  }
0x9c: {  	[tilespmem:s26+$0xFFFFF830] =	vst v0;
	v0 =	vadd.s32 $0x800, v0  }
0x9d: {  	[tilespmem:s26+$0x30] =	vst v0  }
0x9e: {  	v0 =	vld [tilespmem:s12+$0xFFFFFFD0];
	_ =	sdelay $0x4  }
0x9f: {  	[tilespmem:s26+$0xFFFFF840] =	vst v0;
	v0 =	vadd.s32 $0x800, v0  }
0xa0: {  	[tilespmem:s26+$0x40] =	vst v0  }
0xa1: {  	v0 =	vld [tilespmem:s12+$0xFFFFFFE0];
	_ =	sdelay $0x4  }
0xa2: {  	[tilespmem:s26+$0xFFFFF850] =	vst v0;
	v0 =	vadd.s32 $0x800, v0  }
0xa3: {  	[tilespmem:s26+$0x50] =	vst v0  }
0xa4: {  	v0 =	vld [tilespmem:s12+$0xFFFFFFF0];
	_ =	sdelay $0x4  }
0xa5: {  	[tilespmem:s26+$0xFFFFF860] =	vst v0;
	v0 =	vadd.s32 $0x800, v0  }
0xa6: {  	[tilespmem:s26+$0x60] =	vst v0  }
0xa7: {  	v0 =	vld [tilespmem:s12+$0x0];
	_ =	sdelay $0x4  }
0xa8: {  	[tilespmem:s26+$0xFFFFF870] =	vst v0;
	v0 =	vadd.s32 $0x800, v0  }
0xa9: {  	s11 =	simm.s32 $0x0;
	s12 =	simm.s32 $0x10F0;
	[tilespmem:s26+$0x70] =	vst v0  }
.LBB2_6:
0xaa: {  	v0 =	vld [tilespmem:s12+$0xFFFFFF90];
	s11 =	sadd.s32 $0x8, s11  }
0xab: {  	p0 =	slt.u32 s11, $0x78;
	_ =	sdelay $0x2  }
0xac: {  	s26 =	sadd.s32 $0x80, s26  }
0xad: {  	[tilespmem:s26+$0xFFFFF800] =	vst v0;
	v0 =	vadd.s32 $0x800, v0  }
0xae: {  	[tilespmem:s26+$0x0] =	vst v0  }
0xaf: {  	v0 =	vld [tilespmem:s12+$0xFFFFFFA0];
	_ =	sdelay $0x4  }
0xb0: {  	[tilespmem:s26+$0xFFFFF810] =	vst v0;
	v0 =	vadd.s32 $0x800, v0  }
0xb1: {  	[tilespmem:s26+$0x10] =	vst v0  }
0xb2: {  	v0 =	vld [tilespmem:s12+$0xFFFFFFB0];
	_ =	sdelay $0x4  }
0xb3: {  	[tilespmem:s26+$0xFFFFF820] =	vst v0;
	v0 =	vadd.s32 $0x800, v0  }
0xb4: {  	[tilespmem:s26+$0x20] =	vst v0  }
0xb5: {  	v0 =	vld [tilespmem:s12+$0xFFFFFFC0];
	_ =	sdelay $0x4  }
0xb6: {  	[tilespmem:s26+$0xFFFFF830] =	vst v0;
	v0 =	vadd.s32 $0x800, v0  }
0xb7: {  	[tilespmem:s26+$0x30] =	vst v0  }
0xb8: {  	v0 =	vld [tilespmem:s12+$0xFFFFFFD0];
	_ =	sdelay $0x4  }
0xb9: {  	[tilespmem:s26+$0xFFFFF840] =	vst v0;
	v0 =	vadd.s32 $0x800, v0  }
0xba: {  	[tilespmem:s26+$0x40] =	vst v0  }
0xbb: {  	v0 =	vld [tilespmem:s12+$0xFFFFFFE0];
	_ =	sdelay $0x4  }
0xbc: {  	[tilespmem:s26+$0xFFFFF850] =	vst v0;
	v0 =	vadd.s32 $0x800, v0  }
0xbd: {  	[tilespmem:s26+$0x50] =	vst v0  }
0xbe: {  	v0 =	vld [tilespmem:s12+$0xFFFFFFF0];
	_ =	sdelay $0x4  }
0xbf: {  	[tilespmem:s26+$0xFFFFF860] =	vst v0;
	v0 =	vadd.s32 $0x800, v0  }
0xc0: {  	[tilespmem:s26+$0x60] =	vst v0  }
0xc1: {  	v0 =	vld [tilespmem:s12+$0x0];
	_ =	sdelay $0x1  }
.Ltmp2:
0xc2: {  	(pc) =	sbr.rel @p0 .LBB2_6-.Ltmp2, $3  }
0xc3: {  	_ =	sdelay $0x1  }
0xc4: {  	[tilespmem:s26+$0xFFFFF870] =	vst v0;
	v0 =	vadd.s32 $0x800, v0  }
0xc5: {  	s12 =	sadd.s32 $0x80, s12;
	[tilespmem:s26+$0x70] =	vst v0  }
0xc6: {  	_ =	strace $0x9000004B  }
0xc7: {  	[tilespmem:s30], [sflag:$0x3] =	stream.indirect.gather [hbm4b:s3+s23], $0x1, s29, s23, $0xb8;
	[tilespmem:$0xC000] =	vst v63  }
0xc8: {  	s11 =	simm.s32 $0x1870;
	_ =	strace $0x8000004C  }
0xc9: {  	v0 =	vld [tilespmem:s11+$0xFFFFFF90];
	_ =	sdelay $0x3  }
0xca: {  	s26 =	simm.s32 $0x7800  }
0xcb: {  	[tilespmem:s26+$0xFFFFF800] =	vst v0;
	v0 =	vadd.s32 $0x800, v0  }
0xcc: {  	[tilespmem:s26+$0x0] =	vst v0  }
0xcd: {  	v0 =	vld [tilespmem:s11+$0xFFFFFFA0];
	_ =	sdelay $0x4  }
0xce: {  	[tilespmem:s26+$0xFFFFF810] =	vst v0;
	v0 =	vadd.s32 $0x800, v0  }
0xcf: {  	[tilespmem:s26+$0x10] =	vst v0  }
0xd0: {  	v0 =	vld [tilespmem:s11+$0xFFFFFFB0];
	_ =	sdelay $0x4  }
0xd1: {  	[tilespmem:s26+$0xFFFFF820] =	vst v0;
	v0 =	vadd.s32 $0x800, v0  }
0xd2: {  	[tilespmem:s26+$0x20] =	vst v0  }
0xd3: {  	v0 =	vld [tilespmem:s11+$0xFFFFFFC0];
	_ =	sdelay $0x4  }
0xd4: {  	[tilespmem:s26+$0xFFFFF830] =	vst v0;
	v0 =	vadd.s32 $0x800, v0  }
0xd5: {  	[tilespmem:s26+$0x30] =	vst v0  }
0xd6: {  	v0 =	vld [tilespmem:s11+$0xFFFFFFD0];
	_ =	sdelay $0x4  }
0xd7: {  	[tilespmem:s26+$0xFFFFF840] =	vst v0;
	v0 =	vadd.s32 $0x800, v0  }
0xd8: {  	[tilespmem:s26+$0x40] =	vst v0  }
0xd9: {  	v0 =	vld [tilespmem:s11+$0xFFFFFFE0];
	_ =	sdelay $0x4  }
0xda: {  	[tilespmem:s26+$0xFFFFF850] =	vst v0;
	v0 =	vadd.s32 $0x800, v0  }
0xdb: {  	[tilespmem:s26+$0x50] =	vst v0  }
0xdc: {  	v0 =	vld [tilespmem:s11+$0xFFFFFFF0];
	_ =	sdelay $0x4  }
0xdd: {  	[tilespmem:s26+$0xFFFFF860] =	vst v0;
	v0 =	vadd.s32 $0x800, v0  }
0xde: {  	[tilespmem:s26+$0x60] =	vst v0  }
0xdf: {  	v0 =	vld [tilespmem:s11+$0x0];
	_ =	sdelay $0x4  }
0xe0: {  	[tilespmem:s26+$0xFFFFF870] =	vst v0;
	v0 =	vadd.s32 $0x800, v0  }
0xe1: {  	s12 =	simm.s32 $0x18F0;
	s11 =	simm.s32 $0x0;
	[tilespmem:s26+$0x70] =	vst v0  }
.LBB2_8:
0xe2: {  	v0 =	vld [tilespmem:s12+$0xFFFFFF90];
	s11 =	sadd.s32 $0x8, s11  }
0xe3: {  	p0 =	slt.u32 s11, $0x78;
	_ =	sdelay $0x2  }
0xe4: {  	s26 =	sadd.s32 $0x80, s26  }
0xe5: {  	[tilespmem:s26+$0xFFFFF800] =	vst v0;
	v0 =	vadd.s32 $0x800, v0  }
0xe6: {  	[tilespmem:s26+$0x0] =	vst v0  }
0xe7: {  	v0 =	vld [tilespmem:s12+$0xFFFFFFA0];
	_ =	sdelay $0x4  }
0xe8: {  	[tilespmem:s26+$0xFFFFF810] =	vst v0;
	v0 =	vadd.s32 $0x800, v0  }
0xe9: {  	[tilespmem:s26+$0x10] =	vst v0  }
0xea: {  	v0 =	vld [tilespmem:s12+$0xFFFFFFB0];
	_ =	sdelay $0x4  }
0xeb: {  	[tilespmem:s26+$0xFFFFF820] =	vst v0;
	v0 =	vadd.s32 $0x800, v0  }
0xec: {  	[tilespmem:s26+$0x20] =	vst v0  }
0xed: {  	v0 =	vld [tilespmem:s12+$0xFFFFFFC0];
	_ =	sdelay $0x4  }
0xee: {  	[tilespmem:s26+$0xFFFFF830] =	vst v0;
	v0 =	vadd.s32 $0x800, v0  }
0xef: {  	[tilespmem:s26+$0x30] =	vst v0  }
0xf0: {  	v0 =	vld [tilespmem:s12+$0xFFFFFFD0];
	_ =	sdelay $0x4  }
0xf1: {  	[tilespmem:s26+$0xFFFFF840] =	vst v0;
	v0 =	vadd.s32 $0x800, v0  }
0xf2: {  	[tilespmem:s26+$0x40] =	vst v0  }
0xf3: {  	v0 =	vld [tilespmem:s12+$0xFFFFFFE0];
	_ =	sdelay $0x4  }
0xf4: {  	[tilespmem:s26+$0xFFFFF850] =	vst v0;
	v0 =	vadd.s32 $0x800, v0  }
0xf5: {  	[tilespmem:s26+$0x50] =	vst v0  }
0xf6: {  	v0 =	vld [tilespmem:s12+$0xFFFFFFF0];
	_ =	sdelay $0x4  }
0xf7: {  	[tilespmem:s26+$0xFFFFF860] =	vst v0;
	v0 =	vadd.s32 $0x800, v0  }
0xf8: {  	[tilespmem:s26+$0x60] =	vst v0  }
0xf9: {  	v0 =	vld [tilespmem:s12+$0x0];
	_ =	sdelay $0x1  }
.Ltmp3:
0xfa: {  	(pc) =	sbr.rel @p0 .LBB2_8-.Ltmp3, $3  }
0xfb: {  	_ =	sdelay $0x1  }
0xfc: {  	[tilespmem:s26+$0xFFFFF870] =	vst v0;
	v0 =	vadd.s32 $0x800, v0  }
0xfd: {  	s12 =	sadd.s32 $0x80, s12;
	[tilespmem:s26+$0x70] =	vst v0  }
0xfe: {  	_ =	strace $0x9000004C  }
0xff: {  	[tilespmem:s0], [sflag:$0x4] =	stream.indirect.gather [hbm4b:s3+s23], $0x1, s31, s23, $0xb8;
	[tilespmem:$0xC000] =	vst v63  }
0x100: {  	_ =	strace $0x8000004D  }
0x101: {  	_ =	swait.ge [sflag:s2], $0x1000  }
0x102: {  	[sflag:s2] =	ssyncset.done $0x0  }
0x103: {  	[sflag:s2] =	ssyncadd.s32 $0xFFFFF000  }
0x104: {  	_ =	strace $0x9000004D  }
0x105: {  	_ =	strace $0x8000004E  }
0x106: {  	s11 =	rddreg [dreg:$0x4]  }
0x107: {  	[hbm4b:s11+s1] =	stream.linear.scatter [tilespmem:s25], [sflag:$0x5], $0x800, $0x200038;
	[tilespmem:$0xC000] =	vst v63  }
0x108: {  	_ =	swait.ge [sflag:s22], $0x800  }
0x109: {  	[sflag:s22] =	ssyncset.done $0x0  }
0x10a: {  	s26 =	rddreg [dreg:$0x5];
	[sflag:s22] =	ssyncadd.s32 $0xFFFFF800  }
0x10b: {  	[hbm4b:s26+s1] =	stream.linear.scatter [tilespmem:s4], [sflag:$0x5], $0x800, $0x200038;
	[tilespmem:$0xC000] =	vst v63  }
0x10c: {  	_ =	swait.ge [sflag:s22], $0x800  }
0x10d: {  	[sflag:s22] =	ssyncset.done $0x0  }
0x10e: {  	[sflag:s22] =	ssyncadd.s32 $0xFFFFF800  }
0x10f: {  	_ =	strace $0x9000004E  }
0x110: {  	s12 =	simm.s32 $0x2070;
	_ =	strace $0x8000004F  }
0x111: {  	v0 =	vld [tilespmem:s12+$0xFFFFFF90];
	_ =	sdelay $0x3  }
0x112: {  	s26 =	simm.s32 $0x4800  }
0x113: {  	[tilespmem:s26+$0xFFFFF800] =	vst v0;
	v0 =	vadd.s32 $0x800, v0  }
0x114: {  	[tilespmem:s26+$0x0] =	vst v0  }
0x115: {  	v0 =	vld [tilespmem:s12+$0xFFFFFFA0];
	_ =	sdelay $0x4  }
0x116: {  	[tilespmem:s26+$0xFFFFF810] =	vst v0;
	v0 =	vadd.s32 $0x800, v0  }
0x117: {  	[tilespmem:s26+$0x10] =	vst v0  }
0x118: {  	v0 =	vld [tilespmem:s12+$0xFFFFFFB0];
	_ =	sdelay $0x4  }
0x119: {  	[tilespmem:s26+$0xFFFFF820] =	vst v0;
	v0 =	vadd.s32 $0x800, v0  }
0x11a: {  	[tilespmem:s26+$0x20] =	vst v0  }
0x11b: {  	v0 =	vld [tilespmem:s12+$0xFFFFFFC0];
	_ =	sdelay $0x4  }
0x11c: {  	[tilespmem:s26+$0xFFFFF830] =	vst v0;
	v0 =	vadd.s32 $0x800, v0  }
0x11d: {  	[tilespmem:s26+$0x30] =	vst v0  }
0x11e: {  	v0 =	vld [tilespmem:s12+$0xFFFFFFD0];
	_ =	sdelay $0x4  }
0x11f: {  	[tilespmem:s26+$0xFFFFF840] =	vst v0;
	v0 =	vadd.s32 $0x800, v0  }
0x120: {  	[tilespmem:s26+$0x40] =	vst v0  }
0x121: {  	v0 =	vld [tilespmem:s12+$0xFFFFFFE0];
	_ =	sdelay $0x4  }
0x122: {  	[tilespmem:s26+$0xFFFFF850] =	vst v0;
	v0 =	vadd.s32 $0x800, v0  }
0x123: {  	[tilespmem:s26+$0x50] =	vst v0  }
0x124: {  	v0 =	vld [tilespmem:s12+$0xFFFFFFF0];
	_ =	sdelay $0x4  }
0x125: {  	[tilespmem:s26+$0xFFFFF860] =	vst v0;
	v0 =	vadd.s32 $0x800, v0  }
0x126: {  	[tilespmem:s26+$0x60] =	vst v0  }
0x127: {  	v0 =	vld [tilespmem:s12+$0x0];
	_ =	sdelay $0x4  }
0x128: {  	[tilespmem:s26+$0xFFFFF870] =	vst v0;
	v0 =	vadd.s32 $0x800, v0  }
0x129: {  	s11 =	simm.s32 $0x0;
	s12 =	simm.s32 $0x20F0;
	[tilespmem:s26+$0x70] =	vst v0  }
.LBB2_10:
0x12a: {  	v0 =	vld [tilespmem:s12+$0xFFFFFF90];
	s11 =	sadd.s32 $0x8, s11  }
0x12b: {  	p0 =	slt.u32 s11, $0x78;
	_ =	sdelay $0x2  }
0x12c: {  	s26 =	sadd.s32 $0x80, s26  }
0x12d: {  	[tilespmem:s26+$0xFFFFF800] =	vst v0;
	v0 =	vadd.s32 $0x800, v0  }
0x12e: {  	[tilespmem:s26+$0x0] =	vst v0  }
0x12f: {  	v0 =	vld [tilespmem:s12+$0xFFFFFFA0];
	_ =	sdelay $0x4  }
0x130: {  	[tilespmem:s26+$0xFFFFF810] =	vst v0;
	v0 =	vadd.s32 $0x800, v0  }
0x131: {  	[tilespmem:s26+$0x10] =	vst v0  }
0x132: {  	v0 =	vld [tilespmem:s12+$0xFFFFFFB0];
	_ =	sdelay $0x4  }
0x133: {  	[tilespmem:s26+$0xFFFFF820] =	vst v0;
	v0 =	vadd.s32 $0x800, v0  }
0x134: {  	[tilespmem:s26+$0x20] =	vst v0  }
0x135: {  	v0 =	vld [tilespmem:s12+$0xFFFFFFC0];
	_ =	sdelay $0x4  }
0x136: {  	[tilespmem:s26+$0xFFFFF830] =	vst v0;
	v0 =	vadd.s32 $0x800, v0  }
0x137: {  	[tilespmem:s26+$0x30] =	vst v0  }
0x138: {  	v0 =	vld [tilespmem:s12+$0xFFFFFFD0];
	_ =	sdelay $0x4  }
0x139: {  	[tilespmem:s26+$0xFFFFF840] =	vst v0;
	v0 =	vadd.s32 $0x800, v0  }
0x13a: {  	[tilespmem:s26+$0x40] =	vst v0  }
0x13b: {  	v0 =	vld [tilespmem:s12+$0xFFFFFFE0];
	_ =	sdelay $0x4  }
0x13c: {  	[tilespmem:s26+$0xFFFFF850] =	vst v0;
	v0 =	vadd.s32 $0x800, v0  }
0x13d: {  	[tilespmem:s26+$0x50] =	vst v0  }
0x13e: {  	v0 =	vld [tilespmem:s12+$0xFFFFFFF0];
	_ =	sdelay $0x4  }
0x13f: {  	[tilespmem:s26+$0xFFFFF860] =	vst v0;
	v0 =	vadd.s32 $0x800, v0  }
0x140: {  	[tilespmem:s26+$0x60] =	vst v0  }
0x141: {  	v0 =	vld [tilespmem:s12+$0x0];
	_ =	sdelay $0x1  }
.Ltmp4:
0x142: {  	(pc) =	sbr.rel @p0 .LBB2_10-.Ltmp4, $3  }
0x143: {  	_ =	sdelay $0x1  }
0x144: {  	[tilespmem:s26+$0xFFFFF870] =	vst v0;
	v0 =	vadd.s32 $0x800, v0  }
0x145: {  	s12 =	sadd.s32 $0x80, s12;
	[tilespmem:s26+$0x70] =	vst v0  }
0x146: {  	_ =	strace $0x9000004F;
	s11 =	simm.s32 $0x4000  }
0x147: {  	[tilespmem:s25], [sflag:$0x1] =	stream.indirect.gather [hbm4b:s3+s23], $0x1, s11, s23, $0xb8;
	[tilespmem:$0xC000] =	vst v63  }
0x148: {  	_ =	strace $0x80000050  }
0x149: {  	_ =	swait.ge [sflag:s5], $0x1000  }
0x14a: {  	[sflag:s5] =	ssyncset.done $0x0  }
0x14b: {  	[sflag:s5] =	ssyncadd.s32 $0xFFFFF000  }
0x14c: {  	_ =	strace $0x90000050  }
0x14d: {  	_ =	strace $0x80000051  }
0x14e: {  	s12 =	rddreg [dreg:$0x6]  }
0x14f: {  	[hbm4b:s12+s1] =	stream.linear.scatter [tilespmem:s28], [sflag:$0x5], $0x800, $0x200038;
	[tilespmem:$0xC000] =	vst v63  }
0x150: {  	_ =	swait.ge [sflag:s22], $0x800  }
0x151: {  	[sflag:s22] =	ssyncset.done $0x0  }
0x152: {  	s26 =	rddreg [dreg:$0x7];
	[sflag:s22] =	ssyncadd.s32 $0xFFFFF800  }
0x153: {  	[hbm4b:s26+s1] =	stream.linear.scatter [tilespmem:s6], [sflag:$0x5], $0x800, $0x200038;
	[tilespmem:$0xC000] =	vst v63  }
0x154: {  	_ =	swait.ge [sflag:s22], $0x800  }
0x155: {  	[sflag:s22] =	ssyncset.done $0x0  }
0x156: {  	[sflag:s22] =	ssyncadd.s32 $0xFFFFF800  }
0x157: {  	_ =	strace $0x90000051  }
0x158: {  	s12 =	simm.s32 $0x2870;
	_ =	strace $0x80000052  }
0x159: {  	v0 =	vld [tilespmem:s12+$0xFFFFFF90];
	_ =	sdelay $0x3  }
0x15a: {  	s26 =	simm.s32 $0x5800  }
0x15b: {  	[tilespmem:s26+$0xFFFFF800] =	vst v0;
	v0 =	vadd.s32 $0x800, v0  }
0x15c: {  	[tilespmem:s26+$0x0] =	vst v0  }
0x15d: {  	v0 =	vld [tilespmem:s12+$0xFFFFFFA0];
	_ =	sdelay $0x4  }
0x15e: {  	[tilespmem:s26+$0xFFFFF810] =	vst v0;
	v0 =	vadd.s32 $0x800, v0  }
0x15f: {  	[tilespmem:s26+$0x10] =	vst v0  }
0x160: {  	v0 =	vld [tilespmem:s12+$0xFFFFFFB0];
	_ =	sdelay $0x4  }
0x161: {  	[tilespmem:s26+$0xFFFFF820] =	vst v0;
	v0 =	vadd.s32 $0x800, v0  }
0x162: {  	[tilespmem:s26+$0x20] =	vst v0  }
0x163: {  	v0 =	vld [tilespmem:s12+$0xFFFFFFC0];
	_ =	sdelay $0x4  }
0x164: {  	[tilespmem:s26+$0xFFFFF830] =	vst v0;
	v0 =	vadd.s32 $0x800, v0  }
0x165: {  	[tilespmem:s26+$0x30] =	vst v0  }
0x166: {  	v0 =	vld [tilespmem:s12+$0xFFFFFFD0];
	_ =	sdelay $0x4  }
0x167: {  	[tilespmem:s26+$0xFFFFF840] =	vst v0;
	v0 =	vadd.s32 $0x800, v0  }
0x168: {  	[tilespmem:s26+$0x40] =	vst v0  }
0x169: {  	v0 =	vld [tilespmem:s12+$0xFFFFFFE0];
	_ =	sdelay $0x4  }
0x16a: {  	[tilespmem:s26+$0xFFFFF850] =	vst v0;
	v0 =	vadd.s32 $0x800, v0  }
0x16b: {  	[tilespmem:s26+$0x50] =	vst v0  }
0x16c: {  	v0 =	vld [tilespmem:s12+$0xFFFFFFF0];
	_ =	sdelay $0x4  }
0x16d: {  	[tilespmem:s26+$0xFFFFF860] =	vst v0;
	v0 =	vadd.s32 $0x800, v0  }
0x16e: {  	[tilespmem:s26+$0x60] =	vst v0  }
0x16f: {  	v0 =	vld [tilespmem:s12+$0x0];
	_ =	sdelay $0x4  }
0x170: {  	[tilespmem:s26+$0xFFFFF870] =	vst v0;
	v0 =	vadd.s32 $0x800, v0  }
0x171: {  	s11 =	simm.s32 $0x0;
	s12 =	simm.s32 $0x28F0;
	[tilespmem:s26+$0x70] =	vst v0  }
.LBB2_12:
0x172: {  	v0 =	vld [tilespmem:s12+$0xFFFFFF90];
	s11 =	sadd.s32 $0x8, s11  }
0x173: {  	p0 =	slt.u32 s11, $0x78;
	_ =	sdelay $0x2  }
0x174: {  	s26 =	sadd.s32 $0x80, s26  }
0x175: {  	[tilespmem:s26+$0xFFFFF800] =	vst v0;
	v0 =	vadd.s32 $0x800, v0  }
0x176: {  	[tilespmem:s26+$0x0] =	vst v0  }
0x177: {  	v0 =	vld [tilespmem:s12+$0xFFFFFFA0];
	_ =	sdelay $0x4  }
0x178: {  	[tilespmem:s26+$0xFFFFF810] =	vst v0;
	v0 =	vadd.s32 $0x800, v0  }
0x179: {  	[tilespmem:s26+$0x10] =	vst v0  }
0x17a: {  	v0 =	vld [tilespmem:s12+$0xFFFFFFB0];
	_ =	sdelay $0x4  }
0x17b: {  	[tilespmem:s26+$0xFFFFF820] =	vst v0;
	v0 =	vadd.s32 $0x800, v0  }
0x17c: {  	[tilespmem:s26+$0x20] =	vst v0  }
0x17d: {  	v0 =	vld [tilespmem:s12+$0xFFFFFFC0];
	_ =	sdelay $0x4  }
0x17e: {  	[tilespmem:s26+$0xFFFFF830] =	vst v0;
	v0 =	vadd.s32 $0x800, v0  }
0x17f: {  	[tilespmem:s26+$0x30] =	vst v0  }
0x180: {  	v0 =	vld [tilespmem:s12+$0xFFFFFFD0];
	_ =	sdelay $0x4  }
0x181: {  	[tilespmem:s26+$0xFFFFF840] =	vst v0;
	v0 =	vadd.s32 $0x800, v0  }
0x182: {  	[tilespmem:s26+$0x40] =	vst v0  }
0x183: {  	v0 =	vld [tilespmem:s12+$0xFFFFFFE0];
	_ =	sdelay $0x4  }
0x184: {  	[tilespmem:s26+$0xFFFFF850] =	vst v0;
	v0 =	vadd.s32 $0x800, v0  }
0x185: {  	[tilespmem:s26+$0x50] =	vst v0  }
0x186: {  	v0 =	vld [tilespmem:s12+$0xFFFFFFF0];
	_ =	sdelay $0x4  }
0x187: {  	[tilespmem:s26+$0xFFFFF860] =	vst v0;
	v0 =	vadd.s32 $0x800, v0  }
0x188: {  	[tilespmem:s26+$0x60] =	vst v0  }
0x189: {  	v0 =	vld [tilespmem:s12+$0x0];
	_ =	sdelay $0x1  }
.Ltmp5:
0x18a: {  	(pc) =	sbr.rel @p0 .LBB2_12-.Ltmp5, $3  }
0x18b: {  	_ =	sdelay $0x1  }
0x18c: {  	[tilespmem:s26+$0xFFFFF870] =	vst v0;
	v0 =	vadd.s32 $0x800, v0  }
0x18d: {  	s12 =	sadd.s32 $0x80, s12;
	[tilespmem:s26+$0x70] =	vst v0  }
0x18e: {  	_ =	strace $0x90000052;
	s11 =	simm.s32 $0x5000  }
0x18f: {  	[tilespmem:s28], [sflag:$0x2] =	stream.indirect.gather [hbm4b:s3+s23], $0x1, s11, s23, $0xb8;
	[tilespmem:$0xC000] =	vst v63  }
0x190: {  	_ =	strace $0x80000053  }
0x191: {  	_ =	swait.ge [sflag:s7], $0x1000  }
0x192: {  	[sflag:s7] =	ssyncset.done $0x0  }
0x193: {  	[sflag:s7] =	ssyncadd.s32 $0xFFFFF000  }
0x194: {  	_ =	strace $0x90000053  }
0x195: {  	_ =	strace $0x80000054  }
0x196: {  	s12 =	rddreg [dreg:$0x8]  }
0x197: {  	[hbm4b:s12+s1] =	stream.linear.scatter [tilespmem:s30], [sflag:$0x5], $0x800, $0x200038;
	[tilespmem:$0xC000] =	vst v63  }
0x198: {  	_ =	swait.ge [sflag:s22], $0x800  }
0x199: {  	[sflag:s22] =	ssyncset.done $0x0  }
0x19a: {  	s26 =	rddreg [dreg:$0x9];
	[sflag:s22] =	ssyncadd.s32 $0xFFFFF800  }
0x19b: {  	[hbm4b:s26+s1] =	stream.linear.scatter [tilespmem:s8], [sflag:$0x5], $0x800, $0x200038;
	[tilespmem:$0xC000] =	vst v63  }
0x19c: {  	_ =	swait.ge [sflag:s22], $0x800  }
0x19d: {  	[sflag:s22] =	ssyncset.done $0x0  }
0x19e: {  	[sflag:s22] =	ssyncadd.s32 $0xFFFFF800  }
0x19f: {  	_ =	strace $0x90000054  }
0x1a0: {  	s12 =	simm.s32 $0x3070;
	_ =	strace $0x80000055  }
0x1a1: {  	v0 =	vld [tilespmem:s12+$0xFFFFFF90];
	_ =	sdelay $0x3  }
0x1a2: {  	s26 =	simm.s32 $0x6800  }
0x1a3: {  	[tilespmem:s26+$0xFFFFF800] =	vst v0;
	v0 =	vadd.s32 $0x800, v0  }
0x1a4: {  	[tilespmem:s26+$0x0] =	vst v0  }
0x1a5: {  	v0 =	vld [tilespmem:s12+$0xFFFFFFA0];
	_ =	sdelay $0x4  }
0x1a6: {  	[tilespmem:s26+$0xFFFFF810] =	vst v0;
	v0 =	vadd.s32 $0x800, v0  }
0x1a7: {  	[tilespmem:s26+$0x10] =	vst v0  }
0x1a8: {  	v0 =	vld [tilespmem:s12+$0xFFFFFFB0];
	_ =	sdelay $0x4  }
0x1a9: {  	[tilespmem:s26+$0xFFFFF820] =	vst v0;
	v0 =	vadd.s32 $0x800, v0  }
0x1aa: {  	[tilespmem:s26+$0x20] =	vst v0  }
0x1ab: {  	v0 =	vld [tilespmem:s12+$0xFFFFFFC0];
	_ =	sdelay $0x4  }
0x1ac: {  	[tilespmem:s26+$0xFFFFF830] =	vst v0;
	v0 =	vadd.s32 $0x800, v0  }
0x1ad: {  	[tilespmem:s26+$0x30] =	vst v0  }
0x1ae: {  	v0 =	vld [tilespmem:s12+$0xFFFFFFD0];
	_ =	sdelay $0x4  }
0x1af: {  	[tilespmem:s26+$0xFFFFF840] =	vst v0;
	v0 =	vadd.s32 $0x800, v0  }
0x1b0: {  	[tilespmem:s26+$0x40] =	vst v0  }
0x1b1: {  	v0 =	vld [tilespmem:s12+$0xFFFFFFE0];
	_ =	sdelay $0x4  }
0x1b2: {  	[tilespmem:s26+$0xFFFFF850] =	vst v0;
	v0 =	vadd.s32 $0x800, v0  }
0x1b3: {  	[tilespmem:s26+$0x50] =	vst v0  }
0x1b4: {  	v0 =	vld [tilespmem:s12+$0xFFFFFFF0];
	_ =	sdelay $0x4  }
0x1b5: {  	[tilespmem:s26+$0xFFFFF860] =	vst v0;
	v0 =	vadd.s32 $0x800, v0  }
0x1b6: {  	[tilespmem:s26+$0x60] =	vst v0  }
0x1b7: {  	v0 =	vld [tilespmem:s12+$0x0];
	_ =	sdelay $0x4  }
0x1b8: {  	[tilespmem:s26+$0xFFFFF870] =	vst v0;
	v0 =	vadd.s32 $0x800, v0  }
0x1b9: {  	s11 =	simm.s32 $0x0;
	s12 =	simm.s32 $0x30F0;
	[tilespmem:s26+$0x70] =	vst v0  }
.LBB2_14:
0x1ba: {  	v0 =	vld [tilespmem:s12+$0xFFFFFF90];
	s11 =	sadd.s32 $0x8, s11  }
0x1bb: {  	p0 =	slt.u32 s11, $0x78;
	_ =	sdelay $0x2  }
0x1bc: {  	s26 =	sadd.s32 $0x80, s26  }
0x1bd: {  	[tilespmem:s26+$0xFFFFF800] =	vst v0;
	v0 =	vadd.s32 $0x800, v0  }
0x1be: {  	[tilespmem:s26+$0x0] =	vst v0  }
0x1bf: {  	v0 =	vld [tilespmem:s12+$0xFFFFFFA0];
	_ =	sdelay $0x4  }
0x1c0: {  	[tilespmem:s26+$0xFFFFF810] =	vst v0;
	v0 =	vadd.s32 $0x800, v0  }
0x1c1: {  	[tilespmem:s26+$0x10] =	vst v0  }
0x1c2: {  	v0 =	vld [tilespmem:s12+$0xFFFFFFB0];
	_ =	sdelay $0x4  }
0x1c3: {  	[tilespmem:s26+$0xFFFFF820] =	vst v0;
	v0 =	vadd.s32 $0x800, v0  }
0x1c4: {  	[tilespmem:s26+$0x20] =	vst v0  }
0x1c5: {  	v0 =	vld [tilespmem:s12+$0xFFFFFFC0];
	_ =	sdelay $0x4  }
0x1c6: {  	[tilespmem:s26+$0xFFFFF830] =	vst v0;
	v0 =	vadd.s32 $0x800, v0  }
0x1c7: {  	[tilespmem:s26+$0x30] =	vst v0  }
0x1c8: {  	v0 =	vld [tilespmem:s12+$0xFFFFFFD0];
	_ =	sdelay $0x4  }
0x1c9: {  	[tilespmem:s26+$0xFFFFF840] =	vst v0;
	v0 =	vadd.s32 $0x800, v0  }
0x1ca: {  	[tilespmem:s26+$0x40] =	vst v0  }
0x1cb: {  	v0 =	vld [tilespmem:s12+$0xFFFFFFE0];
	_ =	sdelay $0x4  }
0x1cc: {  	[tilespmem:s26+$0xFFFFF850] =	vst v0;
	v0 =	vadd.s32 $0x800, v0  }
0x1cd: {  	[tilespmem:s26+$0x50] =	vst v0  }
0x1ce: {  	v0 =	vld [tilespmem:s12+$0xFFFFFFF0];
	_ =	sdelay $0x4  }
0x1cf: {  	[tilespmem:s26+$0xFFFFF860] =	vst v0;
	v0 =	vadd.s32 $0x800, v0  }
0x1d0: {  	[tilespmem:s26+$0x60] =	vst v0  }
0x1d1: {  	v0 =	vld [tilespmem:s12+$0x0];
	_ =	sdelay $0x1  }
.Ltmp6:
0x1d2: {  	(pc) =	sbr.rel @p0 .LBB2_14-.Ltmp6, $3  }
0x1d3: {  	_ =	sdelay $0x1  }
0x1d4: {  	[tilespmem:s26+$0xFFFFF870] =	vst v0;
	v0 =	vadd.s32 $0x800, v0  }
0x1d5: {  	s12 =	sadd.s32 $0x80, s12;
	[tilespmem:s26+$0x70] =	vst v0  }
0x1d6: {  	_ =	strace $0x90000055  }
0x1d7: {  	[tilespmem:s30], [sflag:$0x3] =	stream.indirect.gather [hbm4b:s3+s23], $0x1, s29, s23, $0xb8;
	[tilespmem:$0xC000] =	vst v63  }
0x1d8: {  	_ =	strace $0x80000056  }
0x1d9: {  	_ =	swait.ge [sflag:s24], $0x1000  }
0x1da: {  	[sflag:s24] =	ssyncset.done $0x0  }
0x1db: {  	[sflag:s24] =	ssyncadd.s32 $0xFFFFF000  }
0x1dc: {  	_ =	strace $0x90000056  }
0x1dd: {  	_ =	strace $0x80000057  }
0x1de: {  	s11 =	rddreg [dreg:$0xa]  }
0x1df: {  	[hbm4b:s11+s1] =	stream.linear.scatter [tilespmem:s0], [sflag:$0x5], $0x800, $0x200038;
	[tilespmem:$0xC000] =	vst v63  }
0x1e0: {  	_ =	swait.ge [sflag:s22], $0x800  }
0x1e1: {  	[sflag:s22] =	ssyncset.done $0x0  }
0x1e2: {  	s26 =	rddreg [dreg:$0xb];
	[sflag:s22] =	ssyncadd.s32 $0xFFFFF800  }
0x1e3: {  	[hbm4b:s26+s1] =	stream.linear.scatter [tilespmem:s9], [sflag:$0x5], $0x800, $0x200038;
	[tilespmem:$0xC000] =	vst v63  }
0x1e4: {  	_ =	swait.ge [sflag:s22], $0x800  }
0x1e5: {  	[sflag:s22] =	ssyncset.done $0x0  }
0x1e6: {  	[sflag:s22] =	ssyncadd.s32 $0xFFFFF800  }
0x1e7: {  	_ =	strace $0x90000057  }
0x1e8: {  	s12 =	simm.s32 $0x3870;
	_ =	strace $0x80000058  }
0x1e9: {  	v0 =	vld [tilespmem:s12+$0xFFFFFF90];
	_ =	sdelay $0x3  }
0x1ea: {  	s26 =	simm.s32 $0x7800  }
0x1eb: {  	[tilespmem:s26+$0xFFFFF800] =	vst v0;
	v0 =	vadd.s32 $0x800, v0  }
0x1ec: {  	[tilespmem:s26+$0x0] =	vst v0  }
0x1ed: {  	v0 =	vld [tilespmem:s12+$0xFFFFFFA0];
	_ =	sdelay $0x4  }
0x1ee: {  	[tilespmem:s26+$0xFFFFF810] =	vst v0;
	v0 =	vadd.s32 $0x800, v0  }
0x1ef: {  	[tilespmem:s26+$0x10] =	vst v0  }
0x1f0: {  	v0 =	vld [tilespmem:s12+$0xFFFFFFB0];
	_ =	sdelay $0x4  }
0x1f1: {  	[tilespmem:s26+$0xFFFFF820] =	vst v0;
	v0 =	vadd.s32 $0x800, v0  }
0x1f2: {  	[tilespmem:s26+$0x20] =	vst v0  }
0x1f3: {  	v0 =	vld [tilespmem:s12+$0xFFFFFFC0];
	_ =	sdelay $0x4  }
0x1f4: {  	[tilespmem:s26+$0xFFFFF830] =	vst v0;
	v0 =	vadd.s32 $0x800, v0  }
0x1f5: {  	[tilespmem:s26+$0x30] =	vst v0  }
0x1f6: {  	v0 =	vld [tilespmem:s12+$0xFFFFFFD0];
	_ =	sdelay $0x4  }
0x1f7: {  	[tilespmem:s26+$0xFFFFF840] =	vst v0;
	v0 =	vadd.s32 $0x800, v0  }
0x1f8: {  	[tilespmem:s26+$0x40] =	vst v0  }
0x1f9: {  	v0 =	vld [tilespmem:s12+$0xFFFFFFE0];
	_ =	sdelay $0x4  }
0x1fa: {  	[tilespmem:s26+$0xFFFFF850] =	vst v0;
	v0 =	vadd.s32 $0x800, v0  }
0x1fb: {  	[tilespmem:s26+$0x50] =	vst v0  }
0x1fc: {  	v0 =	vld [tilespmem:s12+$0xFFFFFFF0];
	_ =	sdelay $0x4  }
0x1fd: {  	[tilespmem:s26+$0xFFFFF860] =	vst v0;
	v0 =	vadd.s32 $0x800, v0  }
0x1fe: {  	[tilespmem:s26+$0x60] =	vst v0  }
0x1ff: {  	v0 =	vld [tilespmem:s12+$0x0];
	_ =	sdelay $0x4  }
0x200: {  	[tilespmem:s26+$0xFFFFF870] =	vst v0;
	v0 =	vadd.s32 $0x800, v0  }
0x201: {  	s11 =	simm.s32 $0x0;
	s12 =	simm.s32 $0x38F0;
	[tilespmem:s26+$0x70] =	vst v0  }
.LBB2_16:
0x202: {  	v0 =	vld [tilespmem:s12+$0xFFFFFF90];
	s11 =	sadd.s32 $0x8, s11  }
0x203: {  	p0 =	slt.u32 s11, $0x78;
	_ =	sdelay $0x2  }
0x204: {  	s26 =	sadd.s32 $0x80, s26  }
0x205: {  	[tilespmem:s26+$0xFFFFF800] =	vst v0;
	v0 =	vadd.s32 $0x800, v0  }
0x206: {  	[tilespmem:s26+$0x0] =	vst v0  }
0x207: {  	v0 =	vld [tilespmem:s12+$0xFFFFFFA0];
	_ =	sdelay $0x4  }
0x208: {  	[tilespmem:s26+$0xFFFFF810] =	vst v0;
	v0 =	vadd.s32 $0x800, v0  }
0x209: {  	[tilespmem:s26+$0x10] =	vst v0  }
0x20a: {  	v0 =	vld [tilespmem:s12+$0xFFFFFFB0];
	_ =	sdelay $0x4  }
0x20b: {  	[tilespmem:s26+$0xFFFFF820] =	vst v0;
	v0 =	vadd.s32 $0x800, v0  }
0x20c: {  	[tilespmem:s26+$0x20] =	vst v0  }
0x20d: {  	v0 =	vld [tilespmem:s12+$0xFFFFFFC0];
	_ =	sdelay $0x4  }
0x20e: {  	[tilespmem:s26+$0xFFFFF830] =	vst v0;
	v0 =	vadd.s32 $0x800, v0  }
0x20f: {  	[tilespmem:s26+$0x30] =	vst v0  }
0x210: {  	v0 =	vld [tilespmem:s12+$0xFFFFFFD0];
	_ =	sdelay $0x4  }
0x211: {  	[tilespmem:s26+$0xFFFFF840] =	vst v0;
	v0 =	vadd.s32 $0x800, v0  }
0x212: {  	[tilespmem:s26+$0x40] =	vst v0  }
0x213: {  	v0 =	vld [tilespmem:s12+$0xFFFFFFE0];
	_ =	sdelay $0x4  }
0x214: {  	[tilespmem:s26+$0xFFFFF850] =	vst v0;
	v0 =	vadd.s32 $0x800, v0  }
0x215: {  	[tilespmem:s26+$0x50] =	vst v0  }
0x216: {  	v0 =	vld [tilespmem:s12+$0xFFFFFFF0];
	_ =	sdelay $0x4  }
0x217: {  	[tilespmem:s26+$0xFFFFF860] =	vst v0;
	v0 =	vadd.s32 $0x800, v0  }
0x218: {  	[tilespmem:s26+$0x60] =	vst v0  }
0x219: {  	v0 =	vld [tilespmem:s12+$0x0];
	_ =	sdelay $0x1  }
.Ltmp7:
0x21a: {  	(pc) =	sbr.rel @p0 .LBB2_16-.Ltmp7, $3  }
0x21b: {  	_ =	sdelay $0x1  }
0x21c: {  	[tilespmem:s26+$0xFFFFF870] =	vst v0;
	v0 =	vadd.s32 $0x800, v0  }
0x21d: {  	s12 =	sadd.s32 $0x80, s12;
	[tilespmem:s26+$0x70] =	vst v0  }
0x21e: {  	_ =	strace $0x90000058  }
0x21f: {  	[tilespmem:s0], [sflag:$0x4] =	stream.indirect.gather [hbm4b:s3+s23], $0x1, s31, s23, $0xb8;
	[tilespmem:$0xC000] =	vst v63  }
0x220: {  	_ =	strace $0x80000059  }
0x221: {  	_ =	swait.ge [sflag:s2], $0x1000  }
0x222: {  	[sflag:s2] =	ssyncset.done $0x0  }
0x223: {  	[sflag:s2] =	ssyncadd.s32 $0xFFFFF000  }
0x224: {  	_ =	strace $0x90000059  }
0x225: {  	_ =	strace $0x8000005A  }
0x226: {  	[hbm4b:s13+s1] =	stream.linear.scatter [tilespmem:s25], [sflag:$0x5], $0x800, $0x200038;
	[tilespmem:$0xC000] =	vst v63  }
0x227: {  	_ =	swait.ge [sflag:s22], $0x800  }
0x228: {  	[sflag:s22] =	ssyncset.done $0x0  }
0x229: {  	[sflag:s22] =	ssyncadd.s32 $0xFFFFF800  }
0x22a: {  	[hbm4b:s14+s1] =	stream.linear.scatter [tilespmem:s4], [sflag:$0x5], $0x800, $0x200038;
	[tilespmem:$0xC000] =	vst v63  }
0x22b: {  	_ =	swait.ge [sflag:s22], $0x800  }
0x22c: {  	[sflag:s22] =	ssyncset.done $0x0  }
0x22d: {  	[sflag:s22] =	ssyncadd.s32 $0xFFFFF800  }
0x22e: {  	_ =	strace $0x9000005A  }
0x22f: {  	_ =	strace $0x8000005B  }
0x230: {  	_ =	swait.ge [sflag:s5], $0x1000  }
0x231: {  	[sflag:s5] =	ssyncset.done $0x0  }
0x232: {  	[sflag:s5] =	ssyncadd.s32 $0xFFFFF000  }
0x233: {  	_ =	strace $0x9000005B  }
0x234: {  	_ =	strace $0x8000005C  }
0x235: {  	[hbm4b:s15+s1] =	stream.linear.scatter [tilespmem:s28], [sflag:$0x5], $0x800, $0x200038;
	[tilespmem:$0xC000] =	vst v63  }
0x236: {  	_ =	swait.ge [sflag:s22], $0x800  }
0x237: {  	[sflag:s22] =	ssyncset.done $0x0  }
0x238: {  	[sflag:s22] =	ssyncadd.s32 $0xFFFFF800  }
0x239: {  	[hbm4b:s16+s1] =	stream.linear.scatter [tilespmem:s6], [sflag:$0x5], $0x800, $0x200038;
	[tilespmem:$0xC000] =	vst v63  }
0x23a: {  	_ =	swait.ge [sflag:s22], $0x800  }
0x23b: {  	[sflag:s22] =	ssyncset.done $0x0  }
0x23c: {  	[sflag:s22] =	ssyncadd.s32 $0xFFFFF800  }
0x23d: {  	_ =	strace $0x9000005C  }
0x23e: {  	_ =	strace $0x8000005D  }
0x23f: {  	_ =	swait.ge [sflag:s7], $0x1000  }
0x240: {  	[sflag:s7] =	ssyncset.done $0x0  }
0x241: {  	[sflag:s7] =	ssyncadd.s32 $0xFFFFF000  }
0x242: {  	_ =	strace $0x9000005D  }
0x243: {  	_ =	strace $0x8000005E  }
0x244: {  	[hbm4b:s17+s1] =	stream.linear.scatter [tilespmem:s30], [sflag:$0x5], $0x800, $0x200038;
	[tilespmem:$0xC000] =	vst v63  }
0x245: {  	_ =	swait.ge [sflag:s22], $0x800  }
0x246: {  	[sflag:s22] =	ssyncset.done $0x0  }
0x247: {  	[sflag:s22] =	ssyncadd.s32 $0xFFFFF800  }
0x248: {  	[hbm4b:s18+s1] =	stream.linear.scatter [tilespmem:s8], [sflag:$0x5], $0x800, $0x200038;
	[tilespmem:$0xC000] =	vst v63  }
0x249: {  	_ =	swait.ge [sflag:s22], $0x800  }
0x24a: {  	[sflag:s22] =	ssyncset.done $0x0  }
0x24b: {  	[sflag:s22] =	ssyncadd.s32 $0xFFFFF800  }
0x24c: {  	_ =	strace $0x9000005E  }
0x24d: {  	_ =	strace $0x8000005F  }
0x24e: {  	_ =	swait.ge [sflag:s24], $0x1000  }
0x24f: {  	[sflag:s24] =	ssyncset.done $0x0  }
0x250: {  	[sflag:s24] =	ssyncadd.s32 $0xFFFFF000  }
0x251: {  	_ =	strace $0x9000005F  }
0x252: {  	_ =	strace $0x80000060  }
0x253: {  	[hbm4b:s19+s1] =	stream.linear.scatter [tilespmem:s0], [sflag:$0x5], $0x800, $0x200038;
	[tilespmem:$0xC000] =	vst v63  }
0x254: {  	_ =	swait.ge [sflag:s22], $0x800  }
0x255: {  	s10 =	sadd.s32 $0x1, s10;
	[sflag:s22] =	ssyncset.done $0x0  }
0x256: {  	p0 =	sne.s32 s10, s21;
	[sflag:s22] =	ssyncadd.s32 $0xFFFFF800  }
0x257: {  	[hbm4b:s20+s1] =	stream.linear.scatter [tilespmem:s9], [sflag:$0x5], $0x800, $0x200038;
	[tilespmem:$0xC000] =	vst v63  }
.Ltmp8:
0x258: {  	_ = 	snop;
	(pc) =	sbr.rel @p0 .LBB2_1-.Ltmp8, $4  }
0x259: {  	_ =	swait.ge [sflag:s22], $0x800  }
0x25a: {  	[sflag:s22] =	ssyncset.done $0x0  }
0x25b: {  	[sflag:s22] =	ssyncadd.s32 $0xFFFFF800  }
0x25c: {  	_ =	strace $0x90000060  }
0x25d: {  	_ =	sfence.sel $0x180000  }
0x25e: {  	[bflag:$0x0] =	sbarrier.arrive $0xFFFF  }
0x25f: {  	_ =	strace $0x90000047  }
0x260: {  	s0 =	stileid.u32;
	[bflag:$0x2] =	sbarrier.arrive $0xFFFF  }
0x261: {  	p0 =	sne.s32 s0, $0x0;
	s0 =	rddreg [dreg:$0x2]  }
0x262: {  	s0 =	sadd.s32 @!p0 $0x100000, s0  }
0x263: {  	[sflag:s0] =	ssyncadd.tile.s32 @!p0 $0x1;
	_ =	shalt  }
.Lfunc_end2:
_tile_overlayer_lowered:
.L_overlay_start_2:
0x264: {  	(tag) =	ssettag $0x2  }
0x265: {  	s0 =	rddreg [dreg:$0x0];
	s2 =	stileid.u32  }
0x266: {  	s1 =	rddreg [dreg:$0x1];
	p0 =	sne.s32 s2, $0x0  }
0x267: {  	s3 =	rddreg [dreg:$0x2];
	[bflag:$0x3] =	sbarrier.arrive $0xFFFF;
	s2 =	simm.s32 @!p0 $0x1C05  }
0x268: {  	[timem:s3], [sflag:s2] =	dma.local @!p0 [hbm:s0], s1  }
0x269: {  	s0 =	simm.s32 @!p0 $0x5  }
0x26a: {  	_ =	swait.ge @!p0 [sflag:s0], s1  }
0x26b: {  	s1 =	ssub.s32 @!p0 $0x0, s1;
	[sflag:s0] =	ssyncset.done @!p0 $0x0  }
0x26c: {  	[sflag:s0] =	ssyncadd.s32 @!p0 s1  }
0x26d: {  	[bflag:$0x3] =	sbarrier.arrive $0xFFFF  }
0x26e: {  	_ =	shalt  }

</sc_bundles>
